<compile_context>
chip_gen: v7x
topology: tpu7x:2x2x1
jax: 0.10.2.dev20260603
libtpu: 0.0.44.dev20260713+nightly
codegen_flags: <defaults>
</compile_context>

<pallas_src>
import functools

import jax
import jax.numpy as jnp
from jax import lax
from jax.experimental import pallas as pl
from jax.experimental.pallas import tpu as pltpu
from jax.experimental.pallas import tpu_sc as plsc

N = 10000
E = 320000
F = 128
HID = 128
DE = 16
NCLS = 4

NC = 2
NS = 16
NPAD = 10240
RPT = NPAD // NS
EPC = E // NC
EPW = E // (NC * NS)
KH = 2000
KS = 80
NCHS = EPW // KS
KE = 200
NCHE = EPW // KE

_MESH = plsc.VectorSubcoreMesh(
    core_axis_name="c", subcore_axis_name="s", num_cores=NC, num_subcores=NS)



@functools.partial(
    pl.kernel,
    out_type=jax.ShapeDtypeStruct((NC, NPAD), jnp.float32),
    mesh=_MESH,
    scratch_types=[
        pltpu.VMEM((KH,), jnp.int32),
        pltpu.VMEM((KH,), jnp.float32),
        pltpu.VMEM((RPT,), jnp.float32),
        pltpu.VMEM_SHARED((NPAD,), jnp.float32),
    ],
)
def _sc_degree(dst_hbm, out_hbm, idx_v, ones_v, zero_v, deg_sh):
    c = lax.axis_index("c")
    s = lax.axis_index("s")

    def zfill(i, carry):
        zero_v[pl.ds(i * 16, 16)] = jnp.zeros((16,), jnp.float32)
        return carry

    lax.fori_loop(0, RPT // 16, zfill, None)

    def ofill(i, carry):
        ones_v[pl.ds(i * 16, 16)] = jnp.ones((16,), jnp.float32)
        return carry

    lax.fori_loop(0, KH // 16, ofill, None)

    pltpu.sync_copy(zero_v, deg_sh.at[pl.ds(s * RPT, RPT)])
    plsc.subcore_barrier()

    base = c * EPC + s * EPW

    def step(i, carry):
        pltpu.sync_copy(dst_hbm.at[pl.ds(base + i * KH, KH)], idx_v)
        pltpu.sync_copy(ones_v, deg_sh.at[idx_v], add=True)
        return carry

    lax.fori_loop(0, EPW // KH, step, None)

    plsc.subcore_barrier()
    pltpu.sync_copy(deg_sh.at[pl.ds(s * RPT, RPT)],
                    out_hbm.at[c, pl.ds(s * RPT, RPT)])


@functools.partial(
    pl.kernel,
    out_type=jax.ShapeDtypeStruct((NC, NPAD, F), jnp.float32),
    mesh=_MESH,
    scratch_types=[
        pltpu.VMEM((KS,), jnp.int32),
        pltpu.VMEM((KS,), jnp.int32),
        pltpu.VMEM((KS,), jnp.int32),
        pltpu.VMEM((KS,), jnp.int32),
        pltpu.VMEM((2, KS, F), jnp.float32),
        pltpu.VMEM_SHARED((NPAD, F), jnp.float32),
        pltpu.SemaphoreType.DMA,
        pltpu.SemaphoreType.DMA,
        pltpu.SemaphoreType.DMA,
        pltpu.SemaphoreType.DMA,
    ],
)
def _sc_scatter(y_hbm, src_hbm, dst_hbm, out_hbm, isrc0, isrc1, idst0, idst1,
                rows_v, acc_sh, is0, is1, gs0, gs1):
    c = lax.axis_index("c")
    s = lax.axis_index("s")

    def zfill(i, carry):
        r = i // (F // 16)
        k = i % (F // 16)
        rows_v[0, r, pl.ds(k * 16, 16)] = jnp.zeros((16,), jnp.float32)
        return carry

    lax.fori_loop(0, KS * (F // 16), zfill, None)
    for j in range(RPT // KS):
        pltpu.sync_copy(rows_v.at[0],
                        acc_sh.at[pl.ds(s * RPT + j * KS, KS)])
    plsc.subcore_barrier()

    base = c * EPC + s * EPW
    isrc = (isrc0, isrc1)
    idst = (idst0, idst1)
    isem = (is0, is1)
    gsem = (gs0, gs1)

    def stage_a(chunk, b):
        e0 = base + chunk * KS
        pltpu.async_copy(src_hbm.at[pl.ds(e0, KS)], isrc[b], isem[b])
        pltpu.async_copy(dst_hbm.at[pl.ds(e0, KS)], idst[b], isem[b])

    def stage_b(chunk, b):
        e0 = base + chunk * KS
        pltpu.make_async_copy(src_hbm.at[pl.ds(e0, KS)], isrc[b],
                              isem[b]).wait()
        pltpu.make_async_copy(dst_hbm.at[pl.ds(e0, KS)], idst[b],
                              isem[b]).wait()
        pltpu.async_copy(y_hbm.at[isrc[b]], rows_v.at[b], gsem[b])

    def stage_c(chunk, b):
        pltpu.make_async_copy(y_hbm.at[isrc[b]], rows_v.at[b],
                              gsem[b]).wait()
        pltpu.sync_copy(rows_v.at[b], acc_sh.at[idst[b]], add=True)

    stage_a(0, 0)
    stage_a(1, 1)
    stage_b(0, 0)

    def step(j, carry):
        ca = 1 + 2 * j
        stage_b(ca, 1)
        stage_c(ca - 1, 0)
        stage_a(ca + 1, 0)
        stage_b(ca + 1, 0)
        stage_c(ca, 1)
        stage_a(ca + 2, 1)
        return carry

    lax.fori_loop(0, (NCHS - 3) // 2, step, None)
    stage_b(NCHS - 2, 1)
    stage_c(NCHS - 3, 0)
    stage_a(NCHS - 1, 0)
    stage_b(NCHS - 1, 0)
    stage_c(NCHS - 2, 1)
    stage_c(NCHS - 1, 0)

    plsc.subcore_barrier()
    pltpu.sync_copy(acc_sh.at[pl.ds(s * RPT, RPT)],
                    out_hbm.at[c, pl.ds(s * RPT, RPT)])


def _make_sc_edge(e_base, e_count):
    epc = e_count // NC
    epw = e_count // (NC * NS)
    nche = epw // KE

    @functools.partial(
        pl.kernel,
        out_type=jax.ShapeDtypeStruct((e_count, F), jnp.float32),
        mesh=_MESH,
        scratch_types=[
            pltpu.VMEM((epw,), jnp.int32),
            pltpu.VMEM((epw,), jnp.int32),
            pltpu.VMEM((2, KE, F), jnp.float32),
            pltpu.SemaphoreType.DMA,
            pltpu.SemaphoreType.DMA,
            pltpu.SemaphoreType.DMA,
            pltpu.SemaphoreType.DMA,
        ],
    )
    def _sc_edge(p_hbm, q_hbm, src_hbm, dst_hbm, out_hbm, isrc_v, idst_v,
                 buf_v, gs0, gs1, ss0, ss1):
        c = lax.axis_index("c")
        s = lax.axis_index("s")
        gbase = e_base + c * epc + s * epw
        obase = c * epc + s * epw

        pltpu.sync_copy(src_hbm.at[pl.ds(gbase, epw)], isrc_v)
        pltpu.sync_copy(dst_hbm.at[pl.ds(gbase, epw)], idst_v)

        gsems = (gs0, gs1)
        ssems = (ss0, ss1)

        def _p_start(i, b):
            pltpu.async_copy(p_hbm.at[isrc_v.at[pl.ds(i * KE, KE)]],
                             buf_v.at[b], gsems[b])

        def _p_wait(i, b):
            pltpu.make_async_copy(p_hbm.at[isrc_v.at[pl.ds(i * KE, KE)]],
                                  buf_v.at[b], gsems[b]).wait()

        def _q_start(i, b):
            pltpu.async_copy(q_hbm.at[idst_v.at[pl.ds(i * KE, KE)]],
                             buf_v.at[b], gsems[b], add=True)

        def _store(i, b):
            pltpu.async_copy(buf_v.at[b],
                             out_hbm.at[pl.ds(obase + i * KE, KE)], ssems[b])

        def _store_wait(b):
            pltpu.make_async_copy(buf_v.at[b], out_hbm.at[pl.ds(obase, KE)],
                                  ssems[b]).wait()

        def _chunk_even(cc):
            _p_wait(cc, 0)
            _q_start(cc, 0)
            _store_wait(1)
            _p_start(cc + 1, 1)
            _p_wait(cc, 0)
            _store(cc, 0)

        def _chunk_odd(cc, start_next):
            _p_wait(cc, 1)
            _q_start(cc, 1)
            _store_wait(0)
            if start_next:
                _p_start(cc + 1, 0)
            _p_wait(cc, 1)
            _store(cc, 1)

        _p_start(0, 0)
        _store(1, 1)

        def step(j, carry):
            cc = 2 * j
            _chunk_even(cc)
            _chunk_odd(cc + 1, True)
            return carry

        if nche % 2 == 0:
            lax.fori_loop(0, (nche - 2) // 2, step, None)
            _chunk_even(nche - 2)
            _p_wait(nche - 1, 1)
            _q_start(nche - 1, 1)
            _p_wait(nche - 1, 1)
            _store(nche - 1, 1)
            _store_wait(0)
            _store_wait(1)
        else:
            lax.fori_loop(0, (nche - 3) // 2, step, None)
            _chunk_even(nche - 3)
            _chunk_odd(nche - 2, True)
            _p_wait(nche - 1, 0)
            _q_start(nche - 1, 0)
            _p_wait(nche - 1, 0)
            _store(nche - 1, 0)
            _store_wait(1)
            _store_wait(0)

    return _sc_edge


_sc_edge_half0 = _make_sc_edge(0, E // 2)
_sc_edge_half1 = _make_sc_edge(E // 2, E // 2)



def _prescale_body(x_ref, da_ref, db_ref, y_ref, dinv_ref):
    dinv = lax.rsqrt(da_ref[...] + db_ref[...] + 1.0)
    y_ref[...] = x_ref[...] * dinv
    dinv_ref[...] = dinv


def _tc_prescale(x, dega, degb):
    B = 1000
    return pl.pallas_call(
        _prescale_body,
        grid=(N // B,),
        in_specs=[
            pl.BlockSpec((B, F), lambda i: (i, 0)),
            pl.BlockSpec((B, 1), lambda i: (i, 0)),
            pl.BlockSpec((B, 1), lambda i: (i, 0)),
        ],
        out_specs=[
            pl.BlockSpec((B, F), lambda i: (i, 0)),
            pl.BlockSpec((B, 1), lambda i: (i, 0)),
        ],
        out_shape=[
            jax.ShapeDtypeStruct((N, F), jnp.float32),
            jax.ShapeDtypeStruct((N, 1), jnp.float32),
        ],
    )(x, dega, degb)


def _dense_body(sa_ref, sb_ref, x_ref, dinv_ref, wz_ref, bz_ref,
                wlz_ref, blz_ref, wh_ref, bh_ref, wlh_ref, blh_ref,
                w1s_ref, w1d_ref, p_ref, q_ref):
    dinv = dinv_ref[...]
    xa = dinv * (sa_ref[0] + sb_ref[0]) + (dinv * dinv) * x_ref[...]
    cz = jnp.dot(xa, wz_ref[...], preferred_element_type=jnp.float32)
    z = jax.nn.sigmoid(
        jnp.dot(cz + bz_ref[...], wlz_ref[...],
                preferred_element_type=jnp.float32) + blz_ref[...])
    ch = jnp.dot(xa, wh_ref[...], preferred_element_type=jnp.float32)
    ht = jnp.tanh(
        jnp.dot(ch + bh_ref[...], wlh_ref[...],
                preferred_element_type=jnp.float32) + blh_ref[...])
    h = (1.0 - z) * ht
    p_ref[...] = jnp.dot(h, w1s_ref[...], preferred_element_type=jnp.float32)
    q_ref[...] = jnp.dot(h, w1d_ref[...], preferred_element_type=jnp.float32)


def _tc_dense(s2, x, dinv, wz, bz, wlz, blz, wh, bh, wlh, blh, w1s, w1d):
    B = 1000
    row = lambda i: (i, 0)
    full = pl.BlockSpec((HID, HID), lambda i: (0, 0))
    bias = pl.BlockSpec((1, HID), lambda i: (0, 0))
    return pl.pallas_call(
        _dense_body,
        grid=(N // B,),
        in_specs=[
            pl.BlockSpec((1, B, F), lambda i: (0, i, 0)),
            pl.BlockSpec((1, B, F), lambda i: (1, i, 0)),
            pl.BlockSpec((B, F), row),
            pl.BlockSpec((B, 1), row),
            full, bias, full, bias, full, bias, full, bias, full, full,
        ],
        out_specs=[
            pl.BlockSpec((B, HID), row),
            pl.BlockSpec((B, HID), row),
        ],
        out_shape=[
            jax.ShapeDtypeStruct((N, HID), jnp.float32),
            jax.ShapeDtypeStruct((N, HID), jnp.float32),
        ],
    )(s2, s2, x, dinv, wz, bz, wlz, blz, wh, bh, wlh, blh, w1s, w1d)


def _emlp_body(t_ref, ea_ref, w1e_ref, b1_ref, w2_ref, b2_ref, o_ref):
    hid = jnp.maximum(
        t_ref[...]
        + jnp.dot(ea_ref[...], w1e_ref[...],
                  preferred_element_type=jnp.float32)
        + b1_ref[...], 0.0)
    o_ref[...] = jnp.dot(hid, w2_ref[...],
                         preferred_element_type=jnp.float32) + b2_ref[...]


def _tc_edge_mlp(t0, ea, w1e, b1, w2, b2):
    ne = t0.shape[0]
    B = 8000
    return pl.pallas_call(
        _emlp_body,
        grid=(ne // B,),
        in_specs=[
            pl.BlockSpec((B, F), lambda i: (i, 0)),
            pl.BlockSpec((B, DE), lambda i: (i, 0)),
            pl.BlockSpec((DE, HID), lambda i: (0, 0)),
            pl.BlockSpec((1, HID), lambda i: (0, 0)),
            pl.BlockSpec((HID, NCLS), lambda i: (0, 0)),
            pl.BlockSpec((1, NCLS), lambda i: (0, 0)),
        ],
        out_specs=pl.BlockSpec((B, NCLS), lambda i: (i, 0)),
        out_shape=jax.ShapeDtypeStruct((ne, NCLS), jnp.float32),
    )(t0, ea, w1e, b1, w2, b2)



def kernel(x, edge_index, edge_attr, Wz, bz, Wlz, blz, Wr, br, Wlr, blr,
           Wh, bh, Wlh, blh, W1, b1, W2, b2):
    src = edge_index[0]
    dst = edge_index[1]

    deg2 = _sc_degree(dst)
    dega = deg2[0].reshape(NPAD, 1)
    degb = deg2[1].reshape(NPAD, 1)

    y, dinv = _tc_prescale(x, dega, degb)

    s2 = _sc_scatter(y, src, dst)

    p, q = _tc_dense(
        s2, x, dinv,
        Wz, bz.reshape(1, HID), Wlz[:HID], blz.reshape(1, HID),
        Wh, bh.reshape(1, HID), Wlh[:HID], blh.reshape(1, HID),
        W1[:HID], W1[HID:2 * HID])

    w1e = W1[2 * HID:]
    b1r = b1.reshape(1, HID)
    b2r = b2.reshape(1, NCLS)
    eh = E // 2
    t0a = _sc_edge_half0(p, q, src, dst)
    t0b = _sc_edge_half1(p, q, src, dst)
    outa = _tc_edge_mlp(t0a, edge_attr[:eh], w1e, b1r, W2, b2r)
    outb = _tc_edge_mlp(t0b, edge_attr[eh:], w1e, b1r, W2, b2r)
    return jnp.concatenate([outa, outb], axis=0)

# --- scband reference (transcript-rebuilt; emitter-appended) ---
"""Pipeline reference for scband-temporal-gnn-57612691309353 (READ-ONLY COPY).

The authoritative reference and input builder live on the scoring server;
editing this copy changes nothing except your own understanding.
"""

import jax, jax.numpy as jnp
import numpy as np

N = 10000
E = 320000
F_IN = 128
HID = 128
D_EDGE = 16
NUM_CLASSES = 4


def _lin(k, fi, fo):
    return jax.random.normal(k, (fi, fo), dtype=jnp.float32) / np.sqrt(fi)


def setup_inputs(seed: int = 0) -> dict:
    key = jax.random.key(seed)
    ks = jax.random.split(key, 24)
    x = jax.random.normal(ks[0], (N, F_IN), dtype=jnp.float32)
    edge_index = jax.random.randint(ks[1], (2, E), 0, N, dtype=jnp.int32)
    edge_attr = jax.random.normal(ks[2], (E, D_EDGE), dtype=jnp.float32)
    inp = {
        'x': x,
        'edge_index': edge_index,
        'edge_attr': edge_attr,
        # TGCN2 update gate: GCNConv + Linear(2*HID -> HID)
        'Wz': _lin(ks[3], F_IN, HID), 'bz': jnp.zeros((HID,), jnp.float32),
        'Wlz': _lin(ks[4], 2 * HID, HID), 'blz': jnp.zeros((HID,), jnp.float32),
        # reset gate
        'Wr': _lin(ks[5], F_IN, HID), 'br': jnp.zeros((HID,), jnp.float32),
        'Wlr': _lin(ks[6], 2 * HID, HID), 'blr': jnp.zeros((HID,), jnp.float32),
        # candidate state
        'Wh': _lin(ks[7], F_IN, HID), 'bh': jnp.zeros((HID,), jnp.float32),
        'Wlh': _lin(ks[8], 2 * HID, HID), 'blh': jnp.zeros((HID,), jnp.float32),
        # edge predictor MLP: Linear(2*HID + D_EDGE -> HID), ReLU, (Dropout eval=identity), Linear(HID -> NUM_CLASSES)
        'W1': _lin(ks[9], 2 * HID + D_EDGE, HID), 'b1': jnp.zeros((HID,), jnp.float32),
        'W2': _lin(ks[10], HID, NUM_CLASSES), 'b2': jnp.zeros((NUM_CLASSES,), jnp.float32),
    }
    return inp


def _gcn_conv(x, src, dst, W, b, n):
    # GCNConv with add_self_loops=True, symmetric normalization, edge_weight=1
    loop = jnp.arange(n, dtype=src.dtype)
    row = jnp.concatenate([src, loop])
    col = jnp.concatenate([dst, loop])
    deg = jnp.zeros((n,), jnp.float32).at[col].add(1.0)
    dinv = jnp.where(deg > 0, 1.0 / jnp.sqrt(deg), 0.0)
    norm = dinv[row] * dinv[col]
    xw = x @ W
    msg = xw[row] * norm[:, None]
    out = jnp.zeros((n, W.shape[1]), jnp.float32).at[col].add(msg)
    return out + b


def reference(x, edge_index, edge_attr, Wz, bz, Wlz, blz, Wr, br, Wlr, blr, Wh, bh, Wlh, blh, W1, b1, W2, b2):
    src, dst = edge_index[0], edge_index[1]
    n = x.shape[0]
    # TGCN cell with H initialized to zeros (single step)
    H = jnp.zeros((n, HID), jnp.float32)
    Z = jax.nn.sigmoid(jnp.concatenate([_gcn_conv(x, src, dst, Wz, bz, n), H], axis=1) @ Wlz + blz)
    R = jax.nn.sigmoid(jnp.concatenate([_gcn_conv(x, src, dst, Wr, br, n), H], axis=1) @ Wlr + blr)
    H_tilde = jnp.tanh(jnp.concatenate([_gcn_conv(x, src, dst, Wh, bh, n), H * R], axis=1) @ Wlh + blh)
    h = Z * H + (1.0 - Z) * H_tilde
    # edge predictor
    h_src = h[src]
    h_dst = h[dst]
    edge_emb = jnp.concatenate([h_src, h_dst, edge_attr], axis=1)
    hid = jax.nn.relu(edge_emb @ W1 + b1)
    out = hid @ W2 + b2
    return out

if __name__ == "__main__":
    import jax
    _d = setup_inputs()
    print(jax.jit(kernel)(*tuple(_d.values())))

</pallas_src>

<mosaic_0001>
#map = affine_map<(d0, d1) -> (0, 0)>
#map1 = affine_map<(d0, d1) -> (0)>
module attributes {stable_mosaic.version = 14 : i64} {
  func.func @_sc_edge(%arg0: i32, %arg1: i32, %arg2: memref<10000x128xf32, #tpu.memory_space<hbm>>, %arg3: memref<10000x128xf32, #tpu.memory_space<hbm>>, %arg4: memref<320000xi32, #tpu.memory_space<hbm>>, %arg5: memref<320000xi32, #tpu.memory_space<hbm>>, %arg6: memref<160000x128xf32, #tpu.memory_space<hbm>>, %arg7: memref<5000xi32, #tpu.memory_space<vmem>>, %arg8: memref<5000xi32, #tpu.memory_space<vmem>>, %arg9: memref<2x200x128xf32, #tpu.memory_space<vmem>>, %arg10: memref<!tpu.dma_semaphore, #tpu.memory_space<semaphore_mem>>, %arg11: memref<!tpu.dma_semaphore, #tpu.memory_space<semaphore_mem>>, %arg12: memref<!tpu.dma_semaphore, #tpu.memory_space<semaphore_mem>>, %arg13: memref<!tpu.dma_semaphore, #tpu.memory_space<semaphore_mem>>) attributes {dimension_semantics = [#tpu.dimension_semantics<core_parallel>, #tpu.dimension_semantics<subcore_parallel>], iteration_bounds = array<i64: 2, 16>, scalar_prefetch = 0 : i64, scratch_operands = 7 : i64, tpu.core_type = #tpu.core_type<sc_vector_subcore>, window_params = [{transform_indices = #map}, {transform_indices = #map}, {transform_indices = #map1}, {transform_indices = #map1}, {transform_indices = #map}]} {
    %mul3A = arith.constant 80000 : i32
    %mul3A_0 = arith.muli %arg0, %mul3A : i32
    %add3A = arith.constant 160000 : i32
    %add3A_1 = arith.addi %add3A, %mul3A_0 : i32
    %mul3A_2 = arith.constant 5000 : i32
    %mul3A_3 = arith.muli %arg1, %mul3A_2 : i32
    %add3A_4 = arith.addi %add3A_1, %mul3A_3 : i32
    %mul3A_5 = arith.constant 80000 : i32
    %mul3A_6 = arith.muli %arg0, %mul3A_5 : i32
    %mul3A_7 = arith.constant 5000 : i32
    %mul3A_8 = arith.muli %arg1, %mul3A_7 : i32
    %add3A_9 = arith.addi %mul3A_6, %mul3A_8 : i32
    "tpu.region"() ({
      %run_scoped3A = tpu.sem_alloc : memref<!tpu.dma_semaphore, #tpu.memory_space<semaphore_mem>>
      %dma_start3A_244 = tpu.memref_slice %arg4[%add3A_4] : memref<320000xi32, #tpu.memory_space<hbm>> -> memref<5000xi32, #tpu.memory_space<hbm>>
      %dma_start3A_245 = tpu.memref_slice %arg4[%add3A_4] : memref<320000xi32, #tpu.memory_space<hbm>> -> memref<5000xi32, #tpu.memory_space<hbm>>
      tpu.enqueue_dma source(%dma_start3A_245 : memref<5000xi32, #tpu.memory_space<hbm>>) target(%arg7 : memref<5000xi32, #tpu.memory_space<vmem>>) target_semaphore(%run_scoped3A : memref<!tpu.dma_semaphore, #tpu.memory_space<semaphore_mem>>)
      %dma_wait3A_246 = tpu.memref_slice %arg4[%add3A_4] : memref<320000xi32, #tpu.memory_space<hbm>> -> memref<5000xi32, #tpu.memory_space<hbm>>
      %dma_wait3A_247 = tpu.memref_slice %arg4[%add3A_4] : memref<320000xi32, #tpu.memory_space<hbm>> -> memref<5000xi32, #tpu.memory_space<hbm>>
      tpu.wait_dma2 semaphore(%run_scoped3A : memref<!tpu.dma_semaphore, #tpu.memory_space<semaphore_mem>>) src(%dma_wait3A_247 : memref<5000xi32, #tpu.memory_space<hbm>>) dst(%arg7 : memref<5000xi32, #tpu.memory_space<vmem>>)
      tpu.yield
    }) : () -> ()
    "tpu.region"() ({
      %run_scoped3A = tpu.sem_alloc : memref<!tpu.dma_semaphore, #tpu.memory_space<semaphore_mem>>
      %dma_start3A_244 = tpu.memref_slice %arg5[%add3A_4] : memref<320000xi32, #tpu.memory_space<hbm>> -> memref<5000xi32, #tpu.memory_space<hbm>>
      %dma_start3A_245 = tpu.memref_slice %arg5[%add3A_4] : memref<320000xi32, #tpu.memory_space<hbm>> -> memref<5000xi32, #tpu.memory_space<hbm>>
      tpu.enqueue_dma source(%dma_start3A_245 : memref<5000xi32, #tpu.memory_space<hbm>>) target(%arg8 : memref<5000xi32, #tpu.memory_space<vmem>>) target_semaphore(%run_scoped3A : memref<!tpu.dma_semaphore, #tpu.memory_space<semaphore_mem>>)
      %dma_wait3A_246 = tpu.memref_slice %arg5[%add3A_4] : memref<320000xi32, #tpu.memory_space<hbm>> -> memref<5000xi32, #tpu.memory_space<hbm>>
      %dma_wait3A_247 = tpu.memref_slice %arg5[%add3A_4] : memref<320000xi32, #tpu.memory_space<hbm>> -> memref<5000xi32, #tpu.memory_space<hbm>>
      tpu.wait_dma2 semaphore(%run_scoped3A : memref<!tpu.dma_semaphore, #tpu.memory_space<semaphore_mem>>) src(%dma_wait3A_247 : memref<5000xi32, #tpu.memory_space<hbm>>) dst(%arg8 : memref<5000xi32, #tpu.memory_space<vmem>>)
      tpu.yield
    }) : () -> ()
    %dma_start3A = arith.constant 0 : i32
    %dma_start3A_10 = arith.constant 0 : i32
    %dma_start3A_11 = arith.constant 0 : i32
    %dma_start3A_12 = tpu.memref_slice %arg9[%dma_start3A, %dma_start3A_10, %dma_start3A_11] : memref<2x200x128xf32, #tpu.memory_space<vmem>> -> memref<1x200x128xf32, #tpu.memory_space<vmem>>
    %dma_start3A_13 = tpu.memref_squeeze %dma_start3A_12 : memref<1x200x128xf32, #tpu.memory_space<vmem>> -> memref<200x128xf32, #tpu.memory_space<vmem>>
    %dma_start3A_14 = arith.constant 0 : i32
    %dma_start3A_15 = tpu.memref_slice %arg7[%dma_start3A_14] : memref<5000xi32, #tpu.memory_space<vmem>> -> memref<200xi32, #tpu.memory_space<vmem>>
    %dma_start3A_16 = arith.constant 0 : i32
    %dma_start3A_17 = arith.constant 0 : i32
    %dma_start3A_18 = tpu.memref_slice %arg2[%dma_start3A_16, %dma_start3A_17] : memref<10000x128xf32, #tpu.memory_space<hbm>> -> memref<10000x128xf32, #tpu.memory_space<hbm>>
    tpu.enqueue_indirect_dma source(%dma_start3A_18 : memref<10000x128xf32, #tpu.memory_space<hbm>>) target(%dma_start3A_13 : memref<200x128xf32, #tpu.memory_space<vmem>>) offsets(%dma_start3A_15 : memref<200xi32, #tpu.memory_space<vmem>>) semaphore(%arg10 : memref<!tpu.dma_semaphore, #tpu.memory_space<semaphore_mem>>)
    %add3A_19 = arith.constant 200 : i32
    %add3A_20 = arith.addi %add3A_9, %add3A_19 : i32
    %dma_start3A_21 = arith.constant 1 : i32
    %dma_start3A_22 = arith.constant 0 : i32
    %dma_start3A_23 = arith.constant 0 : i32
    %dma_start3A_24 = tpu.memref_slice %arg9[%dma_start3A_21, %dma_start3A_22, %dma_start3A_23] : memref<2x200x128xf32, #tpu.memory_space<vmem>> -> memref<1x200x128xf32, #tpu.memory_space<vmem>>
    %dma_start3A_25 = tpu.memref_squeeze %dma_start3A_24 : memref<1x200x128xf32, #tpu.memory_space<vmem>> -> memref<200x128xf32, #tpu.memory_space<vmem>>
    %dma_start3A_26 = arith.constant 0 : i32
    %dma_start3A_27 = tpu.memref_slice %arg6[%add3A_20, %dma_start3A_26] : memref<160000x128xf32, #tpu.memory_space<hbm>> -> memref<200x128xf32, #tpu.memory_space<hbm>>
    %dma_start3A_28 = arith.constant 0 : i32
    %dma_start3A_29 = tpu.memref_slice %arg6[%add3A_20, %dma_start3A_28] : memref<160000x128xf32, #tpu.memory_space<hbm>> -> memref<200x128xf32, #tpu.memory_space<hbm>>
    %dma_start3A_30 = arith.constant 0 : i32
    %dma_start3A_31 = arith.constant 0 : i32
    %dma_start3A_32 = tpu.memref_slice %arg9[%dma_start3A_21, %dma_start3A_30, %dma_start3A_31] : memref<2x200x128xf32, #tpu.memory_space<vmem>> -> memref<1x200x128xf32, #tpu.memory_space<vmem>>
    %dma_start3A_33 = tpu.memref_squeeze %dma_start3A_32 : memref<1x200x128xf32, #tpu.memory_space<vmem>> -> memref<200x128xf32, #tpu.memory_space<vmem>>
    tpu.enqueue_dma source(%dma_start3A_33 : memref<200x128xf32, #tpu.memory_space<vmem>>) target(%dma_start3A_29 : memref<200x128xf32, #tpu.memory_space<hbm>>) target_semaphore(%arg13 : memref<!tpu.dma_semaphore, #tpu.memory_space<semaphore_mem>>)
    %scan3A = arith.constant 0 : i32
    %scan3A_34 = arith.constant 11 : i32
    %scan3A_35 = arith.addi %scan3A, %scan3A_34 : i32
    %scan3A_36 = arith.constant 1 : i32
    scf.for %scan3A_244 = %scan3A to %scan3A_35 step %scan3A_36  : i32 {
      %mul3A_245 = arith.constant 2 : i32
      %mul3A_246 = arith.muli %mul3A_245, %scan3A_244 : i32
      %mul3A_247 = arith.constant 200 : i32
      %mul3A_248 = arith.muli %mul3A_246, %mul3A_247 : i32
      %dma_wait3A_249 = arith.constant 0 : i32
      %dma_wait3A_250 = arith.constant 0 : i32
      %dma_wait3A_251 = arith.constant 0 : i32
      %dma_wait3A_252 = tpu.memref_slice %arg9[%dma_wait3A_249, %dma_wait3A_250, %dma_wait3A_251] : memref<2x200x128xf32, #tpu.memory_space<vmem>> -> memref<1x200x128xf32, #tpu.memory_space<vmem>>
      %dma_wait3A_253 = tpu.memref_squeeze %dma_wait3A_252 : memref<1x200x128xf32, #tpu.memory_space<vmem>> -> memref<200x128xf32, #tpu.memory_space<vmem>>
      %dma_wait3A_254 = tpu.memref_slice %arg7[%mul3A_248] : memref<5000xi32, #tpu.memory_space<vmem>> -> memref<200xi32, #tpu.memory_space<vmem>>
      %dma_wait3A_255 = arith.constant 0 : i32
      %dma_wait3A_256 = arith.constant 0 : i32
      %dma_wait3A_257 = tpu.memref_slice %arg2[%dma_wait3A_255, %dma_wait3A_256] : memref<10000x128xf32, #tpu.memory_space<hbm>> -> memref<10000x128xf32, #tpu.memory_space<hbm>>
      tpu.wait_indirect_dma semaphore(%arg10 : memref<!tpu.dma_semaphore, #tpu.memory_space<semaphore_mem>>) src(%dma_wait3A_257 : memref<10000x128xf32, #tpu.memory_space<hbm>>) dst(%dma_wait3A_253 : memref<200x128xf32, #tpu.memory_space<vmem>>)
      %mul3A_258 = arith.constant 200 : i32
      %mul3A_259 = arith.muli %mul3A_246, %mul3A_258 : i32
      %dma_start3A_260 = arith.constant 0 : i32
      %dma_start3A_261 = arith.constant 0 : i32
      %dma_start3A_262 = arith.constant 0 : i32
      %dma_start3A_263 = tpu.memref_slice %arg9[%dma_start3A_260, %dma_start3A_261, %dma_start3A_262] : memref<2x200x128xf32, #tpu.memory_space<vmem>> -> memref<1x200x128xf32, #tpu.memory_space<vmem>>
      %dma_start3A_264 = tpu.memref_squeeze %dma_start3A_263 : memref<1x200x128xf32, #tpu.memory_space<vmem>> -> memref<200x128xf32, #tpu.memory_space<vmem>>
      %dma_start3A_265 = tpu.memref_slice %arg8[%mul3A_259] : memref<5000xi32, #tpu.memory_space<vmem>> -> memref<200xi32, #tpu.memory_space<vmem>>
      %dma_start3A_266 = arith.constant 0 : i32
      %dma_start3A_267 = arith.constant 0 : i32
      %dma_start3A_268 = tpu.memref_slice %arg3[%dma_start3A_266, %dma_start3A_267] : memref<10000x128xf32, #tpu.memory_space<hbm>> -> memref<10000x128xf32, #tpu.memory_space<hbm>>
      tpu.enqueue_indirect_dma source(%dma_start3A_268 : memref<10000x128xf32, #tpu.memory_space<hbm>>) target(%dma_start3A_264 : memref<200x128xf32, #tpu.memory_space<vmem>>) offsets(%dma_start3A_265 : memref<200xi32, #tpu.memory_space<vmem>>) semaphore(%arg10 : memref<!tpu.dma_semaphore, #tpu.memory_space<semaphore_mem>>) {add = true}
      %dma_wait3A_269 = arith.constant 1 : i32
      %dma_wait3A_270 = arith.constant 0 : i32
      %dma_wait3A_271 = arith.constant 0 : i32
      %dma_wait3A_272 = tpu.memref_slice %arg9[%dma_wait3A_269, %dma_wait3A_270, %dma_wait3A_271] : memref<2x200x128xf32, #tpu.memory_space<vmem>> -> memref<1x200x128xf32, #tpu.memory_space<vmem>>
      %dma_wait3A_273 = tpu.memref_squeeze %dma_wait3A_272 : memref<1x200x128xf32, #tpu.memory_space<vmem>> -> memref<200x128xf32, #tpu.memory_space<vmem>>
      %dma_wait3A_274 = arith.constant 0 : i32
      %dma_wait3A_275 = tpu.memref_slice %arg6[%add3A_9, %dma_wait3A_274] : memref<160000x128xf32, #tpu.memory_space<hbm>> -> memref<200x128xf32, #tpu.memory_space<hbm>>
      %dma_wait3A_276 = arith.constant 0 : i32
      %dma_wait3A_277 = tpu.memref_slice %arg6[%add3A_9, %dma_wait3A_276] : memref<160000x128xf32, #tpu.memory_space<hbm>> -> memref<200x128xf32, #tpu.memory_space<hbm>>
      %dma_wait3A_278 = arith.constant 0 : i32
      %dma_wait3A_279 = arith.constant 0 : i32
      %dma_wait3A_280 = tpu.memref_slice %arg9[%dma_wait3A_269, %dma_wait3A_278, %dma_wait3A_279] : memref<2x200x128xf32, #tpu.memory_space<vmem>> -> memref<1x200x128xf32, #tpu.memory_space<vmem>>
      %dma_wait3A_281 = tpu.memref_squeeze %dma_wait3A_280 : memref<1x200x128xf32, #tpu.memory_space<vmem>> -> memref<200x128xf32, #tpu.memory_space<vmem>>
      tpu.wait_dma2 semaphore(%arg13 : memref<!tpu.dma_semaphore, #tpu.memory_space<semaphore_mem>>) src(%dma_wait3A_281 : memref<200x128xf32, #tpu.memory_space<vmem>>) dst(%dma_wait3A_277 : memref<200x128xf32, #tpu.memory_space<hbm>>)
      %add3A_282 = arith.constant 1 : i32
      %add3A_283 = arith.addi %mul3A_246, %add3A_282 : i32
      %mul3A_284 = arith.constant 200 : i32
      %mul3A_285 = arith.muli %add3A_283, %mul3A_284 : i32
      %dma_start3A_286 = arith.constant 1 : i32
      %dma_start3A_287 = arith.constant 0 : i32
      %dma_start3A_288 = arith.constant 0 : i32
      %dma_start3A_289 = tpu.memref_slice %arg9[%dma_start3A_286, %dma_start3A_287, %dma_start3A_288] : memref<2x200x128xf32, #tpu.memory_space<vmem>> -> memref<1x200x128xf32, #tpu.memory_space<vmem>>
      %dma_start3A_290 = tpu.memref_squeeze %dma_start3A_289 : memref<1x200x128xf32, #tpu.memory_space<vmem>> -> memref<200x128xf32, #tpu.memory_space<vmem>>
      %dma_start3A_291 = tpu.memref_slice %arg7[%mul3A_285] : memref<5000xi32, #tpu.memory_space<vmem>> -> memref<200xi32, #tpu.memory_space<vmem>>
      %dma_start3A_292 = arith.constant 0 : i32
      %dma_start3A_293 = arith.constant 0 : i32
      %dma_start3A_294 = tpu.memref_slice %arg2[%dma_start3A_292, %dma_start3A_293] : memref<10000x128xf32, #tpu.memory_space<hbm>> -> memref<10000x128xf32, #tpu.memory_space<hbm>>
      tpu.enqueue_indirect_dma source(%dma_start3A_294 : memref<10000x128xf32, #tpu.memory_space<hbm>>) target(%dma_start3A_290 : memref<200x128xf32, #tpu.memory_space<vmem>>) offsets(%dma_start3A_291 : memref<200xi32, #tpu.memory_space<vmem>>) semaphore(%arg11 : memref<!tpu.dma_semaphore, #tpu.memory_space<semaphore_mem>>)
      %mul3A_295 = arith.constant 200 : i32
      %mul3A_296 = arith.muli %mul3A_246, %mul3A_295 : i32
      %dma_wait3A_297 = arith.constant 0 : i32
      %dma_wait3A_298 = arith.constant 0 : i32
      %dma_wait3A_299 = arith.constant 0 : i32
      %dma_wait3A_300 = tpu.memref_slice %arg9[%dma_wait3A_297, %dma_wait3A_298, %dma_wait3A_299] : memref<2x200x128xf32, #tpu.memory_space<vmem>> -> memref<1x200x128xf32, #tpu.memory_space<vmem>>
      %dma_wait3A_301 = tpu.memref_squeeze %dma_wait3A_300 : memref<1x200x128xf32, #tpu.memory_space<vmem>> -> memref<200x128xf32, #tpu.memory_space<vmem>>
      %dma_wait3A_302 = tpu.memref_slice %arg7[%mul3A_296] : memref<5000xi32, #tpu.memory_space<vmem>> -> memref<200xi32, #tpu.memory_space<vmem>>
      %dma_wait3A_303 = arith.constant 0 : i32
      %dma_wait3A_304 = arith.constant 0 : i32
      %dma_wait3A_305 = tpu.memref_slice %arg2[%dma_wait3A_303, %dma_wait3A_304] : memref<10000x128xf32, #tpu.memory_space<hbm>> -> memref<10000x128xf32, #tpu.memory_space<hbm>>
      tpu.wait_indirect_dma semaphore(%arg10 : memref<!tpu.dma_semaphore, #tpu.memory_space<semaphore_mem>>) src(%dma_wait3A_305 : memref<10000x128xf32, #tpu.memory_space<hbm>>) dst(%dma_wait3A_301 : memref<200x128xf32, #tpu.memory_space<vmem>>)
      %mul3A_306 = arith.constant 200 : i32
      %mul3A_307 = arith.muli %mul3A_246, %mul3A_306 : i32
      %add3A_308 = arith.addi %add3A_9, %mul3A_307 : i32
      %dma_start3A_309 = arith.constant 0 : i32
      %dma_start3A_310 = arith.constant 0 : i32
      %dma_start3A_311 = arith.constant 0 : i32
      %dma_start3A_312 = tpu.memref_slice %arg9[%dma_start3A_309, %dma_start3A_310, %dma_start3A_311] : memref<2x200x128xf32, #tpu.memory_space<vmem>> -> memref<1x200x128xf32, #tpu.memory_space<vmem>>
      %dma_start3A_313 = tpu.memref_squeeze %dma_start3A_312 : memref<1x200x128xf32, #tpu.memory_space<vmem>> -> memref<200x128xf32, #tpu.memory_space<vmem>>
      %dma_start3A_314 = arith.constant 0 : i32
      %dma_start3A_315 = tpu.memref_slice %arg6[%add3A_308, %dma_start3A_314] : memref<160000x128xf32, #tpu.memory_space<hbm>> -> memref<200x128xf32, #tpu.memory_space<hbm>>
      %dma_start3A_316 = arith.constant 0 : i32
      %dma_start3A_317 = tpu.memref_slice %arg6[%add3A_308, %dma_start3A_316] : memref<160000x128xf32, #tpu.memory_space<hbm>> -> memref<200x128xf32, #tpu.memory_space<hbm>>
      %dma_start3A_318 = arith.constant 0 : i32
      %dma_start3A_319 = arith.constant 0 : i32
      %dma_start3A_320 = tpu.memref_slice %arg9[%dma_start3A_309, %dma_start3A_318, %dma_start3A_319] : memref<2x200x128xf32, #tpu.memory_space<vmem>> -> memref<1x200x128xf32, #tpu.memory_space<vmem>>
      %dma_start3A_321 = tpu.memref_squeeze %dma_start3A_320 : memref<1x200x128xf32, #tpu.memory_space<vmem>> -> memref<200x128xf32, #tpu.memory_space<vmem>>
      tpu.enqueue_dma source(%dma_start3A_321 : memref<200x128xf32, #tpu.memory_space<vmem>>) target(%dma_start3A_317 : memref<200x128xf32, #tpu.memory_space<hbm>>) target_semaphore(%arg12 : memref<!tpu.dma_semaphore, #tpu.memory_space<semaphore_mem>>)
      %add3A_322 = arith.constant 1 : i32
      %add3A_323 = arith.addi %mul3A_246, %add3A_322 : i32
      %mul3A_324 = arith.constant 200 : i32
      %mul3A_325 = arith.muli %add3A_323, %mul3A_324 : i32
      %dma_wait3A_326 = arith.constant 1 : i32
      %dma_wait3A_327 = arith.constant 0 : i32
      %dma_wait3A_328 = arith.constant 0 : i32
      %dma_wait3A_329 = tpu.memref_slice %arg9[%dma_wait3A_326, %dma_wait3A_327, %dma_wait3A_328] : memref<2x200x128xf32, #tpu.memory_space<vmem>> -> memref<1x200x128xf32, #tpu.memory_space<vmem>>
      %dma_wait3A_330 = tpu.memref_squeeze %dma_wait3A_329 : memref<1x200x128xf32, #tpu.memory_space<vmem>> -> memref<200x128xf32, #tpu.memory_space<vmem>>
      %dma_wait3A_331 = tpu.memref_slice %arg7[%mul3A_325] : memref<5000xi32, #tpu.memory_space<vmem>> -> memref<200xi32, #tpu.memory_space<vmem>>
      %dma_wait3A_332 = arith.constant 0 : i32
      %dma_wait3A_333 = arith.constant 0 : i32
      %dma_wait3A_334 = tpu.memref_slice %arg2[%dma_wait3A_332, %dma_wait3A_333] : memref<10000x128xf32, #tpu.memory_space<hbm>> -> memref<10000x128xf32, #tpu.memory_space<hbm>>
      tpu.wait_indirect_dma semaphore(%arg11 : memref<!tpu.dma_semaphore, #tpu.memory_space<semaphore_mem>>) src(%dma_wait3A_334 : memref<10000x128xf32, #tpu.memory_space<hbm>>) dst(%dma_wait3A_330 : memref<200x128xf32, #tpu.memory_space<vmem>>)
      %mul3A_335 = arith.constant 200 : i32
      %mul3A_336 = arith.muli %add3A_323, %mul3A_335 : i32
      %dma_start3A_337 = arith.constant 1 : i32
      %dma_start3A_338 = arith.constant 0 : i32
      %dma_start3A_339 = arith.constant 0 : i32
      %dma_start3A_340 = tpu.memref_slice %arg9[%dma_start3A_337, %dma_start3A_338, %dma_start3A_339] : memref<2x200x128xf32, #tpu.memory_space<vmem>> -> memref<1x200x128xf32, #tpu.memory_space<vmem>>
      %dma_start3A_341 = tpu.memref_squeeze %dma_start3A_340 : memref<1x200x128xf32, #tpu.memory_space<vmem>> -> memref<200x128xf32, #tpu.memory_space<vmem>>
      %dma_start3A_342 = tpu.memref_slice %arg8[%mul3A_336] : memref<5000xi32, #tpu.memory_space<vmem>> -> memref<200xi32, #tpu.memory_space<vmem>>
      %dma_start3A_343 = arith.constant 0 : i32
      %dma_start3A_344 = arith.constant 0 : i32
      %dma_start3A_345 = tpu.memref_slice %arg3[%dma_start3A_343, %dma_start3A_344] : memref<10000x128xf32, #tpu.memory_space<hbm>> -> memref<10000x128xf32, #tpu.memory_space<hbm>>
      tpu.enqueue_indirect_dma source(%dma_start3A_345 : memref<10000x128xf32, #tpu.memory_space<hbm>>) target(%dma_start3A_341 : memref<200x128xf32, #tpu.memory_space<vmem>>) offsets(%dma_start3A_342 : memref<200xi32, #tpu.memory_space<vmem>>) semaphore(%arg11 : memref<!tpu.dma_semaphore, #tpu.memory_space<semaphore_mem>>) {add = true}
      %dma_wait3A_346 = arith.constant 0 : i32
      %dma_wait3A_347 = arith.constant 0 : i32
      %dma_wait3A_348 = arith.constant 0 : i32
      %dma_wait3A_349 = tpu.memref_slice %arg9[%dma_wait3A_346, %dma_wait3A_347, %dma_wait3A_348] : memref<2x200x128xf32, #tpu.memory_space<vmem>> -> memref<1x200x128xf32, #tpu.memory_space<vmem>>
      %dma_wait3A_350 = tpu.memref_squeeze %dma_wait3A_349 : memref<1x200x128xf32, #tpu.memory_space<vmem>> -> memref<200x128xf32, #tpu.memory_space<vmem>>
      %dma_wait3A_351 = arith.constant 0 : i32
      %dma_wait3A_352 = tpu.memref_slice %arg6[%add3A_9, %dma_wait3A_351] : memref<160000x128xf32, #tpu.memory_space<hbm>> -> memref<200x128xf32, #tpu.memory_space<hbm>>
      %dma_wait3A_353 = arith.constant 0 : i32
      %dma_wait3A_354 = tpu.memref_slice %arg6[%add3A_9, %dma_wait3A_353] : memref<160000x128xf32, #tpu.memory_space<hbm>> -> memref<200x128xf32, #tpu.memory_space<hbm>>
      %dma_wait3A_355 = arith.constant 0 : i32
      %dma_wait3A_356 = arith.constant 0 : i32
      %dma_wait3A_357 = tpu.memref_slice %arg9[%dma_wait3A_346, %dma_wait3A_355, %dma_wait3A_356] : memref<2x200x128xf32, #tpu.memory_space<vmem>> -> memref<1x200x128xf32, #tpu.memory_space<vmem>>
      %dma_wait3A_358 = tpu.memref_squeeze %dma_wait3A_357 : memref<1x200x128xf32, #tpu.memory_space<vmem>> -> memref<200x128xf32, #tpu.memory_space<vmem>>
      tpu.wait_dma2 semaphore(%arg12 : memref<!tpu.dma_semaphore, #tpu.memory_space<semaphore_mem>>) src(%dma_wait3A_358 : memref<200x128xf32, #tpu.memory_space<vmem>>) dst(%dma_wait3A_354 : memref<200x128xf32, #tpu.memory_space<hbm>>)
      %add3A_359 = arith.constant 1 : i32
      %add3A_360 = arith.addi %add3A_323, %add3A_359 : i32
      %mul3A_361 = arith.constant 200 : i32
      %mul3A_362 = arith.muli %add3A_360, %mul3A_361 : i32
      %dma_start3A_363 = arith.constant 0 : i32
      %dma_start3A_364 = arith.constant 0 : i32
      %dma_start3A_365 = arith.constant 0 : i32
      %dma_start3A_366 = tpu.memref_slice %arg9[%dma_start3A_363, %dma_start3A_364, %dma_start3A_365] : memref<2x200x128xf32, #tpu.memory_space<vmem>> -> memref<1x200x128xf32, #tpu.memory_space<vmem>>
      %dma_start3A_367 = tpu.memref_squeeze %dma_start3A_366 : memref<1x200x128xf32, #tpu.memory_space<vmem>> -> memref<200x128xf32, #tpu.memory_space<vmem>>
      %dma_start3A_368 = tpu.memref_slice %arg7[%mul3A_362] : memref<5000xi32, #tpu.memory_space<vmem>> -> memref<200xi32, #tpu.memory_space<vmem>>
      %dma_start3A_369 = arith.constant 0 : i32
      %dma_start3A_370 = arith.constant 0 : i32
      %dma_start3A_371 = tpu.memref_slice %arg2[%dma_start3A_369, %dma_start3A_370] : memref<10000x128xf32, #tpu.memory_space<hbm>> -> memref<10000x128xf32, #tpu.memory_space<hbm>>
      tpu.enqueue_indirect_dma source(%dma_start3A_371 : memref<10000x128xf32, #tpu.memory_space<hbm>>) target(%dma_start3A_367 : memref<200x128xf32, #tpu.memory_space<vmem>>) offsets(%dma_start3A_368 : memref<200xi32, #tpu.memory_space<vmem>>) semaphore(%arg10 : memref<!tpu.dma_semaphore, #tpu.memory_space<semaphore_mem>>)
      %mul3A_372 = arith.constant 200 : i32
      %mul3A_373 = arith.muli %add3A_323, %mul3A_372 : i32
      %dma_wait3A_374 = arith.constant 1 : i32
      %dma_wait3A_375 = arith.constant 0 : i32
      %dma_wait3A_376 = arith.constant 0 : i32
      %dma_wait3A_377 = tpu.memref_slice %arg9[%dma_wait3A_374, %dma_wait3A_375, %dma_wait3A_376] : memref<2x200x128xf32, #tpu.memory_space<vmem>> -> memref<1x200x128xf32, #tpu.memory_space<vmem>>
      %dma_wait3A_378 = tpu.memref_squeeze %dma_wait3A_377 : memref<1x200x128xf32, #tpu.memory_space<vmem>> -> memref<200x128xf32, #tpu.memory_space<vmem>>
      %dma_wait3A_379 = tpu.memref_slice %arg7[%mul3A_373] : memref<5000xi32, #tpu.memory_space<vmem>> -> memref<200xi32, #tpu.memory_space<vmem>>
      %dma_wait3A_380 = arith.constant 0 : i32
      %dma_wait3A_381 = arith.constant 0 : i32
      %dma_wait3A_382 = tpu.memref_slice %arg2[%dma_wait3A_380, %dma_wait3A_381] : memref<10000x128xf32, #tpu.memory_space<hbm>> -> memref<10000x128xf32, #tpu.memory_space<hbm>>
      tpu.wait_indirect_dma semaphore(%arg11 : memref<!tpu.dma_semaphore, #tpu.memory_space<semaphore_mem>>) src(%dma_wait3A_382 : memref<10000x128xf32, #tpu.memory_space<hbm>>) dst(%dma_wait3A_378 : memref<200x128xf32, #tpu.memory_space<vmem>>)
      %mul3A_383 = arith.constant 200 : i32
      %mul3A_384 = arith.muli %add3A_323, %mul3A_383 : i32
      %add3A_385 = arith.addi %add3A_9, %mul3A_384 : i32
      %dma_start3A_386 = arith.constant 1 : i32
      %dma_start3A_387 = arith.constant 0 : i32
      %dma_start3A_388 = arith.constant 0 : i32
      %dma_start3A_389 = tpu.memref_slice %arg9[%dma_start3A_386, %dma_start3A_387, %dma_start3A_388] : memref<2x200x128xf32, #tpu.memory_space<vmem>> -> memref<1x200x128xf32, #tpu.memory_space<vmem>>
      %dma_start3A_390 = tpu.memref_squeeze %dma_start3A_389 : memref<1x200x128xf32, #tpu.memory_space<vmem>> -> memref<200x128xf32, #tpu.memory_space<vmem>>
      %dma_start3A_391 = arith.constant 0 : i32
      %dma_start3A_392 = tpu.memref_slice %arg6[%add3A_385, %dma_start3A_391] : memref<160000x128xf32, #tpu.memory_space<hbm>> -> memref<200x128xf32, #tpu.memory_space<hbm>>
      %dma_start3A_393 = arith.constant 0 : i32
      %dma_start3A_394 = tpu.memref_slice %arg6[%add3A_385, %dma_start3A_393] : memref<160000x128xf32, #tpu.memory_space<hbm>> -> memref<200x128xf32, #tpu.memory_space<hbm>>
      %dma_start3A_395 = arith.constant 0 : i32
      %dma_start3A_396 = arith.constant 0 : i32
      %dma_start3A_397 = tpu.memref_slice %arg9[%dma_start3A_386, %dma_start3A_395, %dma_start3A_396] : memref<2x200x128xf32, #tpu.memory_space<vmem>> -> memref<1x200x128xf32, #tpu.memory_space<vmem>>
      %dma_start3A_398 = tpu.memref_squeeze %dma_start3A_397 : memref<1x200x128xf32, #tpu.memory_space<vmem>> -> memref<200x128xf32, #tpu.memory_space<vmem>>
      tpu.enqueue_dma source(%dma_start3A_398 : memref<200x128xf32, #tpu.memory_space<vmem>>) target(%dma_start3A_394 : memref<200x128xf32, #tpu.memory_space<hbm>>) target_semaphore(%arg13 : memref<!tpu.dma_semaphore, #tpu.memory_space<semaphore_mem>>)
    }
    %scan3A_37 = arith.constant 11 : i32
    %dma_wait3A = arith.constant 0 : i32
    %dma_wait3A_38 = arith.constant 0 : i32
    %dma_wait3A_39 = arith.constant 0 : i32
    %dma_wait3A_40 = tpu.memref_slice %arg9[%dma_wait3A, %dma_wait3A_38, %dma_wait3A_39] : memref<2x200x128xf32, #tpu.memory_space<vmem>> -> memref<1x200x128xf32, #tpu.memory_space<vmem>>
    %dma_wait3A_41 = tpu.memref_squeeze %dma_wait3A_40 : memref<1x200x128xf32, #tpu.memory_space<vmem>> -> memref<200x128xf32, #tpu.memory_space<vmem>>
    %dma_wait3A_42 = arith.constant 4400 : i32
    %dma_wait3A_43 = tpu.memref_slice %arg7[%dma_wait3A_42] : memref<5000xi32, #tpu.memory_space<vmem>> -> memref<200xi32, #tpu.memory_space<vmem>>
    %dma_wait3A_44 = arith.constant 0 : i32
    %dma_wait3A_45 = arith.constant 0 : i32
    %dma_wait3A_46 = tpu.memref_slice %arg2[%dma_wait3A_44, %dma_wait3A_45] : memref<10000x128xf32, #tpu.memory_space<hbm>> -> memref<10000x128xf32, #tpu.memory_space<hbm>>
    tpu.wait_indirect_dma semaphore(%arg10 : memref<!tpu.dma_semaphore, #tpu.memory_space<semaphore_mem>>) src(%dma_wait3A_46 : memref<10000x128xf32, #tpu.memory_space<hbm>>) dst(%dma_wait3A_41 : memref<200x128xf32, #tpu.memory_space<vmem>>)
    %dma_start3A_47 = arith.constant 0 : i32
    %dma_start3A_48 = arith.constant 0 : i32
    %dma_start3A_49 = arith.constant 0 : i32
    %dma_start3A_50 = tpu.memref_slice %arg9[%dma_start3A_47, %dma_start3A_48, %dma_start3A_49] : memref<2x200x128xf32, #tpu.memory_space<vmem>> -> memref<1x200x128xf32, #tpu.memory_space<vmem>>
    %dma_start3A_51 = tpu.memref_squeeze %dma_start3A_50 : memref<1x200x128xf32, #tpu.memory_space<vmem>> -> memref<200x128xf32, #tpu.memory_space<vmem>>
    %dma_start3A_52 = arith.constant 4400 : i32
    %dma_start3A_53 = tpu.memref_slice %arg8[%dma_start3A_52] : memref<5000xi32, #tpu.memory_space<vmem>> -> memref<200xi32, #tpu.memory_space<vmem>>
    %dma_start3A_54 = arith.constant 0 : i32
    %dma_start3A_55 = arith.constant 0 : i32
    %dma_start3A_56 = tpu.memref_slice %arg3[%dma_start3A_54, %dma_start3A_55] : memref<10000x128xf32, #tpu.memory_space<hbm>> -> memref<10000x128xf32, #tpu.memory_space<hbm>>
    tpu.enqueue_indirect_dma source(%dma_start3A_56 : memref<10000x128xf32, #tpu.memory_space<hbm>>) target(%dma_start3A_51 : memref<200x128xf32, #tpu.memory_space<vmem>>) offsets(%dma_start3A_53 : memref<200xi32, #tpu.memory_space<vmem>>) semaphore(%arg10 : memref<!tpu.dma_semaphore, #tpu.memory_space<semaphore_mem>>) {add = true}
    %dma_wait3A_57 = arith.constant 1 : i32
    %dma_wait3A_58 = arith.constant 0 : i32
    %dma_wait3A_59 = arith.constant 0 : i32
    %dma_wait3A_60 = tpu.memref_slice %arg9[%dma_wait3A_57, %dma_wait3A_58, %dma_wait3A_59] : memref<2x200x128xf32, #tpu.memory_space<vmem>> -> memref<1x200x128xf32, #tpu.memory_space<vmem>>
    %dma_wait3A_61 = tpu.memref_squeeze %dma_wait3A_60 : memref<1x200x128xf32, #tpu.memory_space<vmem>> -> memref<200x128xf32, #tpu.memory_space<vmem>>
    %dma_wait3A_62 = arith.constant 0 : i32
    %dma_wait3A_63 = tpu.memref_slice %arg6[%add3A_9, %dma_wait3A_62] : memref<160000x128xf32, #tpu.memory_space<hbm>> -> memref<200x128xf32, #tpu.memory_space<hbm>>
    %dma_wait3A_64 = arith.constant 0 : i32
    %dma_wait3A_65 = tpu.memref_slice %arg6[%add3A_9, %dma_wait3A_64] : memref<160000x128xf32, #tpu.memory_space<hbm>> -> memref<200x128xf32, #tpu.memory_space<hbm>>
    %dma_wait3A_66 = arith.constant 0 : i32
    %dma_wait3A_67 = arith.constant 0 : i32
    %dma_wait3A_68 = tpu.memref_slice %arg9[%dma_wait3A_57, %dma_wait3A_66, %dma_wait3A_67] : memref<2x200x128xf32, #tpu.memory_space<vmem>> -> memref<1x200x128xf32, #tpu.memory_space<vmem>>
    %dma_wait3A_69 = tpu.memref_squeeze %dma_wait3A_68 : memref<1x200x128xf32, #tpu.memory_space<vmem>> -> memref<200x128xf32, #tpu.memory_space<vmem>>
    tpu.wait_dma2 semaphore(%arg13 : memref<!tpu.dma_semaphore, #tpu.memory_space<semaphore_mem>>) src(%dma_wait3A_69 : memref<200x128xf32, #tpu.memory_space<vmem>>) dst(%dma_wait3A_65 : memref<200x128xf32, #tpu.memory_space<hbm>>)
    %dma_start3A_70 = arith.constant 1 : i32
    %dma_start3A_71 = arith.constant 0 : i32
    %dma_start3A_72 = arith.constant 0 : i32
    %dma_start3A_73 = tpu.memref_slice %arg9[%dma_start3A_70, %dma_start3A_71, %dma_start3A_72] : memref<2x200x128xf32, #tpu.memory_space<vmem>> -> memref<1x200x128xf32, #tpu.memory_space<vmem>>
    %dma_start3A_74 = tpu.memref_squeeze %dma_start3A_73 : memref<1x200x128xf32, #tpu.memory_space<vmem>> -> memref<200x128xf32, #tpu.memory_space<vmem>>
    %dma_start3A_75 = arith.constant 4600 : i32
    %dma_start3A_76 = tpu.memref_slice %arg7[%dma_start3A_75] : memref<5000xi32, #tpu.memory_space<vmem>> -> memref<200xi32, #tpu.memory_space<vmem>>
    %dma_start3A_77 = arith.constant 0 : i32
    %dma_start3A_78 = arith.constant 0 : i32
    %dma_start3A_79 = tpu.memref_slice %arg2[%dma_start3A_77, %dma_start3A_78] : memref<10000x128xf32, #tpu.memory_space<hbm>> -> memref<10000x128xf32, #tpu.memory_space<hbm>>
    tpu.enqueue_indirect_dma source(%dma_start3A_79 : memref<10000x128xf32, #tpu.memory_space<hbm>>) target(%dma_start3A_74 : memref<200x128xf32, #tpu.memory_space<vmem>>) offsets(%dma_start3A_76 : memref<200xi32, #tpu.memory_space<vmem>>) semaphore(%arg11 : memref<!tpu.dma_semaphore, #tpu.memory_space<semaphore_mem>>)
    %dma_wait3A_80 = arith.constant 0 : i32
    %dma_wait3A_81 = arith.constant 0 : i32
    %dma_wait3A_82 = arith.constant 0 : i32
    %dma_wait3A_83 = tpu.memref_slice %arg9[%dma_wait3A_80, %dma_wait3A_81, %dma_wait3A_82] : memref<2x200x128xf32, #tpu.memory_space<vmem>> -> memref<1x200x128xf32, #tpu.memory_space<vmem>>
    %dma_wait3A_84 = tpu.memref_squeeze %dma_wait3A_83 : memref<1x200x128xf32, #tpu.memory_space<vmem>> -> memref<200x128xf32, #tpu.memory_space<vmem>>
    %dma_wait3A_85 = arith.constant 4400 : i32
    %dma_wait3A_86 = tpu.memref_slice %arg7[%dma_wait3A_85] : memref<5000xi32, #tpu.memory_space<vmem>> -> memref<200xi32, #tpu.memory_space<vmem>>
    %dma_wait3A_87 = arith.constant 0 : i32
    %dma_wait3A_88 = arith.constant 0 : i32
    %dma_wait3A_89 = tpu.memref_slice %arg2[%dma_wait3A_87, %dma_wait3A_88] : memref<10000x128xf32, #tpu.memory_space<hbm>> -> memref<10000x128xf32, #tpu.memory_space<hbm>>
    tpu.wait_indirect_dma semaphore(%arg10 : memref<!tpu.dma_semaphore, #tpu.memory_space<semaphore_mem>>) src(%dma_wait3A_89 : memref<10000x128xf32, #tpu.memory_space<hbm>>) dst(%dma_wait3A_84 : memref<200x128xf32, #tpu.memory_space<vmem>>)
    %add3A_90 = arith.constant 4400 : i32
    %add3A_91 = arith.addi %add3A_9, %add3A_90 : i32
    %dma_start3A_92 = arith.constant 0 : i32
    %dma_start3A_93 = arith.constant 0 : i32
    %dma_start3A_94 = arith.constant 0 : i32
    %dma_start3A_95 = tpu.memref_slice %arg9[%dma_start3A_92, %dma_start3A_93, %dma_start3A_94] : memref<2x200x128xf32, #tpu.memory_space<vmem>> -> memref<1x200x128xf32, #tpu.memory_space<vmem>>
    %dma_start3A_96 = tpu.memref_squeeze %dma_start3A_95 : memref<1x200x128xf32, #tpu.memory_space<vmem>> -> memref<200x128xf32, #tpu.memory_space<vmem>>
    %dma_start3A_97 = arith.constant 0 : i32
    %dma_start3A_98 = tpu.memref_slice %arg6[%add3A_91, %dma_start3A_97] : memref<160000x128xf32, #tpu.memory_space<hbm>> -> memref<200x128xf32, #tpu.memory_space<hbm>>
    %dma_start3A_99 = arith.constant 0 : i32
    %dma_start3A_100 = tpu.memref_slice %arg6[%add3A_91, %dma_start3A_99] : memref<160000x128xf32, #tpu.memory_space<hbm>> -> memref<200x128xf32, #tpu.memory_space<hbm>>
    %dma_start3A_101 = arith.constant 0 : i32
    %dma_start3A_102 = arith.constant 0 : i32
    %dma_start3A_103 = tpu.memref_slice %arg9[%dma_start3A_92, %dma_start3A_101, %dma_start3A_102] : memref<2x200x128xf32, #tpu.memory_space<vmem>> -> memref<1x200x128xf32, #tpu.memory_space<vmem>>
    %dma_start3A_104 = tpu.memref_squeeze %dma_start3A_103 : memref<1x200x128xf32, #tpu.memory_space<vmem>> -> memref<200x128xf32, #tpu.memory_space<vmem>>
    tpu.enqueue_dma source(%dma_start3A_104 : memref<200x128xf32, #tpu.memory_space<vmem>>) target(%dma_start3A_100 : memref<200x128xf32, #tpu.memory_space<hbm>>) target_semaphore(%arg12 : memref<!tpu.dma_semaphore, #tpu.memory_space<semaphore_mem>>)
    %dma_wait3A_105 = arith.constant 1 : i32
    %dma_wait3A_106 = arith.constant 0 : i32
    %dma_wait3A_107 = arith.constant 0 : i32
    %dma_wait3A_108 = tpu.memref_slice %arg9[%dma_wait3A_105, %dma_wait3A_106, %dma_wait3A_107] : memref<2x200x128xf32, #tpu.memory_space<vmem>> -> memref<1x200x128xf32, #tpu.memory_space<vmem>>
    %dma_wait3A_109 = tpu.memref_squeeze %dma_wait3A_108 : memref<1x200x128xf32, #tpu.memory_space<vmem>> -> memref<200x128xf32, #tpu.memory_space<vmem>>
    %dma_wait3A_110 = arith.constant 4600 : i32
    %dma_wait3A_111 = tpu.memref_slice %arg7[%dma_wait3A_110] : memref<5000xi32, #tpu.memory_space<vmem>> -> memref<200xi32, #tpu.memory_space<vmem>>
    %dma_wait3A_112 = arith.constant 0 : i32
    %dma_wait3A_113 = arith.constant 0 : i32
    %dma_wait3A_114 = tpu.memref_slice %arg2[%dma_wait3A_112, %dma_wait3A_113] : memref<10000x128xf32, #tpu.memory_space<hbm>> -> memref<10000x128xf32, #tpu.memory_space<hbm>>
    tpu.wait_indirect_dma semaphore(%arg11 : memref<!tpu.dma_semaphore, #tpu.memory_space<semaphore_mem>>) src(%dma_wait3A_114 : memref<10000x128xf32, #tpu.memory_space<hbm>>) dst(%dma_wait3A_109 : memref<200x128xf32, #tpu.memory_space<vmem>>)
    %dma_start3A_115 = arith.constant 1 : i32
    %dma_start3A_116 = arith.constant 0 : i32
    %dma_start3A_117 = arith.constant 0 : i32
    %dma_start3A_118 = tpu.memref_slice %arg9[%dma_start3A_115, %dma_start3A_116, %dma_start3A_117] : memref<2x200x128xf32, #tpu.memory_space<vmem>> -> memref<1x200x128xf32, #tpu.memory_space<vmem>>
    %dma_start3A_119 = tpu.memref_squeeze %dma_start3A_118 : memref<1x200x128xf32, #tpu.memory_space<vmem>> -> memref<200x128xf32, #tpu.memory_space<vmem>>
    %dma_start3A_120 = arith.constant 4600 : i32
    %dma_start3A_121 = tpu.memref_slice %arg8[%dma_start3A_120] : memref<5000xi32, #tpu.memory_space<vmem>> -> memref<200xi32, #tpu.memory_space<vmem>>
    %dma_start3A_122 = arith.constant 0 : i32
    %dma_start3A_123 = arith.constant 0 : i32
    %dma_start3A_124 = tpu.memref_slice %arg3[%dma_start3A_122, %dma_start3A_123] : memref<10000x128xf32, #tpu.memory_space<hbm>> -> memref<10000x128xf32, #tpu.memory_space<hbm>>
    tpu.enqueue_indirect_dma source(%dma_start3A_124 : memref<10000x128xf32, #tpu.memory_space<hbm>>) target(%dma_start3A_119 : memref<200x128xf32, #tpu.memory_space<vmem>>) offsets(%dma_start3A_121 : memref<200xi32, #tpu.memory_space<vmem>>) semaphore(%arg11 : memref<!tpu.dma_semaphore, #tpu.memory_space<semaphore_mem>>) {add = true}
    %dma_wait3A_125 = arith.constant 0 : i32
    %dma_wait3A_126 = arith.constant 0 : i32
    %dma_wait3A_127 = arith.constant 0 : i32
    %dma_wait3A_128 = tpu.memref_slice %arg9[%dma_wait3A_125, %dma_wait3A_126, %dma_wait3A_127] : memref<2x200x128xf32, #tpu.memory_space<vmem>> -> memref<1x200x128xf32, #tpu.memory_space<vmem>>
    %dma_wait3A_129 = tpu.memref_squeeze %dma_wait3A_128 : memref<1x200x128xf32, #tpu.memory_space<vmem>> -> memref<200x128xf32, #tpu.memory_space<vmem>>
    %dma_wait3A_130 = arith.constant 0 : i32
    %dma_wait3A_131 = tpu.memref_slice %arg6[%add3A_9, %dma_wait3A_130] : memref<160000x128xf32, #tpu.memory_space<hbm>> -> memref<200x128xf32, #tpu.memory_space<hbm>>
    %dma_wait3A_132 = arith.constant 0 : i32
    %dma_wait3A_133 = tpu.memref_slice %arg6[%add3A_9, %dma_wait3A_132] : memref<160000x128xf32, #tpu.memory_space<hbm>> -> memref<200x128xf32, #tpu.memory_space<hbm>>
    %dma_wait3A_134 = arith.constant 0 : i32
    %dma_wait3A_135 = arith.constant 0 : i32
    %dma_wait3A_136 = tpu.memref_slice %arg9[%dma_wait3A_125, %dma_wait3A_134, %dma_wait3A_135] : memref<2x200x128xf32, #tpu.memory_space<vmem>> -> memref<1x200x128xf32, #tpu.memory_space<vmem>>
    %dma_wait3A_137 = tpu.memref_squeeze %dma_wait3A_136 : memref<1x200x128xf32, #tpu.memory_space<vmem>> -> memref<200x128xf32, #tpu.memory_space<vmem>>
    tpu.wait_dma2 semaphore(%arg12 : memref<!tpu.dma_semaphore, #tpu.memory_space<semaphore_mem>>) src(%dma_wait3A_137 : memref<200x128xf32, #tpu.memory_space<vmem>>) dst(%dma_wait3A_133 : memref<200x128xf32, #tpu.memory_space<hbm>>)
    %dma_start3A_138 = arith.constant 0 : i32
    %dma_start3A_139 = arith.constant 0 : i32
    %dma_start3A_140 = arith.constant 0 : i32
    %dma_start3A_141 = tpu.memref_slice %arg9[%dma_start3A_138, %dma_start3A_139, %dma_start3A_140] : memref<2x200x128xf32, #tpu.memory_space<vmem>> -> memref<1x200x128xf32, #tpu.memory_space<vmem>>
    %dma_start3A_142 = tpu.memref_squeeze %dma_start3A_141 : memref<1x200x128xf32, #tpu.memory_space<vmem>> -> memref<200x128xf32, #tpu.memory_space<vmem>>
    %dma_start3A_143 = arith.constant 4800 : i32
    %dma_start3A_144 = tpu.memref_slice %arg7[%dma_start3A_143] : memref<5000xi32, #tpu.memory_space<vmem>> -> memref<200xi32, #tpu.memory_space<vmem>>
    %dma_start3A_145 = arith.constant 0 : i32
    %dma_start3A_146 = arith.constant 0 : i32
    %dma_start3A_147 = tpu.memref_slice %arg2[%dma_start3A_145, %dma_start3A_146] : memref<10000x128xf32, #tpu.memory_space<hbm>> -> memref<10000x128xf32, #tpu.memory_space<hbm>>
    tpu.enqueue_indirect_dma source(%dma_start3A_147 : memref<10000x128xf32, #tpu.memory_space<hbm>>) target(%dma_start3A_142 : memref<200x128xf32, #tpu.memory_space<vmem>>) offsets(%dma_start3A_144 : memref<200xi32, #tpu.memory_space<vmem>>) semaphore(%arg10 : memref<!tpu.dma_semaphore, #tpu.memory_space<semaphore_mem>>)
    %dma_wait3A_148 = arith.constant 1 : i32
    %dma_wait3A_149 = arith.constant 0 : i32
    %dma_wait3A_150 = arith.constant 0 : i32
    %dma_wait3A_151 = tpu.memref_slice %arg9[%dma_wait3A_148, %dma_wait3A_149, %dma_wait3A_150] : memref<2x200x128xf32, #tpu.memory_space<vmem>> -> memref<1x200x128xf32, #tpu.memory_space<vmem>>
    %dma_wait3A_152 = tpu.memref_squeeze %dma_wait3A_151 : memref<1x200x128xf32, #tpu.memory_space<vmem>> -> memref<200x128xf32, #tpu.memory_space<vmem>>
    %dma_wait3A_153 = arith.constant 4600 : i32
    %dma_wait3A_154 = tpu.memref_slice %arg7[%dma_wait3A_153] : memref<5000xi32, #tpu.memory_space<vmem>> -> memref<200xi32, #tpu.memory_space<vmem>>
    %dma_wait3A_155 = arith.constant 0 : i32
    %dma_wait3A_156 = arith.constant 0 : i32
    %dma_wait3A_157 = tpu.memref_slice %arg2[%dma_wait3A_155, %dma_wait3A_156] : memref<10000x128xf32, #tpu.memory_space<hbm>> -> memref<10000x128xf32, #tpu.memory_space<hbm>>
    tpu.wait_indirect_dma semaphore(%arg11 : memref<!tpu.dma_semaphore, #tpu.memory_space<semaphore_mem>>) src(%dma_wait3A_157 : memref<10000x128xf32, #tpu.memory_space<hbm>>) dst(%dma_wait3A_152 : memref<200x128xf32, #tpu.memory_space<vmem>>)
    %add3A_158 = arith.constant 4600 : i32
    %add3A_159 = arith.addi %add3A_9, %add3A_158 : i32
    %dma_start3A_160 = arith.constant 1 : i32
    %dma_start3A_161 = arith.constant 0 : i32
    %dma_start3A_162 = arith.constant 0 : i32
    %dma_start3A_163 = tpu.memref_slice %arg9[%dma_start3A_160, %dma_start3A_161, %dma_start3A_162] : memref<2x200x128xf32, #tpu.memory_space<vmem>> -> memref<1x200x128xf32, #tpu.memory_space<vmem>>
    %dma_start3A_164 = tpu.memref_squeeze %dma_start3A_163 : memref<1x200x128xf32, #tpu.memory_space<vmem>> -> memref<200x128xf32, #tpu.memory_space<vmem>>
    %dma_start3A_165 = arith.constant 0 : i32
    %dma_start3A_166 = tpu.memref_slice %arg6[%add3A_159, %dma_start3A_165] : memref<160000x128xf32, #tpu.memory_space<hbm>> -> memref<200x128xf32, #tpu.memory_space<hbm>>
    %dma_start3A_167 = arith.constant 0 : i32
    %dma_start3A_168 = tpu.memref_slice %arg6[%add3A_159, %dma_start3A_167] : memref<160000x128xf32, #tpu.memory_space<hbm>> -> memref<200x128xf32, #tpu.memory_space<hbm>>
    %dma_start3A_169 = arith.constant 0 : i32
    %dma_start3A_170 = arith.constant 0 : i32
    %dma_start3A_171 = tpu.memref_slice %arg9[%dma_start3A_160, %dma_start3A_169, %dma_start3A_170] : memref<2x200x128xf32, #tpu.memory_space<vmem>> -> memref<1x200x128xf32, #tpu.memory_space<vmem>>
    %dma_start3A_172 = tpu.memref_squeeze %dma_start3A_171 : memref<1x200x128xf32, #tpu.memory_space<vmem>> -> memref<200x128xf32, #tpu.memory_space<vmem>>
    tpu.enqueue_dma source(%dma_start3A_172 : memref<200x128xf32, #tpu.memory_space<vmem>>) target(%dma_start3A_168 : memref<200x128xf32, #tpu.memory_space<hbm>>) target_semaphore(%arg13 : memref<!tpu.dma_semaphore, #tpu.memory_space<semaphore_mem>>)
    %dma_wait3A_173 = arith.constant 0 : i32
    %dma_wait3A_174 = arith.constant 0 : i32
    %dma_wait3A_175 = arith.constant 0 : i32
    %dma_wait3A_176 = tpu.memref_slice %arg9[%dma_wait3A_173, %dma_wait3A_174, %dma_wait3A_175] : memref<2x200x128xf32, #tpu.memory_space<vmem>> -> memref<1x200x128xf32, #tpu.memory_space<vmem>>
    %dma_wait3A_177 = tpu.memref_squeeze %dma_wait3A_176 : memref<1x200x128xf32, #tpu.memory_space<vmem>> -> memref<200x128xf32, #tpu.memory_space<vmem>>
    %dma_wait3A_178 = arith.constant 4800 : i32
    %dma_wait3A_179 = tpu.memref_slice %arg7[%dma_wait3A_178] : memref<5000xi32, #tpu.memory_space<vmem>> -> memref<200xi32, #tpu.memory_space<vmem>>
    %dma_wait3A_180 = arith.constant 0 : i32
    %dma_wait3A_181 = arith.constant 0 : i32
    %dma_wait3A_182 = tpu.memref_slice %arg2[%dma_wait3A_180, %dma_wait3A_181] : memref<10000x128xf32, #tpu.memory_space<hbm>> -> memref<10000x128xf32, #tpu.memory_space<hbm>>
    tpu.wait_indirect_dma semaphore(%arg10 : memref<!tpu.dma_semaphore, #tpu.memory_space<semaphore_mem>>) src(%dma_wait3A_182 : memref<10000x128xf32, #tpu.memory_space<hbm>>) dst(%dma_wait3A_177 : memref<200x128xf32, #tpu.memory_space<vmem>>)
    %dma_start3A_183 = arith.constant 0 : i32
    %dma_start3A_184 = arith.constant 0 : i32
    %dma_start3A_185 = arith.constant 0 : i32
    %dma_start3A_186 = tpu.memref_slice %arg9[%dma_start3A_183, %dma_start3A_184, %dma_start3A_185] : memref<2x200x128xf32, #tpu.memory_space<vmem>> -> memref<1x200x128xf32, #tpu.memory_space<vmem>>
    %dma_start3A_187 = tpu.memref_squeeze %dma_start3A_186 : memref<1x200x128xf32, #tpu.memory_space<vmem>> -> memref<200x128xf32, #tpu.memory_space<vmem>>
    %dma_start3A_188 = arith.constant 4800 : i32
    %dma_start3A_189 = tpu.memref_slice %arg8[%dma_start3A_188] : memref<5000xi32, #tpu.memory_space<vmem>> -> memref<200xi32, #tpu.memory_space<vmem>>
    %dma_start3A_190 = arith.constant 0 : i32
    %dma_start3A_191 = arith.constant 0 : i32
    %dma_start3A_192 = tpu.memref_slice %arg3[%dma_start3A_190, %dma_start3A_191] : memref<10000x128xf32, #tpu.memory_space<hbm>> -> memref<10000x128xf32, #tpu.memory_space<hbm>>
    tpu.enqueue_indirect_dma source(%dma_start3A_192 : memref<10000x128xf32, #tpu.memory_space<hbm>>) target(%dma_start3A_187 : memref<200x128xf32, #tpu.memory_space<vmem>>) offsets(%dma_start3A_189 : memref<200xi32, #tpu.memory_space<vmem>>) semaphore(%arg10 : memref<!tpu.dma_semaphore, #tpu.memory_space<semaphore_mem>>) {add = true}
    %dma_wait3A_193 = arith.constant 0 : i32
    %dma_wait3A_194 = arith.constant 0 : i32
    %dma_wait3A_195 = arith.constant 0 : i32
    %dma_wait3A_196 = tpu.memref_slice %arg9[%dma_wait3A_193, %dma_wait3A_194, %dma_wait3A_195] : memref<2x200x128xf32, #tpu.memory_space<vmem>> -> memref<1x200x128xf32, #tpu.memory_space<vmem>>
    %dma_wait3A_197 = tpu.memref_squeeze %dma_wait3A_196 : memref<1x200x128xf32, #tpu.memory_space<vmem>> -> memref<200x128xf32, #tpu.memory_space<vmem>>
    %dma_wait3A_198 = arith.constant 4800 : i32
    %dma_wait3A_199 = tpu.memref_slice %arg7[%dma_wait3A_198] : memref<5000xi32, #tpu.memory_space<vmem>> -> memref<200xi32, #tpu.memory_space<vmem>>
    %dma_wait3A_200 = arith.constant 0 : i32
    %dma_wait3A_201 = arith.constant 0 : i32
    %dma_wait3A_202 = tpu.memref_slice %arg2[%dma_wait3A_200, %dma_wait3A_201] : memref<10000x128xf32, #tpu.memory_space<hbm>> -> memref<10000x128xf32, #tpu.memory_space<hbm>>
    tpu.wait_indirect_dma semaphore(%arg10 : memref<!tpu.dma_semaphore, #tpu.memory_space<semaphore_mem>>) src(%dma_wait3A_202 : memref<10000x128xf32, #tpu.memory_space<hbm>>) dst(%dma_wait3A_197 : memref<200x128xf32, #tpu.memory_space<vmem>>)
    %add3A_203 = arith.constant 4800 : i32
    %add3A_204 = arith.addi %add3A_9, %add3A_203 : i32
    %dma_start3A_205 = arith.constant 0 : i32
    %dma_start3A_206 = arith.constant 0 : i32
    %dma_start3A_207 = arith.constant 0 : i32
    %dma_start3A_208 = tpu.memref_slice %arg9[%dma_start3A_205, %dma_start3A_206, %dma_start3A_207] : memref<2x200x128xf32, #tpu.memory_space<vmem>> -> memref<1x200x128xf32, #tpu.memory_space<vmem>>
    %dma_start3A_209 = tpu.memref_squeeze %dma_start3A_208 : memref<1x200x128xf32, #tpu.memory_space<vmem>> -> memref<200x128xf32, #tpu.memory_space<vmem>>
    %dma_start3A_210 = arith.constant 0 : i32
    %dma_start3A_211 = tpu.memref_slice %arg6[%add3A_204, %dma_start3A_210] : memref<160000x128xf32, #tpu.memory_space<hbm>> -> memref<200x128xf32, #tpu.memory_space<hbm>>
    %dma_start3A_212 = arith.constant 0 : i32
    %dma_start3A_213 = tpu.memref_slice %arg6[%add3A_204, %dma_start3A_212] : memref<160000x128xf32, #tpu.memory_space<hbm>> -> memref<200x128xf32, #tpu.memory_space<hbm>>
    %dma_start3A_214 = arith.constant 0 : i32
    %dma_start3A_215 = arith.constant 0 : i32
    %dma_start3A_216 = tpu.memref_slice %arg9[%dma_start3A_205, %dma_start3A_214, %dma_start3A_215] : memref<2x200x128xf32, #tpu.memory_space<vmem>> -> memref<1x200x128xf32, #tpu.memory_space<vmem>>
    %dma_start3A_217 = tpu.memref_squeeze %dma_start3A_216 : memref<1x200x128xf32, #tpu.memory_space<vmem>> -> memref<200x128xf32, #tpu.memory_space<vmem>>
    tpu.enqueue_dma source(%dma_start3A_217 : memref<200x128xf32, #tpu.memory_space<vmem>>) target(%dma_start3A_213 : memref<200x128xf32, #tpu.memory_space<hbm>>) target_semaphore(%arg12 : memref<!tpu.dma_semaphore, #tpu.memory_space<semaphore_mem>>)
    %dma_wait3A_218 = arith.constant 1 : i32
    %dma_wait3A_219 = arith.constant 0 : i32
    %dma_wait3A_220 = arith.constant 0 : i32
    %dma_wait3A_221 = tpu.memref_slice %arg9[%dma_wait3A_218, %dma_wait3A_219, %dma_wait3A_220] : memref<2x200x128xf32, #tpu.memory_space<vmem>> -> memref<1x200x128xf32, #tpu.memory_space<vmem>>
    %dma_wait3A_222 = tpu.memref_squeeze %dma_wait3A_221 : memref<1x200x128xf32, #tpu.memory_space<vmem>> -> memref<200x128xf32, #tpu.memory_space<vmem>>
    %dma_wait3A_223 = arith.constant 0 : i32
    %dma_wait3A_224 = tpu.memref_slice %arg6[%add3A_9, %dma_wait3A_223] : memref<160000x128xf32, #tpu.memory_space<hbm>> -> memref<200x128xf32, #tpu.memory_space<hbm>>
    %dma_wait3A_225 = arith.constant 0 : i32
    %dma_wait3A_226 = tpu.memref_slice %arg6[%add3A_9, %dma_wait3A_225] : memref<160000x128xf32, #tpu.memory_space<hbm>> -> memref<200x128xf32, #tpu.memory_space<hbm>>
    %dma_wait3A_227 = arith.constant 0 : i32
    %dma_wait3A_228 = arith.constant 0 : i32
    %dma_wait3A_229 = tpu.memref_slice %arg9[%dma_wait3A_218, %dma_wait3A_227, %dma_wait3A_228] : memref<2x200x128xf32, #tpu.memory_space<vmem>> -> memref<1x200x128xf32, #tpu.memory_space<vmem>>
    %dma_wait3A_230 = tpu.memref_squeeze %dma_wait3A_229 : memref<1x200x128xf32, #tpu.memory_space<vmem>> -> memref<200x128xf32, #tpu.memory_space<vmem>>
    tpu.wait_dma2 semaphore(%arg13 : memref<!tpu.dma_semaphore, #tpu.memory_space<semaphore_mem>>) src(%dma_wait3A_230 : memref<200x128xf32, #tpu.memory_space<vmem>>) dst(%dma_wait3A_226 : memref<200x128xf32, #tpu.memory_space<hbm>>)
    %dma_wait3A_231 = arith.constant 0 : i32
    %dma_wait3A_232 = arith.constant 0 : i32
    %dma_wait3A_233 = arith.constant 0 : i32
    %dma_wait3A_234 = tpu.memref_slice %arg9[%dma_wait3A_231, %dma_wait3A_232, %dma_wait3A_233] : memref<2x200x128xf32, #tpu.memory_space<vmem>> -> memref<1x200x128xf32, #tpu.memory_space<vmem>>
    %dma_wait3A_235 = tpu.memref_squeeze %dma_wait3A_234 : memref<1x200x128xf32, #tpu.memory_space<vmem>> -> memref<200x128xf32, #tpu.memory_space<vmem>>
    %dma_wait3A_236 = arith.constant 0 : i32
    %dma_wait3A_237 = tpu.memref_slice %arg6[%add3A_9, %dma_wait3A_236] : memref<160000x128xf32, #tpu.memory_space<hbm>> -> memref<200x128xf32, #tpu.memory_space<hbm>>
    %dma_wait3A_238 = arith.constant 0 : i32
    %dma_wait3A_239 = tpu.memref_slice %arg6[%add3A_9, %dma_wait3A_238] : memref<160000x128xf32, #tpu.memory_space<hbm>> -> memref<200x128xf32, #tpu.memory_space<hbm>>
    %dma_wait3A_240 = arith.constant 0 : i32
    %dma_wait3A_241 = arith.constant 0 : i32
    %dma_wait3A_242 = tpu.memref_slice %arg9[%dma_wait3A_231, %dma_wait3A_240, %dma_wait3A_241] : memref<2x200x128xf32, #tpu.memory_space<vmem>> -> memref<1x200x128xf32, #tpu.memory_space<vmem>>
    %dma_wait3A_243 = tpu.memref_squeeze %dma_wait3A_242 : memref<1x200x128xf32, #tpu.memory_space<vmem>> -> memref<200x128xf32, #tpu.memory_space<vmem>>
    tpu.wait_dma2 semaphore(%arg12 : memref<!tpu.dma_semaphore, #tpu.memory_space<semaphore_mem>>) src(%dma_wait3A_243 : memref<200x128xf32, #tpu.memory_space<vmem>>) dst(%dma_wait3A_239 : memref<200x128xf32, #tpu.memory_space<hbm>>)
    return
  }
}

#map = affine_map<(d0, d1) -> (0, 0)>
#map1 = affine_map<(d0, d1) -> (0)>
module attributes {stable_mosaic.version = 14 : i64} {
  func.func @_sc_edge(%arg0: i32, %arg1: i32, %arg2: memref<10000x128xf32, #tpu.memory_space<hbm>>, %arg3: memref<10000x128xf32, #tpu.memory_space<hbm>>, %arg4: memref<320000xi32, #tpu.memory_space<hbm>>, %arg5: memref<320000xi32, #tpu.memory_space<hbm>>, %arg6: memref<160000x128xf32, #tpu.memory_space<hbm>>, %arg7: memref<5000xi32, #tpu.memory_space<vmem>>, %arg8: memref<5000xi32, #tpu.memory_space<vmem>>, %arg9: memref<2x200x128xf32, #tpu.memory_space<vmem>>, %arg10: memref<!tpu.dma_semaphore, #tpu.memory_space<semaphore_mem>>, %arg11: memref<!tpu.dma_semaphore, #tpu.memory_space<semaphore_mem>>, %arg12: memref<!tpu.dma_semaphore, #tpu.memory_space<semaphore_mem>>, %arg13: memref<!tpu.dma_semaphore, #tpu.memory_space<semaphore_mem>>) attributes {dimension_semantics = [#tpu.dimension_semantics<core_parallel>, #tpu.dimension_semantics<subcore_parallel>], iteration_bounds = array<i64: 2, 16>, scalar_prefetch = 0 : i64, scratch_operands = 7 : i64, tpu.core_type = #tpu.core_type<sc_vector_subcore>, window_params = [{transform_indices = #map}, {transform_indices = #map}, {transform_indices = #map1}, {transform_indices = #map1}, {transform_indices = #map}]} {
    %mul3A = arith.constant 80000 : i32
    %mul3A_0 = arith.muli %arg0, %mul3A : i32
    %add3A = arith.constant 0 : i32
    %add3A_1 = arith.addi %add3A, %mul3A_0 : i32
    %mul3A_2 = arith.constant 5000 : i32
    %mul3A_3 = arith.muli %arg1, %mul3A_2 : i32
    %add3A_4 = arith.addi %add3A_1, %mul3A_3 : i32
    %mul3A_5 = arith.constant 80000 : i32
    %mul3A_6 = arith.muli %arg0, %mul3A_5 : i32
    %mul3A_7 = arith.constant 5000 : i32
    %mul3A_8 = arith.muli %arg1, %mul3A_7 : i32
    %add3A_9 = arith.addi %mul3A_6, %mul3A_8 : i32
    "tpu.region"() ({
      %run_scoped3A = tpu.sem_alloc : memref<!tpu.dma_semaphore, #tpu.memory_space<semaphore_mem>>
      %dma_start3A_244 = tpu.memref_slice %arg4[%add3A_4] : memref<320000xi32, #tpu.memory_space<hbm>> -> memref<5000xi32, #tpu.memory_space<hbm>>
      %dma_start3A_245 = tpu.memref_slice %arg4[%add3A_4] : memref<320000xi32, #tpu.memory_space<hbm>> -> memref<5000xi32, #tpu.memory_space<hbm>>
      tpu.enqueue_dma source(%dma_start3A_245 : memref<5000xi32, #tpu.memory_space<hbm>>) target(%arg7 : memref<5000xi32, #tpu.memory_space<vmem>>) target_semaphore(%run_scoped3A : memref<!tpu.dma_semaphore, #tpu.memory_space<semaphore_mem>>)
      %dma_wait3A_246 = tpu.memref_slice %arg4[%add3A_4] : memref<320000xi32, #tpu.memory_space<hbm>> -> memref<5000xi32, #tpu.memory_space<hbm>>
      %dma_wait3A_247 = tpu.memref_slice %arg4[%add3A_4] : memref<320000xi32, #tpu.memory_space<hbm>> -> memref<5000xi32, #tpu.memory_space<hbm>>
      tpu.wait_dma2 semaphore(%run_scoped3A : memref<!tpu.dma_semaphore, #tpu.memory_space<semaphore_mem>>) src(%dma_wait3A_247 : memref<5000xi32, #tpu.memory_space<hbm>>) dst(%arg7 : memref<5000xi32, #tpu.memory_space<vmem>>)
      tpu.yield
    }) : () -> ()
    "tpu.region"() ({
      %run_scoped3A = tpu.sem_alloc : memref<!tpu.dma_semaphore, #tpu.memory_space<semaphore_mem>>
      %dma_start3A_244 = tpu.memref_slice %arg5[%add3A_4] : memref<320000xi32, #tpu.memory_space<hbm>> -> memref<5000xi32, #tpu.memory_space<hbm>>
      %dma_start3A_245 = tpu.memref_slice %arg5[%add3A_4] : memref<320000xi32, #tpu.memory_space<hbm>> -> memref<5000xi32, #tpu.memory_space<hbm>>
      tpu.enqueue_dma source(%dma_start3A_245 : memref<5000xi32, #tpu.memory_space<hbm>>) target(%arg8 : memref<5000xi32, #tpu.memory_space<vmem>>) target_semaphore(%run_scoped3A : memref<!tpu.dma_semaphore, #tpu.memory_space<semaphore_mem>>)
      %dma_wait3A_246 = tpu.memref_slice %arg5[%add3A_4] : memref<320000xi32, #tpu.memory_space<hbm>> -> memref<5000xi32, #tpu.memory_space<hbm>>
      %dma_wait3A_247 = tpu.memref_slice %arg5[%add3A_4] : memref<320000xi32, #tpu.memory_space<hbm>> -> memref<5000xi32, #tpu.memory_space<hbm>>
      tpu.wait_dma2 semaphore(%run_scoped3A : memref<!tpu.dma_semaphore, #tpu.memory_space<semaphore_mem>>) src(%dma_wait3A_247 : memref<5000xi32, #tpu.memory_space<hbm>>) dst(%arg8 : memref<5000xi32, #tpu.memory_space<vmem>>)
      tpu.yield
    }) : () -> ()
    %dma_start3A = arith.constant 0 : i32
    %dma_start3A_10 = arith.constant 0 : i32
    %dma_start3A_11 = arith.constant 0 : i32
    %dma_start3A_12 = tpu.memref_slice %arg9[%dma_start3A, %dma_start3A_10, %dma_start3A_11] : memref<2x200x128xf32, #tpu.memory_space<vmem>> -> memref<1x200x128xf32, #tpu.memory_space<vmem>>
    %dma_start3A_13 = tpu.memref_squeeze %dma_start3A_12 : memref<1x200x128xf32, #tpu.memory_space<vmem>> -> memref<200x128xf32, #tpu.memory_space<vmem>>
    %dma_start3A_14 = arith.constant 0 : i32
    %dma_start3A_15 = tpu.memref_slice %arg7[%dma_start3A_14] : memref<5000xi32, #tpu.memory_space<vmem>> -> memref<200xi32, #tpu.memory_space<vmem>>
    %dma_start3A_16 = arith.constant 0 : i32
    %dma_start3A_17 = arith.constant 0 : i32
    %dma_start3A_18 = tpu.memref_slice %arg2[%dma_start3A_16, %dma_start3A_17] : memref<10000x128xf32, #tpu.memory_space<hbm>> -> memref<10000x128xf32, #tpu.memory_space<hbm>>
    tpu.enqueue_indirect_dma source(%dma_start3A_18 : memref<10000x128xf32, #tpu.memory_space<hbm>>) target(%dma_start3A_13 : memref<200x128xf32, #tpu.memory_space<vmem>>) offsets(%dma_start3A_15 : memref<200xi32, #tpu.memory_space<vmem>>) semaphore(%arg10 : memref<!tpu.dma_semaphore, #tpu.memory_space<semaphore_mem>>)
    %add3A_19 = arith.constant 200 : i32
    %add3A_20 = arith.addi %add3A_9, %add3A_19 : i32
    %dma_start3A_21 = arith.constant 1 : i32
    %dma_start3A_22 = arith.constant 0 : i32
    %dma_start3A_23 = arith.constant 0 : i32
    %dma_start3A_24 = tpu.memref_slice %arg9[%dma_start3A_21, %dma_start3A_22, %dma_start3A_23] : memref<2x200x128xf32, #tpu.memory_space<vmem>> -> memref<1x200x128xf32, #tpu.memory_space<vmem>>
    %dma_start3A_25 = tpu.memref_squeeze %dma_start3A_24 : memref<1x200x128xf32, #tpu.memory_space<vmem>> -> memref<200x128xf32, #tpu.memory_space<vmem>>
    %dma_start3A_26 = arith.constant 0 : i32
    %dma_start3A_27 = tpu.memref_slice %arg6[%add3A_20, %dma_start3A_26] : memref<160000x128xf32, #tpu.memory_space<hbm>> -> memref<200x128xf32, #tpu.memory_space<hbm>>
    %dma_start3A_28 = arith.constant 0 : i32
    %dma_start3A_29 = tpu.memref_slice %arg6[%add3A_20, %dma_start3A_28] : memref<160000x128xf32, #tpu.memory_space<hbm>> -> memref<200x128xf32, #tpu.memory_space<hbm>>
    %dma_start3A_30 = arith.constant 0 : i32
    %dma_start3A_31 = arith.constant 0 : i32
    %dma_start3A_32 = tpu.memref_slice %arg9[%dma_start3A_21, %dma_start3A_30, %dma_start3A_31] : memref<2x200x128xf32, #tpu.memory_space<vmem>> -> memref<1x200x128xf32, #tpu.memory_space<vmem>>
    %dma_start3A_33 = tpu.memref_squeeze %dma_start3A_32 : memref<1x200x128xf32, #tpu.memory_space<vmem>> -> memref<200x128xf32, #tpu.memory_space<vmem>>
    tpu.enqueue_dma source(%dma_start3A_33 : memref<200x128xf32, #tpu.memory_space<vmem>>) target(%dma_start3A_29 : memref<200x128xf32, #tpu.memory_space<hbm>>) target_semaphore(%arg13 : memref<!tpu.dma_semaphore, #tpu.memory_space<semaphore_mem>>)
    %scan3A = arith.constant 0 : i32
    %scan3A_34 = arith.constant 11 : i32
    %scan3A_35 = arith.addi %scan3A, %scan3A_34 : i32
    %scan3A_36 = arith.constant 1 : i32
    scf.for %scan3A_244 = %scan3A to %scan3A_35 step %scan3A_36  : i32 {
      %mul3A_245 = arith.constant 2 : i32
      %mul3A_246 = arith.muli %mul3A_245, %scan3A_244 : i32
      %mul3A_247 = arith.constant 200 : i32
      %mul3A_248 = arith.muli %mul3A_246, %mul3A_247 : i32
      %dma_wait3A_249 = arith.constant 0 : i32
      %dma_wait3A_250 = arith.constant 0 : i32
      %dma_wait3A_251 = arith.constant 0 : i32
      %dma_wait3A_252 = tpu.memref_slice %arg9[%dma_wait3A_249, %dma_wait3A_250, %dma_wait3A_251] : memref<2x200x128xf32, #tpu.memory_space<vmem>> -> memref<1x200x128xf32, #tpu.memory_space<vmem>>
      %dma_wait3A_253 = tpu.memref_squeeze %dma_wait3A_252 : memref<1x200x128xf32, #tpu.memory_space<vmem>> -> memref<200x128xf32, #tpu.memory_space<vmem>>
      %dma_wait3A_254 = tpu.memref_slice %arg7[%mul3A_248] : memref<5000xi32, #tpu.memory_space<vmem>> -> memref<200xi32, #tpu.memory_space<vmem>>
      %dma_wait3A_255 = arith.constant 0 : i32
      %dma_wait3A_256 = arith.constant 0 : i32
      %dma_wait3A_257 = tpu.memref_slice %arg2[%dma_wait3A_255, %dma_wait3A_256] : memref<10000x128xf32, #tpu.memory_space<hbm>> -> memref<10000x128xf32, #tpu.memory_space<hbm>>
      tpu.wait_indirect_dma semaphore(%arg10 : memref<!tpu.dma_semaphore, #tpu.memory_space<semaphore_mem>>) src(%dma_wait3A_257 : memref<10000x128xf32, #tpu.memory_space<hbm>>) dst(%dma_wait3A_253 : memref<200x128xf32, #tpu.memory_space<vmem>>)
      %mul3A_258 = arith.constant 200 : i32
      %mul3A_259 = arith.muli %mul3A_246, %mul3A_258 : i32
      %dma_start3A_260 = arith.constant 0 : i32
      %dma_start3A_261 = arith.constant 0 : i32
      %dma_start3A_262 = arith.constant 0 : i32
      %dma_start3A_263 = tpu.memref_slice %arg9[%dma_start3A_260, %dma_start3A_261, %dma_start3A_262] : memref<2x200x128xf32, #tpu.memory_space<vmem>> -> memref<1x200x128xf32, #tpu.memory_space<vmem>>
      %dma_start3A_264 = tpu.memref_squeeze %dma_start3A_263 : memref<1x200x128xf32, #tpu.memory_space<vmem>> -> memref<200x128xf32, #tpu.memory_space<vmem>>
      %dma_start3A_265 = tpu.memref_slice %arg8[%mul3A_259] : memref<5000xi32, #tpu.memory_space<vmem>> -> memref<200xi32, #tpu.memory_space<vmem>>
      %dma_start3A_266 = arith.constant 0 : i32
      %dma_start3A_267 = arith.constant 0 : i32
      %dma_start3A_268 = tpu.memref_slice %arg3[%dma_start3A_266, %dma_start3A_267] : memref<10000x128xf32, #tpu.memory_space<hbm>> -> memref<10000x128xf32, #tpu.memory_space<hbm>>
      tpu.enqueue_indirect_dma source(%dma_start3A_268 : memref<10000x128xf32, #tpu.memory_space<hbm>>) target(%dma_start3A_264 : memref<200x128xf32, #tpu.memory_space<vmem>>) offsets(%dma_start3A_265 : memref<200xi32, #tpu.memory_space<vmem>>) semaphore(%arg10 : memref<!tpu.dma_semaphore, #tpu.memory_space<semaphore_mem>>) {add = true}
      %dma_wait3A_269 = arith.constant 1 : i32
      %dma_wait3A_270 = arith.constant 0 : i32
      %dma_wait3A_271 = arith.constant 0 : i32
      %dma_wait3A_272 = tpu.memref_slice %arg9[%dma_wait3A_269, %dma_wait3A_270, %dma_wait3A_271] : memref<2x200x128xf32, #tpu.memory_space<vmem>> -> memref<1x200x128xf32, #tpu.memory_space<vmem>>
      %dma_wait3A_273 = tpu.memref_squeeze %dma_wait3A_272 : memref<1x200x128xf32, #tpu.memory_space<vmem>> -> memref<200x128xf32, #tpu.memory_space<vmem>>
      %dma_wait3A_274 = arith.constant 0 : i32
      %dma_wait3A_275 = tpu.memref_slice %arg6[%add3A_9, %dma_wait3A_274] : memref<160000x128xf32, #tpu.memory_space<hbm>> -> memref<200x128xf32, #tpu.memory_space<hbm>>
      %dma_wait3A_276 = arith.constant 0 : i32
      %dma_wait3A_277 = tpu.memref_slice %arg6[%add3A_9, %dma_wait3A_276] : memref<160000x128xf32, #tpu.memory_space<hbm>> -> memref<200x128xf32, #tpu.memory_space<hbm>>
      %dma_wait3A_278 = arith.constant 0 : i32
      %dma_wait3A_279 = arith.constant 0 : i32
      %dma_wait3A_280 = tpu.memref_slice %arg9[%dma_wait3A_269, %dma_wait3A_278, %dma_wait3A_279] : memref<2x200x128xf32, #tpu.memory_space<vmem>> -> memref<1x200x128xf32, #tpu.memory_space<vmem>>
      %dma_wait3A_281 = tpu.memref_squeeze %dma_wait3A_280 : memref<1x200x128xf32, #tpu.memory_space<vmem>> -> memref<200x128xf32, #tpu.memory_space<vmem>>
      tpu.wait_dma2 semaphore(%arg13 : memref<!tpu.dma_semaphore, #tpu.memory_space<semaphore_mem>>) src(%dma_wait3A_281 : memref<200x128xf32, #tpu.memory_space<vmem>>) dst(%dma_wait3A_277 : memref<200x128xf32, #tpu.memory_space<hbm>>)
      %add3A_282 = arith.constant 1 : i32
      %add3A_283 = arith.addi %mul3A_246, %add3A_282 : i32
      %mul3A_284 = arith.constant 200 : i32
      %mul3A_285 = arith.muli %add3A_283, %mul3A_284 : i32
      %dma_start3A_286 = arith.constant 1 : i32
      %dma_start3A_287 = arith.constant 0 : i32
      %dma_start3A_288 = arith.constant 0 : i32
      %dma_start3A_289 = tpu.memref_slice %arg9[%dma_start3A_286, %dma_start3A_287, %dma_start3A_288] : memref<2x200x128xf32, #tpu.memory_space<vmem>> -> memref<1x200x128xf32, #tpu.memory_space<vmem>>
      %dma_start3A_290 = tpu.memref_squeeze %dma_start3A_289 : memref<1x200x128xf32, #tpu.memory_space<vmem>> -> memref<200x128xf32, #tpu.memory_space<vmem>>
      %dma_start3A_291 = tpu.memref_slice %arg7[%mul3A_285] : memref<5000xi32, #tpu.memory_space<vmem>> -> memref<200xi32, #tpu.memory_space<vmem>>
      %dma_start3A_292 = arith.constant 0 : i32
      %dma_start3A_293 = arith.constant 0 : i32
      %dma_start3A_294 = tpu.memref_slice %arg2[%dma_start3A_292, %dma_start3A_293] : memref<10000x128xf32, #tpu.memory_space<hbm>> -> memref<10000x128xf32, #tpu.memory_space<hbm>>
      tpu.enqueue_indirect_dma source(%dma_start3A_294 : memref<10000x128xf32, #tpu.memory_space<hbm>>) target(%dma_start3A_290 : memref<200x128xf32, #tpu.memory_space<vmem>>) offsets(%dma_start3A_291 : memref<200xi32, #tpu.memory_space<vmem>>) semaphore(%arg11 : memref<!tpu.dma_semaphore, #tpu.memory_space<semaphore_mem>>)
      %mul3A_295 = arith.constant 200 : i32
      %mul3A_296 = arith.muli %mul3A_246, %mul3A_295 : i32
      %dma_wait3A_297 = arith.constant 0 : i32
      %dma_wait3A_298 = arith.constant 0 : i32
      %dma_wait3A_299 = arith.constant 0 : i32
      %dma_wait3A_300 = tpu.memref_slice %arg9[%dma_wait3A_297, %dma_wait3A_298, %dma_wait3A_299] : memref<2x200x128xf32, #tpu.memory_space<vmem>> -> memref<1x200x128xf32, #tpu.memory_space<vmem>>
      %dma_wait3A_301 = tpu.memref_squeeze %dma_wait3A_300 : memref<1x200x128xf32, #tpu.memory_space<vmem>> -> memref<200x128xf32, #tpu.memory_space<vmem>>
      %dma_wait3A_302 = tpu.memref_slice %arg7[%mul3A_296] : memref<5000xi32, #tpu.memory_space<vmem>> -> memref<200xi32, #tpu.memory_space<vmem>>
      %dma_wait3A_303 = arith.constant 0 : i32
      %dma_wait3A_304 = arith.constant 0 : i32
      %dma_wait3A_305 = tpu.memref_slice %arg2[%dma_wait3A_303, %dma_wait3A_304] : memref<10000x128xf32, #tpu.memory_space<hbm>> -> memref<10000x128xf32, #tpu.memory_space<hbm>>
      tpu.wait_indirect_dma semaphore(%arg10 : memref<!tpu.dma_semaphore, #tpu.memory_space<semaphore_mem>>) src(%dma_wait3A_305 : memref<10000x128xf32, #tpu.memory_space<hbm>>) dst(%dma_wait3A_301 : memref<200x128xf32, #tpu.memory_space<vmem>>)
      %mul3A_306 = arith.constant 200 : i32
      %mul3A_307 = arith.muli %mul3A_246, %mul3A_306 : i32
      %add3A_308 = arith.addi %add3A_9, %mul3A_307 : i32
      %dma_start3A_309 = arith.constant 0 : i32
      %dma_start3A_310 = arith.constant 0 : i32
      %dma_start3A_311 = arith.constant 0 : i32
      %dma_start3A_312 = tpu.memref_slice %arg9[%dma_start3A_309, %dma_start3A_310, %dma_start3A_311] : memref<2x200x128xf32, #tpu.memory_space<vmem>> -> memref<1x200x128xf32, #tpu.memory_space<vmem>>
      %dma_start3A_313 = tpu.memref_squeeze %dma_start3A_312 : memref<1x200x128xf32, #tpu.memory_space<vmem>> -> memref<200x128xf32, #tpu.memory_space<vmem>>
      %dma_start3A_314 = arith.constant 0 : i32
      %dma_start3A_315 = tpu.memref_slice %arg6[%add3A_308, %dma_start3A_314] : memref<160000x128xf32, #tpu.memory_space<hbm>> -> memref<200x128xf32, #tpu.memory_space<hbm>>
      %dma_start3A_316 = arith.constant 0 : i32
      %dma_start3A_317 = tpu.memref_slice %arg6[%add3A_308, %dma_start3A_316] : memref<160000x128xf32, #tpu.memory_space<hbm>> -> memref<200x128xf32, #tpu.memory_space<hbm>>
      %dma_start3A_318 = arith.constant 0 : i32
      %dma_start3A_319 = arith.constant 0 : i32
      %dma_start3A_320 = tpu.memref_slice %arg9[%dma_start3A_309, %dma_start3A_318, %dma_start3A_319] : memref<2x200x128xf32, #tpu.memory_space<vmem>> -> memref<1x200x128xf32, #tpu.memory_space<vmem>>
      %dma_start3A_321 = tpu.memref_squeeze %dma_start3A_320 : memref<1x200x128xf32, #tpu.memory_space<vmem>> -> memref<200x128xf32, #tpu.memory_space<vmem>>
      tpu.enqueue_dma source(%dma_start3A_321 : memref<200x128xf32, #tpu.memory_space<vmem>>) target(%dma_start3A_317 : memref<200x128xf32, #tpu.memory_space<hbm>>) target_semaphore(%arg12 : memref<!tpu.dma_semaphore, #tpu.memory_space<semaphore_mem>>)
      %add3A_322 = arith.constant 1 : i32
      %add3A_323 = arith.addi %mul3A_246, %add3A_322 : i32
      %mul3A_324 = arith.constant 200 : i32
      %mul3A_325 = arith.muli %add3A_323, %mul3A_324 : i32
      %dma_wait3A_326 = arith.constant 1 : i32
      %dma_wait3A_327 = arith.constant 0 : i32
      %dma_wait3A_328 = arith.constant 0 : i32
      %dma_wait3A_329 = tpu.memref_slice %arg9[%dma_wait3A_326, %dma_wait3A_327, %dma_wait3A_328] : memref<2x200x128xf32, #tpu.memory_space<vmem>> -> memref<1x200x128xf32, #tpu.memory_space<vmem>>
      %dma_wait3A_330 = tpu.memref_squeeze %dma_wait3A_329 : memref<1x200x128xf32, #tpu.memory_space<vmem>> -> memref<200x128xf32, #tpu.memory_space<vmem>>
      %dma_wait3A_331 = tpu.memref_slice %arg7[%mul3A_325] : memref<5000xi32, #tpu.memory_space<vmem>> -> memref<200xi32, #tpu.memory_space<vmem>>
      %dma_wait3A_332 = arith.constant 0 : i32
      %dma_wait3A_333 = arith.constant 0 : i32
      %dma_wait3A_334 = tpu.memref_slice %arg2[%dma_wait3A_332, %dma_wait3A_333] : memref<10000x128xf32, #tpu.memory_space<hbm>> -> memref<10000x128xf32, #tpu.memory_space<hbm>>
      tpu.wait_indirect_dma semaphore(%arg11 : memref<!tpu.dma_semaphore, #tpu.memory_space<semaphore_mem>>) src(%dma_wait3A_334 : memref<10000x128xf32, #tpu.memory_space<hbm>>) dst(%dma_wait3A_330 : memref<200x128xf32, #tpu.memory_space<vmem>>)
      %mul3A_335 = arith.constant 200 : i32
      %mul3A_336 = arith.muli %add3A_323, %mul3A_335 : i32
      %dma_start3A_337 = arith.constant 1 : i32
      %dma_start3A_338 = arith.constant 0 : i32
      %dma_start3A_339 = arith.constant 0 : i32
      %dma_start3A_340 = tpu.memref_slice %arg9[%dma_start3A_337, %dma_start3A_338, %dma_start3A_339] : memref<2x200x128xf32, #tpu.memory_space<vmem>> -> memref<1x200x128xf32, #tpu.memory_space<vmem>>
      %dma_start3A_341 = tpu.memref_squeeze %dma_start3A_340 : memref<1x200x128xf32, #tpu.memory_space<vmem>> -> memref<200x128xf32, #tpu.memory_space<vmem>>
      %dma_start3A_342 = tpu.memref_slice %arg8[%mul3A_336] : memref<5000xi32, #tpu.memory_space<vmem>> -> memref<200xi32, #tpu.memory_space<vmem>>
      %dma_start3A_343 = arith.constant 0 : i32
      %dma_start3A_344 = arith.constant 0 : i32
      %dma_start3A_345 = tpu.memref_slice %arg3[%dma_start3A_343, %dma_start3A_344] : memref<10000x128xf32, #tpu.memory_space<hbm>> -> memref<10000x128xf32, #tpu.memory_space<hbm>>
      tpu.enqueue_indirect_dma source(%dma_start3A_345 : memref<10000x128xf32, #tpu.memory_space<hbm>>) target(%dma_start3A_341 : memref<200x128xf32, #tpu.memory_space<vmem>>) offsets(%dma_start3A_342 : memref<200xi32, #tpu.memory_space<vmem>>) semaphore(%arg11 : memref<!tpu.dma_semaphore, #tpu.memory_space<semaphore_mem>>) {add = true}
      %dma_wait3A_346 = arith.constant 0 : i32
      %dma_wait3A_347 = arith.constant 0 : i32
      %dma_wait3A_348 = arith.constant 0 : i32
      %dma_wait3A_349 = tpu.memref_slice %arg9[%dma_wait3A_346, %dma_wait3A_347, %dma_wait3A_348] : memref<2x200x128xf32, #tpu.memory_space<vmem>> -> memref<1x200x128xf32, #tpu.memory_space<vmem>>
      %dma_wait3A_350 = tpu.memref_squeeze %dma_wait3A_349 : memref<1x200x128xf32, #tpu.memory_space<vmem>> -> memref<200x128xf32, #tpu.memory_space<vmem>>
      %dma_wait3A_351 = arith.constant 0 : i32
      %dma_wait3A_352 = tpu.memref_slice %arg6[%add3A_9, %dma_wait3A_351] : memref<160000x128xf32, #tpu.memory_space<hbm>> -> memref<200x128xf32, #tpu.memory_space<hbm>>
      %dma_wait3A_353 = arith.constant 0 : i32
      %dma_wait3A_354 = tpu.memref_slice %arg6[%add3A_9, %dma_wait3A_353] : memref<160000x128xf32, #tpu.memory_space<hbm>> -> memref<200x128xf32, #tpu.memory_space<hbm>>
      %dma_wait3A_355 = arith.constant 0 : i32
      %dma_wait3A_356 = arith.constant 0 : i32
      %dma_wait3A_357 = tpu.memref_slice %arg9[%dma_wait3A_346, %dma_wait3A_355, %dma_wait3A_356] : memref<2x200x128xf32, #tpu.memory_space<vmem>> -> memref<1x200x128xf32, #tpu.memory_space<vmem>>
      %dma_wait3A_358 = tpu.memref_squeeze %dma_wait3A_357 : memref<1x200x128xf32, #tpu.memory_space<vmem>> -> memref<200x128xf32, #tpu.memory_space<vmem>>
      tpu.wait_dma2 semaphore(%arg12 : memref<!tpu.dma_semaphore, #tpu.memory_space<semaphore_mem>>) src(%dma_wait3A_358 : memref<200x128xf32, #tpu.memory_space<vmem>>) dst(%dma_wait3A_354 : memref<200x128xf32, #tpu.memory_space<hbm>>)
      %add3A_359 = arith.constant 1 : i32
      %add3A_360 = arith.addi %add3A_323, %add3A_359 : i32
      %mul3A_361 = arith.constant 200 : i32
      %mul3A_362 = arith.muli %add3A_360, %mul3A_361 : i32
      %dma_start3A_363 = arith.constant 0 : i32
      %dma_start3A_364 = arith.constant 0 : i32
      %dma_start3A_365 = arith.constant 0 : i32
      %dma_start3A_366 = tpu.memref_slice %arg9[%dma_start3A_363, %dma_start3A_364, %dma_start3A_365] : memref<2x200x128xf32, #tpu.memory_space<vmem>> -> memref<1x200x128xf32, #tpu.memory_space<vmem>>
      %dma_start3A_367 = tpu.memref_squeeze %dma_start3A_366 : memref<1x200x128xf32, #tpu.memory_space<vmem>> -> memref<200x128xf32, #tpu.memory_space<vmem>>
      %dma_start3A_368 = tpu.memref_slice %arg7[%mul3A_362] : memref<5000xi32, #tpu.memory_space<vmem>> -> memref<200xi32, #tpu.memory_space<vmem>>
      %dma_start3A_369 = arith.constant 0 : i32
      %dma_start3A_370 = arith.constant 0 : i32
      %dma_start3A_371 = tpu.memref_slice %arg2[%dma_start3A_369, %dma_start3A_370] : memref<10000x128xf32, #tpu.memory_space<hbm>> -> memref<10000x128xf32, #tpu.memory_space<hbm>>
      tpu.enqueue_indirect_dma source(%dma_start3A_371 : memref<10000x128xf32, #tpu.memory_space<hbm>>) target(%dma_start3A_367 : memref<200x128xf32, #tpu.memory_space<vmem>>) offsets(%dma_start3A_368 : memref<200xi32, #tpu.memory_space<vmem>>) semaphore(%arg10 : memref<!tpu.dma_semaphore, #tpu.memory_space<semaphore_mem>>)
      %mul3A_372 = arith.constant 200 : i32
      %mul3A_373 = arith.muli %add3A_323, %mul3A_372 : i32
      %dma_wait3A_374 = arith.constant 1 : i32
      %dma_wait3A_375 = arith.constant 0 : i32
      %dma_wait3A_376 = arith.constant 0 : i32
      %dma_wait3A_377 = tpu.memref_slice %arg9[%dma_wait3A_374, %dma_wait3A_375, %dma_wait3A_376] : memref<2x200x128xf32, #tpu.memory_space<vmem>> -> memref<1x200x128xf32, #tpu.memory_space<vmem>>
      %dma_wait3A_378 = tpu.memref_squeeze %dma_wait3A_377 : memref<1x200x128xf32, #tpu.memory_space<vmem>> -> memref<200x128xf32, #tpu.memory_space<vmem>>
      %dma_wait3A_379 = tpu.memref_slice %arg7[%mul3A_373] : memref<5000xi32, #tpu.memory_space<vmem>> -> memref<200xi32, #tpu.memory_space<vmem>>
      %dma_wait3A_380 = arith.constant 0 : i32
      %dma_wait3A_381 = arith.constant 0 : i32
      %dma_wait3A_382 = tpu.memref_slice %arg2[%dma_wait3A_380, %dma_wait3A_381] : memref<10000x128xf32, #tpu.memory_space<hbm>> -> memref<10000x128xf32, #tpu.memory_space<hbm>>
      tpu.wait_indirect_dma semaphore(%arg11 : memref<!tpu.dma_semaphore, #tpu.memory_space<semaphore_mem>>) src(%dma_wait3A_382 : memref<10000x128xf32, #tpu.memory_space<hbm>>) dst(%dma_wait3A_378 : memref<200x128xf32, #tpu.memory_space<vmem>>)
      %mul3A_383 = arith.constant 200 : i32
      %mul3A_384 = arith.muli %add3A_323, %mul3A_383 : i32
      %add3A_385 = arith.addi %add3A_9, %mul3A_384 : i32
      %dma_start3A_386 = arith.constant 1 : i32
      %dma_start3A_387 = arith.constant 0 : i32
      %dma_start3A_388 = arith.constant 0 : i32
      %dma_start3A_389 = tpu.memref_slice %arg9[%dma_start3A_386, %dma_start3A_387, %dma_start3A_388] : memref<2x200x128xf32, #tpu.memory_space<vmem>> -> memref<1x200x128xf32, #tpu.memory_space<vmem>>
      %dma_start3A_390 = tpu.memref_squeeze %dma_start3A_389 : memref<1x200x128xf32, #tpu.memory_space<vmem>> -> memref<200x128xf32, #tpu.memory_space<vmem>>
      %dma_start3A_391 = arith.constant 0 : i32
      %dma_start3A_392 = tpu.memref_slice %arg6[%add3A_385, %dma_start3A_391] : memref<160000x128xf32, #tpu.memory_space<hbm>> -> memref<200x128xf32, #tpu.memory_space<hbm>>
      %dma_start3A_393 = arith.constant 0 : i32
      %dma_start3A_394 = tpu.memref_slice %arg6[%add3A_385, %dma_start3A_393] : memref<160000x128xf32, #tpu.memory_space<hbm>> -> memref<200x128xf32, #tpu.memory_space<hbm>>
      %dma_start3A_395 = arith.constant 0 : i32
      %dma_start3A_396 = arith.constant 0 : i32
      %dma_start3A_397 = tpu.memref_slice %arg9[%dma_start3A_386, %dma_start3A_395, %dma_start3A_396] : memref<2x200x128xf32, #tpu.memory_space<vmem>> -> memref<1x200x128xf32, #tpu.memory_space<vmem>>
      %dma_start3A_398 = tpu.memref_squeeze %dma_start3A_397 : memref<1x200x128xf32, #tpu.memory_space<vmem>> -> memref<200x128xf32, #tpu.memory_space<vmem>>
      tpu.enqueue_dma source(%dma_start3A_398 : memref<200x128xf32, #tpu.memory_space<vmem>>) target(%dma_start3A_394 : memref<200x128xf32, #tpu.memory_space<hbm>>) target_semaphore(%arg13 : memref<!tpu.dma_semaphore, #tpu.memory_space<semaphore_mem>>)
    }
    %scan3A_37 = arith.constant 11 : i32
    %dma_wait3A = arith.constant 0 : i32
    %dma_wait3A_38 = arith.constant 0 : i32
    %dma_wait3A_39 = arith.constant 0 : i32
    %dma_wait3A_40 = tpu.memref_slice %arg9[%dma_wait3A, %dma_wait3A_38, %dma_wait3A_39] : memref<2x200x128xf32, #tpu.memory_space<vmem>> -> memref<1x200x128xf32, #tpu.memory_space<vmem>>
    %dma_wait3A_41 = tpu.memref_squeeze %dma_wait3A_40 : memref<1x200x128xf32, #tpu.memory_space<vmem>> -> memref<200x128xf32, #tpu.memory_space<vmem>>
    %dma_wait3A_42 = arith.constant 4400 : i32
    %dma_wait3A_43 = tpu.memref_slice %arg7[%dma_wait3A_42] : memref<5000xi32, #tpu.memory_space<vmem>> -> memref<200xi32, #tpu.memory_space<vmem>>
    %dma_wait3A_44 = arith.constant 0 : i32
    %dma_wait3A_45 = arith.constant 0 : i32
    %dma_wait3A_46 = tpu.memref_slice %arg2[%dma_wait3A_44, %dma_wait3A_45] : memref<10000x128xf32, #tpu.memory_space<hbm>> -> memref<10000x128xf32, #tpu.memory_space<hbm>>
    tpu.wait_indirect_dma semaphore(%arg10 : memref<!tpu.dma_semaphore, #tpu.memory_space<semaphore_mem>>) src(%dma_wait3A_46 : memref<10000x128xf32, #tpu.memory_space<hbm>>) dst(%dma_wait3A_41 : memref<200x128xf32, #tpu.memory_space<vmem>>)
    %dma_start3A_47 = arith.constant 0 : i32
    %dma_start3A_48 = arith.constant 0 : i32
    %dma_start3A_49 = arith.constant 0 : i32
    %dma_start3A_50 = tpu.memref_slice %arg9[%dma_start3A_47, %dma_start3A_48, %dma_start3A_49] : memref<2x200x128xf32, #tpu.memory_space<vmem>> -> memref<1x200x128xf32, #tpu.memory_space<vmem>>
    %dma_start3A_51 = tpu.memref_squeeze %dma_start3A_50 : memref<1x200x128xf32, #tpu.memory_space<vmem>> -> memref<200x128xf32, #tpu.memory_space<vmem>>
    %dma_start3A_52 = arith.constant 4400 : i32
    %dma_start3A_53 = tpu.memref_slice %arg8[%dma_start3A_52] : memref<5000xi32, #tpu.memory_space<vmem>> -> memref<200xi32, #tpu.memory_space<vmem>>
    %dma_start3A_54 = arith.constant 0 : i32
    %dma_start3A_55 = arith.constant 0 : i32
    %dma_start3A_56 = tpu.memref_slice %arg3[%dma_start3A_54, %dma_start3A_55] : memref<10000x128xf32, #tpu.memory_space<hbm>> -> memref<10000x128xf32, #tpu.memory_space<hbm>>
    tpu.enqueue_indirect_dma source(%dma_start3A_56 : memref<10000x128xf32, #tpu.memory_space<hbm>>) target(%dma_start3A_51 : memref<200x128xf32, #tpu.memory_space<vmem>>) offsets(%dma_start3A_53 : memref<200xi32, #tpu.memory_space<vmem>>) semaphore(%arg10 : memref<!tpu.dma_semaphore, #tpu.memory_space<semaphore_mem>>) {add = true}
    %dma_wait3A_57 = arith.constant 1 : i32
    %dma_wait3A_58 = arith.constant 0 : i32
    %dma_wait3A_59 = arith.constant 0 : i32
    %dma_wait3A_60 = tpu.memref_slice %arg9[%dma_wait3A_57, %dma_wait3A_58, %dma_wait3A_59] : memref<2x200x128xf32, #tpu.memory_space<vmem>> -> memref<1x200x128xf32, #tpu.memory_space<vmem>>
    %dma_wait3A_61 = tpu.memref_squeeze %dma_wait3A_60 : memref<1x200x128xf32, #tpu.memory_space<vmem>> -> memref<200x128xf32, #tpu.memory_space<vmem>>
    %dma_wait3A_62 = arith.constant 0 : i32
    %dma_wait3A_63 = tpu.memref_slice %arg6[%add3A_9, %dma_wait3A_62] : memref<160000x128xf32, #tpu.memory_space<hbm>> -> memref<200x128xf32, #tpu.memory_space<hbm>>
    %dma_wait3A_64 = arith.constant 0 : i32
    %dma_wait3A_65 = tpu.memref_slice %arg6[%add3A_9, %dma_wait3A_64] : memref<160000x128xf32, #tpu.memory_space<hbm>> -> memref<200x128xf32, #tpu.memory_space<hbm>>
    %dma_wait3A_66 = arith.constant 0 : i32
    %dma_wait3A_67 = arith.constant 0 : i32
    %dma_wait3A_68 = tpu.memref_slice %arg9[%dma_wait3A_57, %dma_wait3A_66, %dma_wait3A_67] : memref<2x200x128xf32, #tpu.memory_space<vmem>> -> memref<1x200x128xf32, #tpu.memory_space<vmem>>
    %dma_wait3A_69 = tpu.memref_squeeze %dma_wait3A_68 : memref<1x200x128xf32, #tpu.memory_space<vmem>> -> memref<200x128xf32, #tpu.memory_space<vmem>>
    tpu.wait_dma2 semaphore(%arg13 : memref<!tpu.dma_semaphore, #tpu.memory_space<semaphore_mem>>) src(%dma_wait3A_69 : memref<200x128xf32, #tpu.memory_space<vmem>>) dst(%dma_wait3A_65 : memref<200x128xf32, #tpu.memory_space<hbm>>)
    %dma_start3A_70 = arith.constant 1 : i32
    %dma_start3A_71 = arith.constant 0 : i32
    %dma_start3A_72 = arith.constant 0 : i32
    %dma_start3A_73 = tpu.memref_slice %arg9[%dma_start3A_70, %dma_start3A_71, %dma_start3A_72] : memref<2x200x128xf32, #tpu.memory_space<vmem>> -> memref<1x200x128xf32, #tpu.memory_space<vmem>>
    %dma_start3A_74 = tpu.memref_squeeze %dma_start3A_73 : memref<1x200x128xf32, #tpu.memory_space<vmem>> -> memref<200x128xf32, #tpu.memory_space<vmem>>
    %dma_start3A_75 = arith.constant 4600 : i32
    %dma_start3A_76 = tpu.memref_slice %arg7[%dma_start3A_75] : memref<5000xi32, #tpu.memory_space<vmem>> -> memref<200xi32, #tpu.memory_space<vmem>>
    %dma_start3A_77 = arith.constant 0 : i32
    %dma_start3A_78 = arith.constant 0 : i32
    %dma_start3A_79 = tpu.memref_slice %arg2[%dma_start3A_77, %dma_start3A_78] : memref<10000x128xf32, #tpu.memory_space<hbm>> -> memref<10000x128xf32, #tpu.memory_space<hbm>>
    tpu.enqueue_indirect_dma source(%dma_start3A_79 : memref<10000x128xf32, #tpu.memory_space<hbm>>) target(%dma_start3A_74 : memref<200x128xf32, #tpu.memory_space<vmem>>) offsets(%dma_start3A_76 : memref<200xi32, #tpu.memory_space<vmem>>) semaphore(%arg11 : memref<!tpu.dma_semaphore, #tpu.memory_space<semaphore_mem>>)
    %dma_wait3A_80 = arith.constant 0 : i32
    %dma_wait3A_81 = arith.constant 0 : i32
    %dma_wait3A_82 = arith.constant 0 : i32
    %dma_wait3A_83 = tpu.memref_slice %arg9[%dma_wait3A_80, %dma_wait3A_81, %dma_wait3A_82] : memref<2x200x128xf32, #tpu.memory_space<vmem>> -> memref<1x200x128xf32, #tpu.memory_space<vmem>>
    %dma_wait3A_84 = tpu.memref_squeeze %dma_wait3A_83 : memref<1x200x128xf32, #tpu.memory_space<vmem>> -> memref<200x128xf32, #tpu.memory_space<vmem>>
    %dma_wait3A_85 = arith.constant 4400 : i32
    %dma_wait3A_86 = tpu.memref_slice %arg7[%dma_wait3A_85] : memref<5000xi32, #tpu.memory_space<vmem>> -> memref<200xi32, #tpu.memory_space<vmem>>
    %dma_wait3A_87 = arith.constant 0 : i32
    %dma_wait3A_88 = arith.constant 0 : i32
    %dma_wait3A_89 = tpu.memref_slice %arg2[%dma_wait3A_87, %dma_wait3A_88] : memref<10000x128xf32, #tpu.memory_space<hbm>> -> memref<10000x128xf32, #tpu.memory_space<hbm>>
    tpu.wait_indirect_dma semaphore(%arg10 : memref<!tpu.dma_semaphore, #tpu.memory_space<semaphore_mem>>) src(%dma_wait3A_89 : memref<10000x128xf32, #tpu.memory_space<hbm>>) dst(%dma_wait3A_84 : memref<200x128xf32, #tpu.memory_space<vmem>>)
    %add3A_90 = arith.constant 4400 : i32
    %add3A_91 = arith.addi %add3A_9, %add3A_90 : i32
    %dma_start3A_92 = arith.constant 0 : i32
    %dma_start3A_93 = arith.constant 0 : i32
    %dma_start3A_94 = arith.constant 0 : i32
    %dma_start3A_95 = tpu.memref_slice %arg9[%dma_start3A_92, %dma_start3A_93, %dma_start3A_94] : memref<2x200x128xf32, #tpu.memory_space<vmem>> -> memref<1x200x128xf32, #tpu.memory_space<vmem>>
    %dma_start3A_96 = tpu.memref_squeeze %dma_start3A_95 : memref<1x200x128xf32, #tpu.memory_space<vmem>> -> memref<200x128xf32, #tpu.memory_space<vmem>>
    %dma_start3A_97 = arith.constant 0 : i32
    %dma_start3A_98 = tpu.memref_slice %arg6[%add3A_91, %dma_start3A_97] : memref<160000x128xf32, #tpu.memory_space<hbm>> -> memref<200x128xf32, #tpu.memory_space<hbm>>
    %dma_start3A_99 = arith.constant 0 : i32
    %dma_start3A_100 = tpu.memref_slice %arg6[%add3A_91, %dma_start3A_99] : memref<160000x128xf32, #tpu.memory_space<hbm>> -> memref<200x128xf32, #tpu.memory_space<hbm>>
    %dma_start3A_101 = arith.constant 0 : i32
    %dma_start3A_102 = arith.constant 0 : i32
    %dma_start3A_103 = tpu.memref_slice %arg9[%dma_start3A_92, %dma_start3A_101, %dma_start3A_102] : memref<2x200x128xf32, #tpu.memory_space<vmem>> -> memref<1x200x128xf32, #tpu.memory_space<vmem>>
    %dma_start3A_104 = tpu.memref_squeeze %dma_start3A_103 : memref<1x200x128xf32, #tpu.memory_space<vmem>> -> memref<200x128xf32, #tpu.memory_space<vmem>>
    tpu.enqueue_dma source(%dma_start3A_104 : memref<200x128xf32, #tpu.memory_space<vmem>>) target(%dma_start3A_100 : memref<200x128xf32, #tpu.memory_space<hbm>>) target_semaphore(%arg12 : memref<!tpu.dma_semaphore, #tpu.memory_space<semaphore_mem>>)
    %dma_wait3A_105 = arith.constant 1 : i32
    %dma_wait3A_106 = arith.constant 0 : i32
    %dma_wait3A_107 = arith.constant 0 : i32
    %dma_wait3A_108 = tpu.memref_slice %arg9[%dma_wait3A_105, %dma_wait3A_106, %dma_wait3A_107] : memref<2x200x128xf32, #tpu.memory_space<vmem>> -> memref<1x200x128xf32, #tpu.memory_space<vmem>>
    %dma_wait3A_109 = tpu.memref_squeeze %dma_wait3A_108 : memref<1x200x128xf32, #tpu.memory_space<vmem>> -> memref<200x128xf32, #tpu.memory_space<vmem>>
    %dma_wait3A_110 = arith.constant 4600 : i32
    %dma_wait3A_111 = tpu.memref_slice %arg7[%dma_wait3A_110] : memref<5000xi32, #tpu.memory_space<vmem>> -> memref<200xi32, #tpu.memory_space<vmem>>
    %dma_wait3A_112 = arith.constant 0 : i32
    %dma_wait3A_113 = arith.constant 0 : i32
    %dma_wait3A_114 = tpu.memref_slice %arg2[%dma_wait3A_112, %dma_wait3A_113] : memref<10000x128xf32, #tpu.memory_space<hbm>> -> memref<10000x128xf32, #tpu.memory_space<hbm>>
    tpu.wait_indirect_dma semaphore(%arg11 : memref<!tpu.dma_semaphore, #tpu.memory_space<semaphore_mem>>) src(%dma_wait3A_114 : memref<10000x128xf32, #tpu.memory_space<hbm>>) dst(%dma_wait3A_109 : memref<200x128xf32, #tpu.memory_space<vmem>>)
    %dma_start3A_115 = arith.constant 1 : i32
    %dma_start3A_116 = arith.constant 0 : i32
    %dma_start3A_117 = arith.constant 0 : i32
    %dma_start3A_118 = tpu.memref_slice %arg9[%dma_start3A_115, %dma_start3A_116, %dma_start3A_117] : memref<2x200x128xf32, #tpu.memory_space<vmem>> -> memref<1x200x128xf32, #tpu.memory_space<vmem>>
    %dma_start3A_119 = tpu.memref_squeeze %dma_start3A_118 : memref<1x200x128xf32, #tpu.memory_space<vmem>> -> memref<200x128xf32, #tpu.memory_space<vmem>>
    %dma_start3A_120 = arith.constant 4600 : i32
    %dma_start3A_121 = tpu.memref_slice %arg8[%dma_start3A_120] : memref<5000xi32, #tpu.memory_space<vmem>> -> memref<200xi32, #tpu.memory_space<vmem>>
    %dma_start3A_122 = arith.constant 0 : i32
    %dma_start3A_123 = arith.constant 0 : i32
    %dma_start3A_124 = tpu.memref_slice %arg3[%dma_start3A_122, %dma_start3A_123] : memref<10000x128xf32, #tpu.memory_space<hbm>> -> memref<10000x128xf32, #tpu.memory_space<hbm>>
    tpu.enqueue_indirect_dma source(%dma_start3A_124 : memref<10000x128xf32, #tpu.memory_space<hbm>>) target(%dma_start3A_119 : memref<200x128xf32, #tpu.memory_space<vmem>>) offsets(%dma_start3A_121 : memref<200xi32, #tpu.memory_space<vmem>>) semaphore(%arg11 : memref<!tpu.dma_semaphore, #tpu.memory_space<semaphore_mem>>) {add = true}
    %dma_wait3A_125 = arith.constant 0 : i32
    %dma_wait3A_126 = arith.constant 0 : i32
    %dma_wait3A_127 = arith.constant 0 : i32
    %dma_wait3A_128 = tpu.memref_slice %arg9[%dma_wait3A_125, %dma_wait3A_126, %dma_wait3A_127] : memref<2x200x128xf32, #tpu.memory_space<vmem>> -> memref<1x200x128xf32, #tpu.memory_space<vmem>>
    %dma_wait3A_129 = tpu.memref_squeeze %dma_wait3A_128 : memref<1x200x128xf32, #tpu.memory_space<vmem>> -> memref<200x128xf32, #tpu.memory_space<vmem>>
    %dma_wait3A_130 = arith.constant 0 : i32
    %dma_wait3A_131 = tpu.memref_slice %arg6[%add3A_9, %dma_wait3A_130] : memref<160000x128xf32, #tpu.memory_space<hbm>> -> memref<200x128xf32, #tpu.memory_space<hbm>>
    %dma_wait3A_132 = arith.constant 0 : i32
    %dma_wait3A_133 = tpu.memref_slice %arg6[%add3A_9, %dma_wait3A_132] : memref<160000x128xf32, #tpu.memory_space<hbm>> -> memref<200x128xf32, #tpu.memory_space<hbm>>
    %dma_wait3A_134 = arith.constant 0 : i32
    %dma_wait3A_135 = arith.constant 0 : i32
    %dma_wait3A_136 = tpu.memref_slice %arg9[%dma_wait3A_125, %dma_wait3A_134, %dma_wait3A_135] : memref<2x200x128xf32, #tpu.memory_space<vmem>> -> memref<1x200x128xf32, #tpu.memory_space<vmem>>
    %dma_wait3A_137 = tpu.memref_squeeze %dma_wait3A_136 : memref<1x200x128xf32, #tpu.memory_space<vmem>> -> memref<200x128xf32, #tpu.memory_space<vmem>>
    tpu.wait_dma2 semaphore(%arg12 : memref<!tpu.dma_semaphore, #tpu.memory_space<semaphore_mem>>) src(%dma_wait3A_137 : memref<200x128xf32, #tpu.memory_space<vmem>>) dst(%dma_wait3A_133 : memref<200x128xf32, #tpu.memory_space<hbm>>)
    %dma_start3A_138 = arith.constant 0 : i32
    %dma_start3A_139 = arith.constant 0 : i32
    %dma_start3A_140 = arith.constant 0 : i32
    %dma_start3A_141 = tpu.memref_slice %arg9[%dma_start3A_138, %dma_start3A_139, %dma_start3A_140] : memref<2x200x128xf32, #tpu.memory_space<vmem>> -> memref<1x200x128xf32, #tpu.memory_space<vmem>>
    %dma_start3A_142 = tpu.memref_squeeze %dma_start3A_141 : memref<1x200x128xf32, #tpu.memory_space<vmem>> -> memref<200x128xf32, #tpu.memory_space<vmem>>
    %dma_start3A_143 = arith.constant 4800 : i32
    %dma_start3A_144 = tpu.memref_slice %arg7[%dma_start3A_143] : memref<5000xi32, #tpu.memory_space<vmem>> -> memref<200xi32, #tpu.memory_space<vmem>>
    %dma_start3A_145 = arith.constant 0 : i32
    %dma_start3A_146 = arith.constant 0 : i32
    %dma_start3A_147 = tpu.memref_slice %arg2[%dma_start3A_145, %dma_start3A_146] : memref<10000x128xf32, #tpu.memory_space<hbm>> -> memref<10000x128xf32, #tpu.memory_space<hbm>>
    tpu.enqueue_indirect_dma source(%dma_start3A_147 : memref<10000x128xf32, #tpu.memory_space<hbm>>) target(%dma_start3A_142 : memref<200x128xf32, #tpu.memory_space<vmem>>) offsets(%dma_start3A_144 : memref<200xi32, #tpu.memory_space<vmem>>) semaphore(%arg10 : memref<!tpu.dma_semaphore, #tpu.memory_space<semaphore_mem>>)
    %dma_wait3A_148 = arith.constant 1 : i32
    %dma_wait3A_149 = arith.constant 0 : i32
    %dma_wait3A_150 = arith.constant 0 : i32
    %dma_wait3A_151 = tpu.memref_slice %arg9[%dma_wait3A_148, %dma_wait3A_149, %dma_wait3A_150] : memref<2x200x128xf32, #tpu.memory_space<vmem>> -> memref<1x200x128xf32, #tpu.memory_space<vmem>>
    %dma_wait3A_152 = tpu.memref_squeeze %dma_wait3A_151 : memref<1x200x128xf32, #tpu.memory_space<vmem>> -> memref<200x128xf32, #tpu.memory_space<vmem>>
    %dma_wait3A_153 = arith.constant 4600 : i32
    %dma_wait3A_154 = tpu.memref_slice %arg7[%dma_wait3A_153] : memref<5000xi32, #tpu.memory_space<vmem>> -> memref<200xi32, #tpu.memory_space<vmem>>
    %dma_wait3A_155 = arith.constant 0 : i32
    %dma_wait3A_156 = arith.constant 0 : i32
    %dma_wait3A_157 = tpu.memref_slice %arg2[%dma_wait3A_155, %dma_wait3A_156] : memref<10000x128xf32, #tpu.memory_space<hbm>> -> memref<10000x128xf32, #tpu.memory_space<hbm>>
    tpu.wait_indirect_dma semaphore(%arg11 : memref<!tpu.dma_semaphore, #tpu.memory_space<semaphore_mem>>) src(%dma_wait3A_157 : memref<10000x128xf32, #tpu.memory_space<hbm>>) dst(%dma_wait3A_152 : memref<200x128xf32, #tpu.memory_space<vmem>>)
    %add3A_158 = arith.constant 4600 : i32
    %add3A_159 = arith.addi %add3A_9, %add3A_158 : i32
    %dma_start3A_160 = arith.constant 1 : i32
    %dma_start3A_161 = arith.constant 0 : i32
    %dma_start3A_162 = arith.constant 0 : i32
    %dma_start3A_163 = tpu.memref_slice %arg9[%dma_start3A_160, %dma_start3A_161, %dma_start3A_162] : memref<2x200x128xf32, #tpu.memory_space<vmem>> -> memref<1x200x128xf32, #tpu.memory_space<vmem>>
    %dma_start3A_164 = tpu.memref_squeeze %dma_start3A_163 : memref<1x200x128xf32, #tpu.memory_space<vmem>> -> memref<200x128xf32, #tpu.memory_space<vmem>>
    %dma_start3A_165 = arith.constant 0 : i32
    %dma_start3A_166 = tpu.memref_slice %arg6[%add3A_159, %dma_start3A_165] : memref<160000x128xf32, #tpu.memory_space<hbm>> -> memref<200x128xf32, #tpu.memory_space<hbm>>
    %dma_start3A_167 = arith.constant 0 : i32
    %dma_start3A_168 = tpu.memref_slice %arg6[%add3A_159, %dma_start3A_167] : memref<160000x128xf32, #tpu.memory_space<hbm>> -> memref<200x128xf32, #tpu.memory_space<hbm>>
    %dma_start3A_169 = arith.constant 0 : i32
    %dma_start3A_170 = arith.constant 0 : i32
    %dma_start3A_171 = tpu.memref_slice %arg9[%dma_start3A_160, %dma_start3A_169, %dma_start3A_170] : memref<2x200x128xf32, #tpu.memory_space<vmem>> -> memref<1x200x128xf32, #tpu.memory_space<vmem>>
    %dma_start3A_172 = tpu.memref_squeeze %dma_start3A_171 : memref<1x200x128xf32, #tpu.memory_space<vmem>> -> memref<200x128xf32, #tpu.memory_space<vmem>>
    tpu.enqueue_dma source(%dma_start3A_172 : memref<200x128xf32, #tpu.memory_space<vmem>>) target(%dma_start3A_168 : memref<200x128xf32, #tpu.memory_space<hbm>>) target_semaphore(%arg13 : memref<!tpu.dma_semaphore, #tpu.memory_space<semaphore_mem>>)
    %dma_wait3A_173 = arith.constant 0 : i32
    %dma_wait3A_174 = arith.constant 0 : i32
    %dma_wait3A_175 = arith.constant 0 : i32
    %dma_wait3A_176 = tpu.memref_slice %arg9[%dma_wait3A_173, %dma_wait3A_174, %dma_wait3A_175] : memref<2x200x128xf32, #tpu.memory_space<vmem>> -> memref<1x200x128xf32, #tpu.memory_space<vmem>>
    %dma_wait3A_177 = tpu.memref_squeeze %dma_wait3A_176 : memref<1x200x128xf32, #tpu.memory_space<vmem>> -> memref<200x128xf32, #tpu.memory_space<vmem>>
    %dma_wait3A_178 = arith.constant 4800 : i32
    %dma_wait3A_179 = tpu.memref_slice %arg7[%dma_wait3A_178] : memref<5000xi32, #tpu.memory_space<vmem>> -> memref<200xi32, #tpu.memory_space<vmem>>
    %dma_wait3A_180 = arith.constant 0 : i32
    %dma_wait3A_181 = arith.constant 0 : i32
    %dma_wait3A_182 = tpu.memref_slice %arg2[%dma_wait3A_180, %dma_wait3A_181] : memref<10000x128xf32, #tpu.memory_space<hbm>> -> memref<10000x128xf32, #tpu.memory_space<hbm>>
    tpu.wait_indirect_dma semaphore(%arg10 : memref<!tpu.dma_semaphore, #tpu.memory_space<semaphore_mem>>) src(%dma_wait3A_182 : memref<10000x128xf32, #tpu.memory_space<hbm>>) dst(%dma_wait3A_177 : memref<200x128xf32, #tpu.memory_space<vmem>>)
    %dma_start3A_183 = arith.constant 0 : i32
    %dma_start3A_184 = arith.constant 0 : i32
    %dma_start3A_185 = arith.constant 0 : i32
    %dma_start3A_186 = tpu.memref_slice %arg9[%dma_start3A_183, %dma_start3A_184, %dma_start3A_185] : memref<2x200x128xf32, #tpu.memory_space<vmem>> -> memref<1x200x128xf32, #tpu.memory_space<vmem>>
    %dma_start3A_187 = tpu.memref_squeeze %dma_start3A_186 : memref<1x200x128xf32, #tpu.memory_space<vmem>> -> memref<200x128xf32, #tpu.memory_space<vmem>>
    %dma_start3A_188 = arith.constant 4800 : i32
    %dma_start3A_189 = tpu.memref_slice %arg8[%dma_start3A_188] : memref<5000xi32, #tpu.memory_space<vmem>> -> memref<200xi32, #tpu.memory_space<vmem>>
    %dma_start3A_190 = arith.constant 0 : i32
    %dma_start3A_191 = arith.constant 0 : i32
    %dma_start3A_192 = tpu.memref_slice %arg3[%dma_start3A_190, %dma_start3A_191] : memref<10000x128xf32, #tpu.memory_space<hbm>> -> memref<10000x128xf32, #tpu.memory_space<hbm>>
    tpu.enqueue_indirect_dma source(%dma_start3A_192 : memref<10000x128xf32, #tpu.memory_space<hbm>>) target(%dma_start3A_187 : memref<200x128xf32, #tpu.memory_space<vmem>>) offsets(%dma_start3A_189 : memref<200xi32, #tpu.memory_space<vmem>>) semaphore(%arg10 : memref<!tpu.dma_semaphore, #tpu.memory_space<semaphore_mem>>) {add = true}
    %dma_wait3A_193 = arith.constant 0 : i32
    %dma_wait3A_194 = arith.constant 0 : i32
    %dma_wait3A_195 = arith.constant 0 : i32
    %dma_wait3A_196 = tpu.memref_slice %arg9[%dma_wait3A_193, %dma_wait3A_194, %dma_wait3A_195] : memref<2x200x128xf32, #tpu.memory_space<vmem>> -> memref<1x200x128xf32, #tpu.memory_space<vmem>>
    %dma_wait3A_197 = tpu.memref_squeeze %dma_wait3A_196 : memref<1x200x128xf32, #tpu.memory_space<vmem>> -> memref<200x128xf32, #tpu.memory_space<vmem>>
    %dma_wait3A_198 = arith.constant 4800 : i32
    %dma_wait3A_199 = tpu.memref_slice %arg7[%dma_wait3A_198] : memref<5000xi32, #tpu.memory_space<vmem>> -> memref<200xi32, #tpu.memory_space<vmem>>
    %dma_wait3A_200 = arith.constant 0 : i32
    %dma_wait3A_201 = arith.constant 0 : i32
    %dma_wait3A_202 = tpu.memref_slice %arg2[%dma_wait3A_200, %dma_wait3A_201] : memref<10000x128xf32, #tpu.memory_space<hbm>> -> memref<10000x128xf32, #tpu.memory_space<hbm>>
    tpu.wait_indirect_dma semaphore(%arg10 : memref<!tpu.dma_semaphore, #tpu.memory_space<semaphore_mem>>) src(%dma_wait3A_202 : memref<10000x128xf32, #tpu.memory_space<hbm>>) dst(%dma_wait3A_197 : memref<200x128xf32, #tpu.memory_space<vmem>>)
    %add3A_203 = arith.constant 4800 : i32
    %add3A_204 = arith.addi %add3A_9, %add3A_203 : i32
    %dma_start3A_205 = arith.constant 0 : i32
    %dma_start3A_206 = arith.constant 0 : i32
    %dma_start3A_207 = arith.constant 0 : i32
    %dma_start3A_208 = tpu.memref_slice %arg9[%dma_start3A_205, %dma_start3A_206, %dma_start3A_207] : memref<2x200x128xf32, #tpu.memory_space<vmem>> -> memref<1x200x128xf32, #tpu.memory_space<vmem>>
    %dma_start3A_209 = tpu.memref_squeeze %dma_start3A_208 : memref<1x200x128xf32, #tpu.memory_space<vmem>> -> memref<200x128xf32, #tpu.memory_space<vmem>>
    %dma_start3A_210 = arith.constant 0 : i32
    %dma_start3A_211 = tpu.memref_slice %arg6[%add3A_204, %dma_start3A_210] : memref<160000x128xf32, #tpu.memory_space<hbm>> -> memref<200x128xf32, #tpu.memory_space<hbm>>
    %dma_start3A_212 = arith.constant 0 : i32
    %dma_start3A_213 = tpu.memref_slice %arg6[%add3A_204, %dma_start3A_212] : memref<160000x128xf32, #tpu.memory_space<hbm>> -> memref<200x128xf32, #tpu.memory_space<hbm>>
    %dma_start3A_214 = arith.constant 0 : i32
    %dma_start3A_215 = arith.constant 0 : i32
    %dma_start3A_216 = tpu.memref_slice %arg9[%dma_start3A_205, %dma_start3A_214, %dma_start3A_215] : memref<2x200x128xf32, #tpu.memory_space<vmem>> -> memref<1x200x128xf32, #tpu.memory_space<vmem>>
    %dma_start3A_217 = tpu.memref_squeeze %dma_start3A_216 : memref<1x200x128xf32, #tpu.memory_space<vmem>> -> memref<200x128xf32, #tpu.memory_space<vmem>>
    tpu.enqueue_dma source(%dma_start3A_217 : memref<200x128xf32, #tpu.memory_space<vmem>>) target(%dma_start3A_213 : memref<200x128xf32, #tpu.memory_space<hbm>>) target_semaphore(%arg12 : memref<!tpu.dma_semaphore, #tpu.memory_space<semaphore_mem>>)
    %dma_wait3A_218 = arith.constant 1 : i32
    %dma_wait3A_219 = arith.constant 0 : i32
    %dma_wait3A_220 = arith.constant 0 : i32
    %dma_wait3A_221 = tpu.memref_slice %arg9[%dma_wait3A_218, %dma_wait3A_219, %dma_wait3A_220] : memref<2x200x128xf32, #tpu.memory_space<vmem>> -> memref<1x200x128xf32, #tpu.memory_space<vmem>>
    %dma_wait3A_222 = tpu.memref_squeeze %dma_wait3A_221 : memref<1x200x128xf32, #tpu.memory_space<vmem>> -> memref<200x128xf32, #tpu.memory_space<vmem>>
    %dma_wait3A_223 = arith.constant 0 : i32
    %dma_wait3A_224 = tpu.memref_slice %arg6[%add3A_9, %dma_wait3A_223] : memref<160000x128xf32, #tpu.memory_space<hbm>> -> memref<200x128xf32, #tpu.memory_space<hbm>>
    %dma_wait3A_225 = arith.constant 0 : i32
    %dma_wait3A_226 = tpu.memref_slice %arg6[%add3A_9, %dma_wait3A_225] : memref<160000x128xf32, #tpu.memory_space<hbm>> -> memref<200x128xf32, #tpu.memory_space<hbm>>
    %dma_wait3A_227 = arith.constant 0 : i32
    %dma_wait3A_228 = arith.constant 0 : i32
    %dma_wait3A_229 = tpu.memref_slice %arg9[%dma_wait3A_218, %dma_wait3A_227, %dma_wait3A_228] : memref<2x200x128xf32, #tpu.memory_space<vmem>> -> memref<1x200x128xf32, #tpu.memory_space<vmem>>
    %dma_wait3A_230 = tpu.memref_squeeze %dma_wait3A_229 : memref<1x200x128xf32, #tpu.memory_space<vmem>> -> memref<200x128xf32, #tpu.memory_space<vmem>>
    tpu.wait_dma2 semaphore(%arg13 : memref<!tpu.dma_semaphore, #tpu.memory_space<semaphore_mem>>) src(%dma_wait3A_230 : memref<200x128xf32, #tpu.memory_space<vmem>>) dst(%dma_wait3A_226 : memref<200x128xf32, #tpu.memory_space<hbm>>)
    %dma_wait3A_231 = arith.constant 0 : i32
    %dma_wait3A_232 = arith.constant 0 : i32
    %dma_wait3A_233 = arith.constant 0 : i32
    %dma_wait3A_234 = tpu.memref_slice %arg9[%dma_wait3A_231, %dma_wait3A_232, %dma_wait3A_233] : memref<2x200x128xf32, #tpu.memory_space<vmem>> -> memref<1x200x128xf32, #tpu.memory_space<vmem>>
    %dma_wait3A_235 = tpu.memref_squeeze %dma_wait3A_234 : memref<1x200x128xf32, #tpu.memory_space<vmem>> -> memref<200x128xf32, #tpu.memory_space<vmem>>
    %dma_wait3A_236 = arith.constant 0 : i32
    %dma_wait3A_237 = tpu.memref_slice %arg6[%add3A_9, %dma_wait3A_236] : memref<160000x128xf32, #tpu.memory_space<hbm>> -> memref<200x128xf32, #tpu.memory_space<hbm>>
    %dma_wait3A_238 = arith.constant 0 : i32
    %dma_wait3A_239 = tpu.memref_slice %arg6[%add3A_9, %dma_wait3A_238] : memref<160000x128xf32, #tpu.memory_space<hbm>> -> memref<200x128xf32, #tpu.memory_space<hbm>>
    %dma_wait3A_240 = arith.constant 0 : i32
    %dma_wait3A_241 = arith.constant 0 : i32
    %dma_wait3A_242 = tpu.memref_slice %arg9[%dma_wait3A_231, %dma_wait3A_240, %dma_wait3A_241] : memref<2x200x128xf32, #tpu.memory_space<vmem>> -> memref<1x200x128xf32, #tpu.memory_space<vmem>>
    %dma_wait3A_243 = tpu.memref_squeeze %dma_wait3A_242 : memref<1x200x128xf32, #tpu.memory_space<vmem>> -> memref<200x128xf32, #tpu.memory_space<vmem>>
    tpu.wait_dma2 semaphore(%arg12 : memref<!tpu.dma_semaphore, #tpu.memory_space<semaphore_mem>>) src(%dma_wait3A_243 : memref<200x128xf32, #tpu.memory_space<vmem>>) dst(%dma_wait3A_239 : memref<200x128xf32, #tpu.memory_space<hbm>>)
    return
  }
}

#map = affine_map<(d0, d1) -> (0, 0)>
#map1 = affine_map<(d0, d1) -> (0)>
#map2 = affine_map<(d0, d1) -> (0, 0, 0)>
module attributes {stable_mosaic.version = 14 : i64} {
  func.func @_sc_scatter(%arg0: i32, %arg1: i32, %arg2: memref<10000x128xf32, #tpu.memory_space<hbm>>, %arg3: memref<320000xi32, #tpu.memory_space<hbm>>, %arg4: memref<320000xi32, #tpu.memory_space<hbm>>, %arg5: memref<2x10240x128xf32, #tpu.memory_space<hbm>>, %arg6: memref<80xi32, #tpu.memory_space<vmem>>, %arg7: memref<80xi32, #tpu.memory_space<vmem>>, %arg8: memref<80xi32, #tpu.memory_space<vmem>>, %arg9: memref<80xi32, #tpu.memory_space<vmem>>, %arg10: memref<2x80x128xf32, #tpu.memory_space<vmem>>, %arg11: memref<10240x128xf32, #tpu.memory_space<vmem_shared>>, %arg12: memref<!tpu.dma_semaphore, #tpu.memory_space<semaphore_mem>>, %arg13: memref<!tpu.dma_semaphore, #tpu.memory_space<semaphore_mem>>, %arg14: memref<!tpu.dma_semaphore, #tpu.memory_space<semaphore_mem>>, %arg15: memref<!tpu.dma_semaphore, #tpu.memory_space<semaphore_mem>>) attributes {dimension_semantics = [#tpu.dimension_semantics<core_parallel>, #tpu.dimension_semantics<subcore_parallel>], iteration_bounds = array<i64: 2, 16>, scalar_prefetch = 0 : i64, scratch_operands = 10 : i64, tpu.core_type = #tpu.core_type<sc_vector_subcore>, window_params = [{transform_indices = #map}, {transform_indices = #map1}, {transform_indices = #map1}, {transform_indices = #map2}]} {
    %scan3A = arith.constant 0 : i32
    %scan3A_0 = arith.constant 640 : i32
    %scan3A_1 = arith.addi %scan3A, %scan3A_0 : i32
    %scan3A_2 = arith.constant 1 : i32
    scf.for %scan3A_141 = %scan3A to %scan3A_1 step %scan3A_2  : i32 {
      %jit3A = arith.constant 8 : i32
      %div3A = arith.divsi %scan3A_141, %jit3A : i32
      %sign3A = arith.constant 0 : i32
      %sign3A_142 = arith.cmpi sgt, %scan3A_141, %sign3A : i32
      %sign3A_143 = arith.extui %sign3A_142 : i1 to i32
      %sign3A_144 = arith.constant 0 : i32
      %sign3A_145 = arith.cmpi slt, %scan3A_141, %sign3A_144 : i32
      %sign3A_146 = arith.extui %sign3A_145 : i1 to i32
      %sign3A_147 = arith.subi %sign3A_143, %sign3A_146 : i32
      %sign3A_148 = arith.constant 0 : i32
      %sign3A_149 = arith.cmpi sgt, %jit3A, %sign3A_148 : i32
      %sign3A_150 = arith.extui %sign3A_149 : i1 to i32
      %sign3A_151 = arith.constant 0 : i32
      %sign3A_152 = arith.cmpi slt, %jit3A, %sign3A_151 : i32
      %sign3A_153 = arith.extui %sign3A_152 : i1 to i32
      %sign3A_154 = arith.subi %sign3A_150, %sign3A_153 : i32
      %ne3A = arith.cmpi ne, %sign3A_147, %sign3A_154 : i32
      %rem3A = arith.remsi %scan3A_141, %jit3A : i32
      %ne3A_155 = arith.constant 0 : i32
      %ne3A_156 = arith.cmpi ne, %rem3A, %ne3A_155 : i32
      %and3A = arith.andi %ne3A, %ne3A_156 : i1
      %sub3A = arith.constant 1 : i32
      %sub3A_157 = arith.subi %div3A, %sub3A : i32
      %select_n3A = arith.select %and3A, %sub3A_157, %div3A : i32
      %jit3A_158 = arith.constant 8 : i32
      %eq3A = arith.constant 0 : i32
      %eq3A_159 = arith.cmpi eq, %jit3A_158, %eq3A : i32
      %jit3A_160 = arith.constant 1 : i32
      %select_n3A_161 = arith.select %eq3A_159, %jit3A_160, %jit3A_158 : i32
      %rem3A_162 = arith.remsi %scan3A_141, %select_n3A_161 : i32
      %ne3A_163 = arith.constant 0 : i32
      %ne3A_164 = arith.cmpi ne, %rem3A_162, %ne3A_163 : i32
      %lt3A = arith.constant 0 : i32
      %lt3A_165 = arith.cmpi slt, %rem3A_162, %lt3A : i32
      %lt3A_166 = arith.constant 0 : i32
      %lt3A_167 = arith.cmpi slt, %select_n3A_161, %lt3A_166 : i32
      %ne3A_168 = arith.xori %lt3A_165, %lt3A_167 : i1
      %and3A_169 = arith.andi %ne3A_168, %ne3A_164 : i1
      %add3A_170 = arith.addi %rem3A_162, %select_n3A_161 : i32
      %select_n3A_171 = arith.select %and3A_169, %add3A_170, %rem3A_162 : i32
      %broadcast_in_dim3A = arith.constant 0.000000e+00 : f32
      %broadcast_in_dim3A_172 = vector.broadcast %broadcast_in_dim3A : f32 to vector<16xf32>
      %mul3A_173 = arith.constant 16 : i32
      %mul3A_174 = arith.muli %select_n3A_171, %mul3A_173 : i32
      %swap3A = arith.constant 0 : i32
      %swap3A_175 = arith.index_cast %swap3A : i32 to index
      %swap3A_176 = arith.index_cast %select_n3A : i32 to index
      %swap3A_177 = arith.index_cast %mul3A_174 : i32 to index
      %swap3A_178 = tpu.vector_load %arg10[%swap3A_175, %swap3A_176, %swap3A_177] {strides = array<i32>} : memref<2x80x128xf32, #tpu.memory_space<vmem>>, vector<1x1x16xf32>,
      %swap3A_179 = vector.shape_cast %swap3A_178 : vector<1x1x16xf32> to vector<16xf32>
      %swap3A_180 = vector.shape_cast %broadcast_in_dim3A_172 : vector<16xf32> to vector<1x1x16xf32>
      tpu.vector_store %arg10[%swap3A_175, %swap3A_176, %swap3A_177], %swap3A_180 {strides = array<i32>} : memref<2x80x128xf32, #tpu.memory_space<vmem>>, vector<1x1x16xf32>,
    }
    %scan3A_3 = arith.constant 640 : i32
    %mul3A = arith.constant 640 : i32
    %mul3A_4 = arith.muli %arg1, %mul3A : i32
    %add3A = arith.constant 0 : i32
    %add3A_5 = arith.addi %mul3A_4, %add3A : i32
    %run_scoped3A = arith.constant 0 : i32
    "tpu.region"() ({
      %run_scoped3A_141 = tpu.sem_alloc : memref<!tpu.dma_semaphore, #tpu.memory_space<semaphore_mem>>
      %dma_start3A_142 = arith.constant 0 : i32
      %dma_start3A_143 = arith.constant 0 : i32
      %dma_start3A_144 = tpu.memref_slice %arg10[%run_scoped3A, %dma_start3A_142, %dma_start3A_143] : memref<2x80x128xf32, #tpu.memory_space<vmem>> -> memref<1x80x128xf32, #tpu.memory_space<vmem>>
      %dma_start3A_145 = tpu.memref_squeeze %dma_start3A_144 : memref<1x80x128xf32, #tpu.memory_space<vmem>> -> memref<80x128xf32, #tpu.memory_space<vmem>>
      %dma_start3A_146 = arith.constant 0 : i32
      %dma_start3A_147 = tpu.memref_slice %arg11[%add3A_5, %dma_start3A_146] : memref<10240x128xf32, #tpu.memory_space<vmem_shared>> -> memref<80x128xf32, #tpu.memory_space<vmem_shared>>
      %dma_start3A_148 = arith.constant 0 : i32
      %dma_start3A_149 = tpu.memref_slice %arg11[%add3A_5, %dma_start3A_148] : memref<10240x128xf32, #tpu.memory_space<vmem_shared>> -> memref<80x128xf32, #tpu.memory_space<vmem_shared>>
      %dma_start3A_150 = arith.constant 0 : i32
      %dma_start3A_151 = arith.constant 0 : i32
      %dma_start3A_152 = tpu.memref_slice %arg10[%run_scoped3A, %dma_start3A_150, %dma_start3A_151] : memref<2x80x128xf32, #tpu.memory_space<vmem>> -> memref<1x80x128xf32, #tpu.memory_space<vmem>>
      %dma_start3A_153 = tpu.memref_squeeze %dma_start3A_152 : memref<1x80x128xf32, #tpu.memory_space<vmem>> -> memref<80x128xf32, #tpu.memory_space<vmem>>
      tpu.enqueue_dma source(%dma_start3A_153 : memref<80x128xf32, #tpu.memory_space<vmem>>) target(%dma_start3A_149 : memref<80x128xf32, #tpu.memory_space<vmem_shared>>) target_semaphore(%run_scoped3A_141 : memref<!tpu.dma_semaphore, #tpu.memory_space<semaphore_mem>>)
      %dma_wait3A_154 = arith.constant 0 : i32
      %dma_wait3A_155 = arith.constant 0 : i32
      %dma_wait3A_156 = tpu.memref_slice %arg10[%run_scoped3A, %dma_wait3A_154, %dma_wait3A_155] : memref<2x80x128xf32, #tpu.memory_space<vmem>> -> memref<1x80x128xf32, #tpu.memory_space<vmem>>
      %dma_wait3A_157 = tpu.memref_squeeze %dma_wait3A_156 : memref<1x80x128xf32, #tpu.memory_space<vmem>> -> memref<80x128xf32, #tpu.memory_space<vmem>>
      %dma_wait3A_158 = arith.constant 0 : i32
      %dma_wait3A_159 = tpu.memref_slice %arg11[%add3A_5, %dma_wait3A_158] : memref<10240x128xf32, #tpu.memory_space<vmem_shared>> -> memref<80x128xf32, #tpu.memory_space<vmem_shared>>
      %dma_wait3A_160 = arith.constant 0 : i32
      %dma_wait3A_161 = tpu.memref_slice %arg11[%add3A_5, %dma_wait3A_160] : memref<10240x128xf32, #tpu.memory_space<vmem_shared>> -> memref<80x128xf32, #tpu.memory_space<vmem_shared>>
      %dma_wait3A_162 = arith.constant 0 : i32
      %dma_wait3A_163 = arith.constant 0 : i32
      %dma_wait3A_164 = tpu.memref_slice %arg10[%run_scoped3A, %dma_wait3A_162, %dma_wait3A_163] : memref<2x80x128xf32, #tpu.memory_space<vmem>> -> memref<1x80x128xf32, #tpu.memory_space<vmem>>
      %dma_wait3A_165 = tpu.memref_squeeze %dma_wait3A_164 : memref<1x80x128xf32, #tpu.memory_space<vmem>> -> memref<80x128xf32, #tpu.memory_space<vmem>>
      tpu.wait_dma2 semaphore(%run_scoped3A_141 : memref<!tpu.dma_semaphore, #tpu.memory_space<semaphore_mem>>) src(%dma_wait3A_165 : memref<80x128xf32, #tpu.memory_space<vmem>>) dst(%dma_wait3A_161 : memref<80x128xf32, #tpu.memory_space<vmem_shared>>)
      tpu.yield
    }) : () -> ()
    %mul3A_6 = arith.constant 640 : i32
    %mul3A_7 = arith.muli %arg1, %mul3A_6 : i32
    %add3A_8 = arith.constant 80 : i32
    %add3A_9 = arith.addi %mul3A_7, %add3A_8 : i32
    %run_scoped3A_10 = arith.constant 0 : i32
    "tpu.region"() ({
      %run_scoped3A_141 = tpu.sem_alloc : memref<!tpu.dma_semaphore, #tpu.memory_space<semaphore_mem>>
      %dma_start3A_142 = arith.constant 0 : i32
      %dma_start3A_143 = arith.constant 0 : i32
      %dma_start3A_144 = tpu.memref_slice %arg10[%run_scoped3A_10, %dma_start3A_142, %dma_start3A_143] : memref<2x80x128xf32, #tpu.memory_space<vmem>> -> memref<1x80x128xf32, #tpu.memory_space<vmem>>
      %dma_start3A_145 = tpu.memref_squeeze %dma_start3A_144 : memref<1x80x128xf32, #tpu.memory_space<vmem>> -> memref<80x128xf32, #tpu.memory_space<vmem>>
      %dma_start3A_146 = arith.constant 0 : i32
      %dma_start3A_147 = tpu.memref_slice %arg11[%add3A_9, %dma_start3A_146] : memref<10240x128xf32, #tpu.memory_space<vmem_shared>> -> memref<80x128xf32, #tpu.memory_space<vmem_shared>>
      %dma_start3A_148 = arith.constant 0 : i32
      %dma_start3A_149 = tpu.memref_slice %arg11[%add3A_9, %dma_start3A_148] : memref<10240x128xf32, #tpu.memory_space<vmem_shared>> -> memref<80x128xf32, #tpu.memory_space<vmem_shared>>
      %dma_start3A_150 = arith.constant 0 : i32
      %dma_start3A_151 = arith.constant 0 : i32
      %dma_start3A_152 = tpu.memref_slice %arg10[%run_scoped3A_10, %dma_start3A_150, %dma_start3A_151] : memref<2x80x128xf32, #tpu.memory_space<vmem>> -> memref<1x80x128xf32, #tpu.memory_space<vmem>>
      %dma_start3A_153 = tpu.memref_squeeze %dma_start3A_152 : memref<1x80x128xf32, #tpu.memory_space<vmem>> -> memref<80x128xf32, #tpu.memory_space<vmem>>
      tpu.enqueue_dma source(%dma_start3A_153 : memref<80x128xf32, #tpu.memory_space<vmem>>) target(%dma_start3A_149 : memref<80x128xf32, #tpu.memory_space<vmem_shared>>) target_semaphore(%run_scoped3A_141 : memref<!tpu.dma_semaphore, #tpu.memory_space<semaphore_mem>>)
      %dma_wait3A_154 = arith.constant 0 : i32
      %dma_wait3A_155 = arith.constant 0 : i32
      %dma_wait3A_156 = tpu.memref_slice %arg10[%run_scoped3A_10, %dma_wait3A_154, %dma_wait3A_155] : memref<2x80x128xf32, #tpu.memory_space<vmem>> -> memref<1x80x128xf32, #tpu.memory_space<vmem>>
      %dma_wait3A_157 = tpu.memref_squeeze %dma_wait3A_156 : memref<1x80x128xf32, #tpu.memory_space<vmem>> -> memref<80x128xf32, #tpu.memory_space<vmem>>
      %dma_wait3A_158 = arith.constant 0 : i32
      %dma_wait3A_159 = tpu.memref_slice %arg11[%add3A_9, %dma_wait3A_158] : memref<10240x128xf32, #tpu.memory_space<vmem_shared>> -> memref<80x128xf32, #tpu.memory_space<vmem_shared>>
      %dma_wait3A_160 = arith.constant 0 : i32
      %dma_wait3A_161 = tpu.memref_slice %arg11[%add3A_9, %dma_wait3A_160] : memref<10240x128xf32, #tpu.memory_space<vmem_shared>> -> memref<80x128xf32, #tpu.memory_space<vmem_shared>>
      %dma_wait3A_162 = arith.constant 0 : i32
      %dma_wait3A_163 = arith.constant 0 : i32
      %dma_wait3A_164 = tpu.memref_slice %arg10[%run_scoped3A_10, %dma_wait3A_162, %dma_wait3A_163] : memref<2x80x128xf32, #tpu.memory_space<vmem>> -> memref<1x80x128xf32, #tpu.memory_space<vmem>>
      %dma_wait3A_165 = tpu.memref_squeeze %dma_wait3A_164 : memref<1x80x128xf32, #tpu.memory_space<vmem>> -> memref<80x128xf32, #tpu.memory_space<vmem>>
      tpu.wait_dma2 semaphore(%run_scoped3A_141 : memref<!tpu.dma_semaphore, #tpu.memory_space<semaphore_mem>>) src(%dma_wait3A_165 : memref<80x128xf32, #tpu.memory_space<vmem>>) dst(%dma_wait3A_161 : memref<80x128xf32, #tpu.memory_space<vmem_shared>>)
      tpu.yield
    }) : () -> ()
    %mul3A_11 = arith.constant 640 : i32
    %mul3A_12 = arith.muli %arg1, %mul3A_11 : i32
    %add3A_13 = arith.constant 160 : i32
    %add3A_14 = arith.addi %mul3A_12, %add3A_13 : i32
    %run_scoped3A_15 = arith.constant 0 : i32
    "tpu.region"() ({
      %run_scoped3A_141 = tpu.sem_alloc : memref<!tpu.dma_semaphore, #tpu.memory_space<semaphore_mem>>
      %dma_start3A_142 = arith.constant 0 : i32
      %dma_start3A_143 = arith.constant 0 : i32
      %dma_start3A_144 = tpu.memref_slice %arg10[%run_scoped3A_15, %dma_start3A_142, %dma_start3A_143] : memref<2x80x128xf32, #tpu.memory_space<vmem>> -> memref<1x80x128xf32, #tpu.memory_space<vmem>>
      %dma_start3A_145 = tpu.memref_squeeze %dma_start3A_144 : memref<1x80x128xf32, #tpu.memory_space<vmem>> -> memref<80x128xf32, #tpu.memory_space<vmem>>
      %dma_start3A_146 = arith.constant 0 : i32
      %dma_start3A_147 = tpu.memref_slice %arg11[%add3A_14, %dma_start3A_146] : memref<10240x128xf32, #tpu.memory_space<vmem_shared>> -> memref<80x128xf32, #tpu.memory_space<vmem_shared>>
      %dma_start3A_148 = arith.constant 0 : i32
      %dma_start3A_149 = tpu.memref_slice %arg11[%add3A_14, %dma_start3A_148] : memref<10240x128xf32, #tpu.memory_space<vmem_shared>> -> memref<80x128xf32, #tpu.memory_space<vmem_shared>>
      %dma_start3A_150 = arith.constant 0 : i32
      %dma_start3A_151 = arith.constant 0 : i32
      %dma_start3A_152 = tpu.memref_slice %arg10[%run_scoped3A_15, %dma_start3A_150, %dma_start3A_151] : memref<2x80x128xf32, #tpu.memory_space<vmem>> -> memref<1x80x128xf32, #tpu.memory_space<vmem>>
      %dma_start3A_153 = tpu.memref_squeeze %dma_start3A_152 : memref<1x80x128xf32, #tpu.memory_space<vmem>> -> memref<80x128xf32, #tpu.memory_space<vmem>>
      tpu.enqueue_dma source(%dma_start3A_153 : memref<80x128xf32, #tpu.memory_space<vmem>>) target(%dma_start3A_149 : memref<80x128xf32, #tpu.memory_space<vmem_shared>>) target_semaphore(%run_scoped3A_141 : memref<!tpu.dma_semaphore, #tpu.memory_space<semaphore_mem>>)
      %dma_wait3A_154 = arith.constant 0 : i32
      %dma_wait3A_155 = arith.constant 0 : i32
      %dma_wait3A_156 = tpu.memref_slice %arg10[%run_scoped3A_15, %dma_wait3A_154, %dma_wait3A_155] : memref<2x80x128xf32, #tpu.memory_space<vmem>> -> memref<1x80x128xf32, #tpu.memory_space<vmem>>
      %dma_wait3A_157 = tpu.memref_squeeze %dma_wait3A_156 : memref<1x80x128xf32, #tpu.memory_space<vmem>> -> memref<80x128xf32, #tpu.memory_space<vmem>>
      %dma_wait3A_158 = arith.constant 0 : i32
      %dma_wait3A_159 = tpu.memref_slice %arg11[%add3A_14, %dma_wait3A_158] : memref<10240x128xf32, #tpu.memory_space<vmem_shared>> -> memref<80x128xf32, #tpu.memory_space<vmem_shared>>
      %dma_wait3A_160 = arith.constant 0 : i32
      %dma_wait3A_161 = tpu.memref_slice %arg11[%add3A_14, %dma_wait3A_160] : memref<10240x128xf32, #tpu.memory_space<vmem_shared>> -> memref<80x128xf32, #tpu.memory_space<vmem_shared>>
      %dma_wait3A_162 = arith.constant 0 : i32
      %dma_wait3A_163 = arith.constant 0 : i32
      %dma_wait3A_164 = tpu.memref_slice %arg10[%run_scoped3A_15, %dma_wait3A_162, %dma_wait3A_163] : memref<2x80x128xf32, #tpu.memory_space<vmem>> -> memref<1x80x128xf32, #tpu.memory_space<vmem>>
      %dma_wait3A_165 = tpu.memref_squeeze %dma_wait3A_164 : memref<1x80x128xf32, #tpu.memory_space<vmem>> -> memref<80x128xf32, #tpu.memory_space<vmem>>
      tpu.wait_dma2 semaphore(%run_scoped3A_141 : memref<!tpu.dma_semaphore, #tpu.memory_space<semaphore_mem>>) src(%dma_wait3A_165 : memref<80x128xf32, #tpu.memory_space<vmem>>) dst(%dma_wait3A_161 : memref<80x128xf32, #tpu.memory_space<vmem_shared>>)
      tpu.yield
    }) : () -> ()
    %mul3A_16 = arith.constant 640 : i32
    %mul3A_17 = arith.muli %arg1, %mul3A_16 : i32
    %add3A_18 = arith.constant 240 : i32
    %add3A_19 = arith.addi %mul3A_17, %add3A_18 : i32
    %run_scoped3A_20 = arith.constant 0 : i32
    "tpu.region"() ({
      %run_scoped3A_141 = tpu.sem_alloc : memref<!tpu.dma_semaphore, #tpu.memory_space<semaphore_mem>>
      %dma_start3A_142 = arith.constant 0 : i32
      %dma_start3A_143 = arith.constant 0 : i32
      %dma_start3A_144 = tpu.memref_slice %arg10[%run_scoped3A_20, %dma_start3A_142, %dma_start3A_143] : memref<2x80x128xf32, #tpu.memory_space<vmem>> -> memref<1x80x128xf32, #tpu.memory_space<vmem>>
      %dma_start3A_145 = tpu.memref_squeeze %dma_start3A_144 : memref<1x80x128xf32, #tpu.memory_space<vmem>> -> memref<80x128xf32, #tpu.memory_space<vmem>>
      %dma_start3A_146 = arith.constant 0 : i32
      %dma_start3A_147 = tpu.memref_slice %arg11[%add3A_19, %dma_start3A_146] : memref<10240x128xf32, #tpu.memory_space<vmem_shared>> -> memref<80x128xf32, #tpu.memory_space<vmem_shared>>
      %dma_start3A_148 = arith.constant 0 : i32
      %dma_start3A_149 = tpu.memref_slice %arg11[%add3A_19, %dma_start3A_148] : memref<10240x128xf32, #tpu.memory_space<vmem_shared>> -> memref<80x128xf32, #tpu.memory_space<vmem_shared>>
      %dma_start3A_150 = arith.constant 0 : i32
      %dma_start3A_151 = arith.constant 0 : i32
      %dma_start3A_152 = tpu.memref_slice %arg10[%run_scoped3A_20, %dma_start3A_150, %dma_start3A_151] : memref<2x80x128xf32, #tpu.memory_space<vmem>> -> memref<1x80x128xf32, #tpu.memory_space<vmem>>
      %dma_start3A_153 = tpu.memref_squeeze %dma_start3A_152 : memref<1x80x128xf32, #tpu.memory_space<vmem>> -> memref<80x128xf32, #tpu.memory_space<vmem>>
      tpu.enqueue_dma source(%dma_start3A_153 : memref<80x128xf32, #tpu.memory_space<vmem>>) target(%dma_start3A_149 : memref<80x128xf32, #tpu.memory_space<vmem_shared>>) target_semaphore(%run_scoped3A_141 : memref<!tpu.dma_semaphore, #tpu.memory_space<semaphore_mem>>)
      %dma_wait3A_154 = arith.constant 0 : i32
      %dma_wait3A_155 = arith.constant 0 : i32
      %dma_wait3A_156 = tpu.memref_slice %arg10[%run_scoped3A_20, %dma_wait3A_154, %dma_wait3A_155] : memref<2x80x128xf32, #tpu.memory_space<vmem>> -> memref<1x80x128xf32, #tpu.memory_space<vmem>>
      %dma_wait3A_157 = tpu.memref_squeeze %dma_wait3A_156 : memref<1x80x128xf32, #tpu.memory_space<vmem>> -> memref<80x128xf32, #tpu.memory_space<vmem>>
      %dma_wait3A_158 = arith.constant 0 : i32
      %dma_wait3A_159 = tpu.memref_slice %arg11[%add3A_19, %dma_wait3A_158] : memref<10240x128xf32, #tpu.memory_space<vmem_shared>> -> memref<80x128xf32, #tpu.memory_space<vmem_shared>>
      %dma_wait3A_160 = arith.constant 0 : i32
      %dma_wait3A_161 = tpu.memref_slice %arg11[%add3A_19, %dma_wait3A_160] : memref<10240x128xf32, #tpu.memory_space<vmem_shared>> -> memref<80x128xf32, #tpu.memory_space<vmem_shared>>
      %dma_wait3A_162 = arith.constant 0 : i32
      %dma_wait3A_163 = arith.constant 0 : i32
      %dma_wait3A_164 = tpu.memref_slice %arg10[%run_scoped3A_20, %dma_wait3A_162, %dma_wait3A_163] : memref<2x80x128xf32, #tpu.memory_space<vmem>> -> memref<1x80x128xf32, #tpu.memory_space<vmem>>
      %dma_wait3A_165 = tpu.memref_squeeze %dma_wait3A_164 : memref<1x80x128xf32, #tpu.memory_space<vmem>> -> memref<80x128xf32, #tpu.memory_space<vmem>>
      tpu.wait_dma2 semaphore(%run_scoped3A_141 : memref<!tpu.dma_semaphore, #tpu.memory_space<semaphore_mem>>) src(%dma_wait3A_165 : memref<80x128xf32, #tpu.memory_space<vmem>>) dst(%dma_wait3A_161 : memref<80x128xf32, #tpu.memory_space<vmem_shared>>)
      tpu.yield
    }) : () -> ()
    %mul3A_21 = arith.constant 640 : i32
    %mul3A_22 = arith.muli %arg1, %mul3A_21 : i32
    %add3A_23 = arith.constant 320 : i32
    %add3A_24 = arith.addi %mul3A_22, %add3A_23 : i32
    %run_scoped3A_25 = arith.constant 0 : i32
    "tpu.region"() ({
      %run_scoped3A_141 = tpu.sem_alloc : memref<!tpu.dma_semaphore, #tpu.memory_space<semaphore_mem>>
      %dma_start3A_142 = arith.constant 0 : i32
      %dma_start3A_143 = arith.constant 0 : i32
      %dma_start3A_144 = tpu.memref_slice %arg10[%run_scoped3A_25, %dma_start3A_142, %dma_start3A_143] : memref<2x80x128xf32, #tpu.memory_space<vmem>> -> memref<1x80x128xf32, #tpu.memory_space<vmem>>
      %dma_start3A_145 = tpu.memref_squeeze %dma_start3A_144 : memref<1x80x128xf32, #tpu.memory_space<vmem>> -> memref<80x128xf32, #tpu.memory_space<vmem>>
      %dma_start3A_146 = arith.constant 0 : i32
      %dma_start3A_147 = tpu.memref_slice %arg11[%add3A_24, %dma_start3A_146] : memref<10240x128xf32, #tpu.memory_space<vmem_shared>> -> memref<80x128xf32, #tpu.memory_space<vmem_shared>>
      %dma_start3A_148 = arith.constant 0 : i32
      %dma_start3A_149 = tpu.memref_slice %arg11[%add3A_24, %dma_start3A_148] : memref<10240x128xf32, #tpu.memory_space<vmem_shared>> -> memref<80x128xf32, #tpu.memory_space<vmem_shared>>
      %dma_start3A_150 = arith.constant 0 : i32
      %dma_start3A_151 = arith.constant 0 : i32
      %dma_start3A_152 = tpu.memref_slice %arg10[%run_scoped3A_25, %dma_start3A_150, %dma_start3A_151] : memref<2x80x128xf32, #tpu.memory_space<vmem>> -> memref<1x80x128xf32, #tpu.memory_space<vmem>>
      %dma_start3A_153 = tpu.memref_squeeze %dma_start3A_152 : memref<1x80x128xf32, #tpu.memory_space<vmem>> -> memref<80x128xf32, #tpu.memory_space<vmem>>
      tpu.enqueue_dma source(%dma_start3A_153 : memref<80x128xf32, #tpu.memory_space<vmem>>) target(%dma_start3A_149 : memref<80x128xf32, #tpu.memory_space<vmem_shared>>) target_semaphore(%run_scoped3A_141 : memref<!tpu.dma_semaphore, #tpu.memory_space<semaphore_mem>>)
      %dma_wait3A_154 = arith.constant 0 : i32
      %dma_wait3A_155 = arith.constant 0 : i32
      %dma_wait3A_156 = tpu.memref_slice %arg10[%run_scoped3A_25, %dma_wait3A_154, %dma_wait3A_155] : memref<2x80x128xf32, #tpu.memory_space<vmem>> -> memref<1x80x128xf32, #tpu.memory_space<vmem>>
      %dma_wait3A_157 = tpu.memref_squeeze %dma_wait3A_156 : memref<1x80x128xf32, #tpu.memory_space<vmem>> -> memref<80x128xf32, #tpu.memory_space<vmem>>
      %dma_wait3A_158 = arith.constant 0 : i32
      %dma_wait3A_159 = tpu.memref_slice %arg11[%add3A_24, %dma_wait3A_158] : memref<10240x128xf32, #tpu.memory_space<vmem_shared>> -> memref<80x128xf32, #tpu.memory_space<vmem_shared>>
      %dma_wait3A_160 = arith.constant 0 : i32
      %dma_wait3A_161 = tpu.memref_slice %arg11[%add3A_24, %dma_wait3A_160] : memref<10240x128xf32, #tpu.memory_space<vmem_shared>> -> memref<80x128xf32, #tpu.memory_space<vmem_shared>>
      %dma_wait3A_162 = arith.constant 0 : i32
      %dma_wait3A_163 = arith.constant 0 : i32
      %dma_wait3A_164 = tpu.memref_slice %arg10[%run_scoped3A_25, %dma_wait3A_162, %dma_wait3A_163] : memref<2x80x128xf32, #tpu.memory_space<vmem>> -> memref<1x80x128xf32, #tpu.memory_space<vmem>>
      %dma_wait3A_165 = tpu.memref_squeeze %dma_wait3A_164 : memref<1x80x128xf32, #tpu.memory_space<vmem>> -> memref<80x128xf32, #tpu.memory_space<vmem>>
      tpu.wait_dma2 semaphore(%run_scoped3A_141 : memref<!tpu.dma_semaphore, #tpu.memory_space<semaphore_mem>>) src(%dma_wait3A_165 : memref<80x128xf32, #tpu.memory_space<vmem>>) dst(%dma_wait3A_161 : memref<80x128xf32, #tpu.memory_space<vmem_shared>>)
      tpu.yield
    }) : () -> ()
    %mul3A_26 = arith.constant 640 : i32
    %mul3A_27 = arith.muli %arg1, %mul3A_26 : i32
    %add3A_28 = arith.constant 400 : i32
    %add3A_29 = arith.addi %mul3A_27, %add3A_28 : i32
    %run_scoped3A_30 = arith.constant 0 : i32
    "tpu.region"() ({
      %run_scoped3A_141 = tpu.sem_alloc : memref<!tpu.dma_semaphore, #tpu.memory_space<semaphore_mem>>
      %dma_start3A_142 = arith.constant 0 : i32
      %dma_start3A_143 = arith.constant 0 : i32
      %dma_start3A_144 = tpu.memref_slice %arg10[%run_scoped3A_30, %dma_start3A_142, %dma_start3A_143] : memref<2x80x128xf32, #tpu.memory_space<vmem>> -> memref<1x80x128xf32, #tpu.memory_space<vmem>>
      %dma_start3A_145 = tpu.memref_squeeze %dma_start3A_144 : memref<1x80x128xf32, #tpu.memory_space<vmem>> -> memref<80x128xf32, #tpu.memory_space<vmem>>
      %dma_start3A_146 = arith.constant 0 : i32
      %dma_start3A_147 = tpu.memref_slice %arg11[%add3A_29, %dma_start3A_146] : memref<10240x128xf32, #tpu.memory_space<vmem_shared>> -> memref<80x128xf32, #tpu.memory_space<vmem_shared>>
      %dma_start3A_148 = arith.constant 0 : i32
      %dma_start3A_149 = tpu.memref_slice %arg11[%add3A_29, %dma_start3A_148] : memref<10240x128xf32, #tpu.memory_space<vmem_shared>> -> memref<80x128xf32, #tpu.memory_space<vmem_shared>>
      %dma_start3A_150 = arith.constant 0 : i32
      %dma_start3A_151 = arith.constant 0 : i32
      %dma_start3A_152 = tpu.memref_slice %arg10[%run_scoped3A_30, %dma_start3A_150, %dma_start3A_151] : memref<2x80x128xf32, #tpu.memory_space<vmem>> -> memref<1x80x128xf32, #tpu.memory_space<vmem>>
      %dma_start3A_153 = tpu.memref_squeeze %dma_start3A_152 : memref<1x80x128xf32, #tpu.memory_space<vmem>> -> memref<80x128xf32, #tpu.memory_space<vmem>>
      tpu.enqueue_dma source(%dma_start3A_153 : memref<80x128xf32, #tpu.memory_space<vmem>>) target(%dma_start3A_149 : memref<80x128xf32, #tpu.memory_space<vmem_shared>>) target_semaphore(%run_scoped3A_141 : memref<!tpu.dma_semaphore, #tpu.memory_space<semaphore_mem>>)
      %dma_wait3A_154 = arith.constant 0 : i32
      %dma_wait3A_155 = arith.constant 0 : i32
      %dma_wait3A_156 = tpu.memref_slice %arg10[%run_scoped3A_30, %dma_wait3A_154, %dma_wait3A_155] : memref<2x80x128xf32, #tpu.memory_space<vmem>> -> memref<1x80x128xf32, #tpu.memory_space<vmem>>
      %dma_wait3A_157 = tpu.memref_squeeze %dma_wait3A_156 : memref<1x80x128xf32, #tpu.memory_space<vmem>> -> memref<80x128xf32, #tpu.memory_space<vmem>>
      %dma_wait3A_158 = arith.constant 0 : i32
      %dma_wait3A_159 = tpu.memref_slice %arg11[%add3A_29, %dma_wait3A_158] : memref<10240x128xf32, #tpu.memory_space<vmem_shared>> -> memref<80x128xf32, #tpu.memory_space<vmem_shared>>
      %dma_wait3A_160 = arith.constant 0 : i32
      %dma_wait3A_161 = tpu.memref_slice %arg11[%add3A_29, %dma_wait3A_160] : memref<10240x128xf32, #tpu.memory_space<vmem_shared>> -> memref<80x128xf32, #tpu.memory_space<vmem_shared>>
      %dma_wait3A_162 = arith.constant 0 : i32
      %dma_wait3A_163 = arith.constant 0 : i32
      %dma_wait3A_164 = tpu.memref_slice %arg10[%run_scoped3A_30, %dma_wait3A_162, %dma_wait3A_163] : memref<2x80x128xf32, #tpu.memory_space<vmem>> -> memref<1x80x128xf32, #tpu.memory_space<vmem>>
      %dma_wait3A_165 = tpu.memref_squeeze %dma_wait3A_164 : memref<1x80x128xf32, #tpu.memory_space<vmem>> -> memref<80x128xf32, #tpu.memory_space<vmem>>
      tpu.wait_dma2 semaphore(%run_scoped3A_141 : memref<!tpu.dma_semaphore, #tpu.memory_space<semaphore_mem>>) src(%dma_wait3A_165 : memref<80x128xf32, #tpu.memory_space<vmem>>) dst(%dma_wait3A_161 : memref<80x128xf32, #tpu.memory_space<vmem_shared>>)
      tpu.yield
    }) : () -> ()
    %mul3A_31 = arith.constant 640 : i32
    %mul3A_32 = arith.muli %arg1, %mul3A_31 : i32
    %add3A_33 = arith.constant 480 : i32
    %add3A_34 = arith.addi %mul3A_32, %add3A_33 : i32
    %run_scoped3A_35 = arith.constant 0 : i32
    "tpu.region"() ({
      %run_scoped3A_141 = tpu.sem_alloc : memref<!tpu.dma_semaphore, #tpu.memory_space<semaphore_mem>>
      %dma_start3A_142 = arith.constant 0 : i32
      %dma_start3A_143 = arith.constant 0 : i32
      %dma_start3A_144 = tpu.memref_slice %arg10[%run_scoped3A_35, %dma_start3A_142, %dma_start3A_143] : memref<2x80x128xf32, #tpu.memory_space<vmem>> -> memref<1x80x128xf32, #tpu.memory_space<vmem>>
      %dma_start3A_145 = tpu.memref_squeeze %dma_start3A_144 : memref<1x80x128xf32, #tpu.memory_space<vmem>> -> memref<80x128xf32, #tpu.memory_space<vmem>>
      %dma_start3A_146 = arith.constant 0 : i32
      %dma_start3A_147 = tpu.memref_slice %arg11[%add3A_34, %dma_start3A_146] : memref<10240x128xf32, #tpu.memory_space<vmem_shared>> -> memref<80x128xf32, #tpu.memory_space<vmem_shared>>
      %dma_start3A_148 = arith.constant 0 : i32
      %dma_start3A_149 = tpu.memref_slice %arg11[%add3A_34, %dma_start3A_148] : memref<10240x128xf32, #tpu.memory_space<vmem_shared>> -> memref<80x128xf32, #tpu.memory_space<vmem_shared>>
      %dma_start3A_150 = arith.constant 0 : i32
      %dma_start3A_151 = arith.constant 0 : i32
      %dma_start3A_152 = tpu.memref_slice %arg10[%run_scoped3A_35, %dma_start3A_150, %dma_start3A_151] : memref<2x80x128xf32, #tpu.memory_space<vmem>> -> memref<1x80x128xf32, #tpu.memory_space<vmem>>
      %dma_start3A_153 = tpu.memref_squeeze %dma_start3A_152 : memref<1x80x128xf32, #tpu.memory_space<vmem>> -> memref<80x128xf32, #tpu.memory_space<vmem>>
      tpu.enqueue_dma source(%dma_start3A_153 : memref<80x128xf32, #tpu.memory_space<vmem>>) target(%dma_start3A_149 : memref<80x128xf32, #tpu.memory_space<vmem_shared>>) target_semaphore(%run_scoped3A_141 : memref<!tpu.dma_semaphore, #tpu.memory_space<semaphore_mem>>)
      %dma_wait3A_154 = arith.constant 0 : i32
      %dma_wait3A_155 = arith.constant 0 : i32
      %dma_wait3A_156 = tpu.memref_slice %arg10[%run_scoped3A_35, %dma_wait3A_154, %dma_wait3A_155] : memref<2x80x128xf32, #tpu.memory_space<vmem>> -> memref<1x80x128xf32, #tpu.memory_space<vmem>>
      %dma_wait3A_157 = tpu.memref_squeeze %dma_wait3A_156 : memref<1x80x128xf32, #tpu.memory_space<vmem>> -> memref<80x128xf32, #tpu.memory_space<vmem>>
      %dma_wait3A_158 = arith.constant 0 : i32
      %dma_wait3A_159 = tpu.memref_slice %arg11[%add3A_34, %dma_wait3A_158] : memref<10240x128xf32, #tpu.memory_space<vmem_shared>> -> memref<80x128xf32, #tpu.memory_space<vmem_shared>>
      %dma_wait3A_160 = arith.constant 0 : i32
      %dma_wait3A_161 = tpu.memref_slice %arg11[%add3A_34, %dma_wait3A_160] : memref<10240x128xf32, #tpu.memory_space<vmem_shared>> -> memref<80x128xf32, #tpu.memory_space<vmem_shared>>
      %dma_wait3A_162 = arith.constant 0 : i32
      %dma_wait3A_163 = arith.constant 0 : i32
      %dma_wait3A_164 = tpu.memref_slice %arg10[%run_scoped3A_35, %dma_wait3A_162, %dma_wait3A_163] : memref<2x80x128xf32, #tpu.memory_space<vmem>> -> memref<1x80x128xf32, #tpu.memory_space<vmem>>
      %dma_wait3A_165 = tpu.memref_squeeze %dma_wait3A_164 : memref<1x80x128xf32, #tpu.memory_space<vmem>> -> memref<80x128xf32, #tpu.memory_space<vmem>>
      tpu.wait_dma2 semaphore(%run_scoped3A_141 : memref<!tpu.dma_semaphore, #tpu.memory_space<semaphore_mem>>) src(%dma_wait3A_165 : memref<80x128xf32, #tpu.memory_space<vmem>>) dst(%dma_wait3A_161 : memref<80x128xf32, #tpu.memory_space<vmem_shared>>)
      tpu.yield
    }) : () -> ()
    %mul3A_36 = arith.constant 640 : i32
    %mul3A_37 = arith.muli %arg1, %mul3A_36 : i32
    %add3A_38 = arith.constant 560 : i32
    %add3A_39 = arith.addi %mul3A_37, %add3A_38 : i32
    %run_scoped3A_40 = arith.constant 0 : i32
    "tpu.region"() ({
      %run_scoped3A_141 = tpu.sem_alloc : memref<!tpu.dma_semaphore, #tpu.memory_space<semaphore_mem>>
      %dma_start3A_142 = arith.constant 0 : i32
      %dma_start3A_143 = arith.constant 0 : i32
      %dma_start3A_144 = tpu.memref_slice %arg10[%run_scoped3A_40, %dma_start3A_142, %dma_start3A_143] : memref<2x80x128xf32, #tpu.memory_space<vmem>> -> memref<1x80x128xf32, #tpu.memory_space<vmem>>
      %dma_start3A_145 = tpu.memref_squeeze %dma_start3A_144 : memref<1x80x128xf32, #tpu.memory_space<vmem>> -> memref<80x128xf32, #tpu.memory_space<vmem>>
      %dma_start3A_146 = arith.constant 0 : i32
      %dma_start3A_147 = tpu.memref_slice %arg11[%add3A_39, %dma_start3A_146] : memref<10240x128xf32, #tpu.memory_space<vmem_shared>> -> memref<80x128xf32, #tpu.memory_space<vmem_shared>>
      %dma_start3A_148 = arith.constant 0 : i32
      %dma_start3A_149 = tpu.memref_slice %arg11[%add3A_39, %dma_start3A_148] : memref<10240x128xf32, #tpu.memory_space<vmem_shared>> -> memref<80x128xf32, #tpu.memory_space<vmem_shared>>
      %dma_start3A_150 = arith.constant 0 : i32
      %dma_start3A_151 = arith.constant 0 : i32
      %dma_start3A_152 = tpu.memref_slice %arg10[%run_scoped3A_40, %dma_start3A_150, %dma_start3A_151] : memref<2x80x128xf32, #tpu.memory_space<vmem>> -> memref<1x80x128xf32, #tpu.memory_space<vmem>>
      %dma_start3A_153 = tpu.memref_squeeze %dma_start3A_152 : memref<1x80x128xf32, #tpu.memory_space<vmem>> -> memref<80x128xf32, #tpu.memory_space<vmem>>
      tpu.enqueue_dma source(%dma_start3A_153 : memref<80x128xf32, #tpu.memory_space<vmem>>) target(%dma_start3A_149 : memref<80x128xf32, #tpu.memory_space<vmem_shared>>) target_semaphore(%run_scoped3A_141 : memref<!tpu.dma_semaphore, #tpu.memory_space<semaphore_mem>>)
      %dma_wait3A_154 = arith.constant 0 : i32
      %dma_wait3A_155 = arith.constant 0 : i32
      %dma_wait3A_156 = tpu.memref_slice %arg10[%run_scoped3A_40, %dma_wait3A_154, %dma_wait3A_155] : memref<2x80x128xf32, #tpu.memory_space<vmem>> -> memref<1x80x128xf32, #tpu.memory_space<vmem>>
      %dma_wait3A_157 = tpu.memref_squeeze %dma_wait3A_156 : memref<1x80x128xf32, #tpu.memory_space<vmem>> -> memref<80x128xf32, #tpu.memory_space<vmem>>
      %dma_wait3A_158 = arith.constant 0 : i32
      %dma_wait3A_159 = tpu.memref_slice %arg11[%add3A_39, %dma_wait3A_158] : memref<10240x128xf32, #tpu.memory_space<vmem_shared>> -> memref<80x128xf32, #tpu.memory_space<vmem_shared>>
      %dma_wait3A_160 = arith.constant 0 : i32
      %dma_wait3A_161 = tpu.memref_slice %arg11[%add3A_39, %dma_wait3A_160] : memref<10240x128xf32, #tpu.memory_space<vmem_shared>> -> memref<80x128xf32, #tpu.memory_space<vmem_shared>>
      %dma_wait3A_162 = arith.constant 0 : i32
      %dma_wait3A_163 = arith.constant 0 : i32
      %dma_wait3A_164 = tpu.memref_slice %arg10[%run_scoped3A_40, %dma_wait3A_162, %dma_wait3A_163] : memref<2x80x128xf32, #tpu.memory_space<vmem>> -> memref<1x80x128xf32, #tpu.memory_space<vmem>>
      %dma_wait3A_165 = tpu.memref_squeeze %dma_wait3A_164 : memref<1x80x128xf32, #tpu.memory_space<vmem>> -> memref<80x128xf32, #tpu.memory_space<vmem>>
      tpu.wait_dma2 semaphore(%run_scoped3A_141 : memref<!tpu.dma_semaphore, #tpu.memory_space<semaphore_mem>>) src(%dma_wait3A_165 : memref<80x128xf32, #tpu.memory_space<vmem>>) dst(%dma_wait3A_161 : memref<80x128xf32, #tpu.memory_space<vmem_shared>>)
      tpu.yield
    }) : () -> ()
    %barrier3A = arith.constant 0 : index
    tpu.barrier barrier_id(%barrier3A)
    %mul3A_41 = arith.constant 160000 : i32
    %mul3A_42 = arith.muli %arg0, %mul3A_41 : i32
    %mul3A_43 = arith.constant 10000 : i32
    %mul3A_44 = arith.muli %arg1, %mul3A_43 : i32
    %add3A_45 = arith.addi %mul3A_42, %mul3A_44 : i32
    %add3A_46 = arith.constant 0 : i32
    %add3A_47 = arith.addi %add3A_45, %add3A_46 : i32
    %dma_start3A = tpu.memref_slice %arg3[%add3A_47] : memref<320000xi32, #tpu.memory_space<hbm>> -> memref<80xi32, #tpu.memory_space<hbm>>
    %dma_start3A_48 = tpu.memref_slice %arg3[%add3A_47] : memref<320000xi32, #tpu.memory_space<hbm>> -> memref<80xi32, #tpu.memory_space<hbm>>
    tpu.enqueue_dma source(%dma_start3A_48 : memref<80xi32, #tpu.memory_space<hbm>>) target(%arg6 : memref<80xi32, #tpu.memory_space<vmem>>) target_semaphore(%arg12 : memref<!tpu.dma_semaphore, #tpu.memory_space<semaphore_mem>>)
    %dma_start3A_49 = tpu.memref_slice %arg4[%add3A_47] : memref<320000xi32, #tpu.memory_space<hbm>> -> memref<80xi32, #tpu.memory_space<hbm>>
    %dma_start3A_50 = tpu.memref_slice %arg4[%add3A_47] : memref<320000xi32, #tpu.memory_space<hbm>> -> memref<80xi32, #tpu.memory_space<hbm>>
    tpu.enqueue_dma source(%dma_start3A_50 : memref<80xi32, #tpu.memory_space<hbm>>) target(%arg8 : memref<80xi32, #tpu.memory_space<vmem>>) target_semaphore(%arg12 : memref<!tpu.dma_semaphore, #tpu.memory_space<semaphore_mem>>)
    %add3A_51 = arith.constant 80 : i32
    %add3A_52 = arith.addi %add3A_45, %add3A_51 : i32
    %dma_start3A_53 = tpu.memref_slice %arg3[%add3A_52] : memref<320000xi32, #tpu.memory_space<hbm>> -> memref<80xi32, #tpu.memory_space<hbm>>
    %dma_start3A_54 = tpu.memref_slice %arg3[%add3A_52] : memref<320000xi32, #tpu.memory_space<hbm>> -> memref<80xi32, #tpu.memory_space<hbm>>
    tpu.enqueue_dma source(%dma_start3A_54 : memref<80xi32, #tpu.memory_space<hbm>>) target(%arg7 : memref<80xi32, #tpu.memory_space<vmem>>) target_semaphore(%arg13 : memref<!tpu.dma_semaphore, #tpu.memory_space<semaphore_mem>>)
    %dma_start3A_55 = tpu.memref_slice %arg4[%add3A_52] : memref<320000xi32, #tpu.memory_space<hbm>> -> memref<80xi32, #tpu.memory_space<hbm>>
    %dma_start3A_56 = tpu.memref_slice %arg4[%add3A_52] : memref<320000xi32, #tpu.memory_space<hbm>> -> memref<80xi32, #tpu.memory_space<hbm>>
    tpu.enqueue_dma source(%dma_start3A_56 : memref<80xi32, #tpu.memory_space<hbm>>) target(%arg9 : memref<80xi32, #tpu.memory_space<vmem>>) target_semaphore(%arg13 : memref<!tpu.dma_semaphore, #tpu.memory_space<semaphore_mem>>)
    %add3A_57 = arith.constant 0 : i32
    %add3A_58 = arith.addi %add3A_45, %add3A_57 : i32
    %dma_wait3A = tpu.memref_slice %arg3[%add3A_58] : memref<320000xi32, #tpu.memory_space<hbm>> -> memref<80xi32, #tpu.memory_space<hbm>>
    %dma_wait3A_59 = tpu.memref_slice %arg3[%add3A_58] : memref<320000xi32, #tpu.memory_space<hbm>> -> memref<80xi32, #tpu.memory_space<hbm>>
    tpu.wait_dma2 semaphore(%arg12 : memref<!tpu.dma_semaphore, #tpu.memory_space<semaphore_mem>>) src(%dma_wait3A_59 : memref<80xi32, #tpu.memory_space<hbm>>) dst(%arg6 : memref<80xi32, #tpu.memory_space<vmem>>)
    %dma_wait3A_60 = tpu.memref_slice %arg4[%add3A_58] : memref<320000xi32, #tpu.memory_space<hbm>> -> memref<80xi32, #tpu.memory_space<hbm>>
    %dma_wait3A_61 = tpu.memref_slice %arg4[%add3A_58] : memref<320000xi32, #tpu.memory_space<hbm>> -> memref<80xi32, #tpu.memory_space<hbm>>
    tpu.wait_dma2 semaphore(%arg12 : memref<!tpu.dma_semaphore, #tpu.memory_space<semaphore_mem>>) src(%dma_wait3A_61 : memref<80xi32, #tpu.memory_space<hbm>>) dst(%arg8 : memref<80xi32, #tpu.memory_space<vmem>>)
    %dma_start3A_62 = arith.constant 0 : i32
    %dma_start3A_63 = arith.constant 0 : i32
    %dma_start3A_64 = arith.constant 0 : i32
    %dma_start3A_65 = tpu.memref_slice %arg10[%dma_start3A_62, %dma_start3A_63, %dma_start3A_64] : memref<2x80x128xf32, #tpu.memory_space<vmem>> -> memref<1x80x128xf32, #tpu.memory_space<vmem>>
    %dma_start3A_66 = tpu.memref_squeeze %dma_start3A_65 : memref<1x80x128xf32, #tpu.memory_space<vmem>> -> memref<80x128xf32, #tpu.memory_space<vmem>>
    %dma_start3A_67 = arith.constant 0 : i32
    %dma_start3A_68 = arith.constant 0 : i32
    %dma_start3A_69 = tpu.memref_slice %arg2[%dma_start3A_67, %dma_start3A_68] : memref<10000x128xf32, #tpu.memory_space<hbm>> -> memref<10000x128xf32, #tpu.memory_space<hbm>>
    tpu.enqueue_indirect_dma source(%dma_start3A_69 : memref<10000x128xf32, #tpu.memory_space<hbm>>) target(%dma_start3A_66 : memref<80x128xf32, #tpu.memory_space<vmem>>) offsets(%arg6 : memref<80xi32, #tpu.memory_space<vmem>>) semaphore(%arg14 : memref<!tpu.dma_semaphore, #tpu.memory_space<semaphore_mem>>)
    %scan3A_70 = arith.constant 0 : i32
    %scan3A_71 = arith.constant 61 : i32
    %scan3A_72 = arith.addi %scan3A_70, %scan3A_71 : i32
    %scan3A_73 = arith.constant 1 : i32
    scf.for %scan3A_141 = %scan3A_70 to %scan3A_72 step %scan3A_73  : i32 {
      %mul3A_142 = arith.constant 2 : i32
      %mul3A_143 = arith.muli %mul3A_142, %scan3A_141 : i32
      %add3A_144 = arith.constant 1 : i32
      %add3A_145 = arith.addi %add3A_144, %mul3A_143 : i32
      %mul3A_146 = arith.constant 80 : i32
      %mul3A_147 = arith.muli %add3A_145, %mul3A_146 : i32
      %add3A_148 = arith.addi %add3A_45, %mul3A_147 : i32
      %dma_wait3A_149 = tpu.memref_slice %arg3[%add3A_148] : memref<320000xi32, #tpu.memory_space<hbm>> -> memref<80xi32, #tpu.memory_space<hbm>>
      %dma_wait3A_150 = tpu.memref_slice %arg3[%add3A_148] : memref<320000xi32, #tpu.memory_space<hbm>> -> memref<80xi32, #tpu.memory_space<hbm>>
      tpu.wait_dma2 semaphore(%arg13 : memref<!tpu.dma_semaphore, #tpu.memory_space<semaphore_mem>>) src(%dma_wait3A_150 : memref<80xi32, #tpu.memory_space<hbm>>) dst(%arg7 : memref<80xi32, #tpu.memory_space<vmem>>)
      %dma_wait3A_151 = tpu.memref_slice %arg4[%add3A_148] : memref<320000xi32, #tpu.memory_space<hbm>> -> memref<80xi32, #tpu.memory_space<hbm>>
      %dma_wait3A_152 = tpu.memref_slice %arg4[%add3A_148] : memref<320000xi32, #tpu.memory_space<hbm>> -> memref<80xi32, #tpu.memory_space<hbm>>
      tpu.wait_dma2 semaphore(%arg13 : memref<!tpu.dma_semaphore, #tpu.memory_space<semaphore_mem>>) src(%dma_wait3A_152 : memref<80xi32, #tpu.memory_space<hbm>>) dst(%arg9 : memref<80xi32, #tpu.memory_space<vmem>>)
      %dma_start3A_153 = arith.constant 1 : i32
      %dma_start3A_154 = arith.constant 0 : i32
      %dma_start3A_155 = arith.constant 0 : i32
      %dma_start3A_156 = tpu.memref_slice %arg10[%dma_start3A_153, %dma_start3A_154, %dma_start3A_155] : memref<2x80x128xf32, #tpu.memory_space<vmem>> -> memref<1x80x128xf32, #tpu.memory_space<vmem>>
      %dma_start3A_157 = tpu.memref_squeeze %dma_start3A_156 : memref<1x80x128xf32, #tpu.memory_space<vmem>> -> memref<80x128xf32, #tpu.memory_space<vmem>>
      %dma_start3A_158 = arith.constant 0 : i32
      %dma_start3A_159 = arith.constant 0 : i32
      %dma_start3A_160 = tpu.memref_slice %arg2[%dma_start3A_158, %dma_start3A_159] : memref<10000x128xf32, #tpu.memory_space<hbm>> -> memref<10000x128xf32, #tpu.memory_space<hbm>>
      tpu.enqueue_indirect_dma source(%dma_start3A_160 : memref<10000x128xf32, #tpu.memory_space<hbm>>) target(%dma_start3A_157 : memref<80x128xf32, #tpu.memory_space<vmem>>) offsets(%arg7 : memref<80xi32, #tpu.memory_space<vmem>>) semaphore(%arg15 : memref<!tpu.dma_semaphore, #tpu.memory_space<semaphore_mem>>)
      %sub3A = arith.constant 1 : i32
      %sub3A_161 = arith.subi %add3A_145, %sub3A : i32
      %dma_wait3A_162 = arith.constant 0 : i32
      %dma_wait3A_163 = arith.constant 0 : i32
      %dma_wait3A_164 = arith.constant 0 : i32
      %dma_wait3A_165 = tpu.memref_slice %arg10[%dma_wait3A_162, %dma_wait3A_163, %dma_wait3A_164] : memref<2x80x128xf32, #tpu.memory_space<vmem>> -> memref<1x80x128xf32, #tpu.memory_space<vmem>>
      %dma_wait3A_166 = tpu.memref_squeeze %dma_wait3A_165 : memref<1x80x128xf32, #tpu.memory_space<vmem>> -> memref<80x128xf32, #tpu.memory_space<vmem>>
      %dma_wait3A_167 = arith.constant 0 : i32
      %dma_wait3A_168 = arith.constant 0 : i32
      %dma_wait3A_169 = tpu.memref_slice %arg2[%dma_wait3A_167, %dma_wait3A_168] : memref<10000x128xf32, #tpu.memory_space<hbm>> -> memref<10000x128xf32, #tpu.memory_space<hbm>>
      tpu.wait_indirect_dma semaphore(%arg14 : memref<!tpu.dma_semaphore, #tpu.memory_space<semaphore_mem>>) src(%dma_wait3A_169 : memref<10000x128xf32, #tpu.memory_space<hbm>>) dst(%dma_wait3A_166 : memref<80x128xf32, #tpu.memory_space<vmem>>)
      %run_scoped3A_170 = arith.constant 0 : i32
      "tpu.region"() ({
        %run_scoped3A_215 = tpu.sem_alloc : memref<!tpu.dma_semaphore, #tpu.memory_space<semaphore_mem>>
        %dma_start3A_216 = arith.constant 0 : i32
        %dma_start3A_217 = arith.constant 0 : i32
        %dma_start3A_218 = tpu.memref_slice %arg10[%run_scoped3A_170, %dma_start3A_216, %dma_start3A_217] : memref<2x80x128xf32, #tpu.memory_space<vmem>> -> memref<1x80x128xf32, #tpu.memory_space<vmem>>
        %dma_start3A_219 = tpu.memref_squeeze %dma_start3A_218 : memref<1x80x128xf32, #tpu.memory_space<vmem>> -> memref<80x128xf32, #tpu.memory_space<vmem>>
        %dma_start3A_220 = arith.constant 0 : i32
        %dma_start3A_221 = arith.constant 0 : i32
        %dma_start3A_222 = tpu.memref_slice %arg11[%dma_start3A_220, %dma_start3A_221] : memref<10240x128xf32, #tpu.memory_space<vmem_shared>> -> memref<10240x128xf32, #tpu.memory_space<vmem_shared>>
        tpu.enqueue_indirect_dma source(%dma_start3A_219 : memref<80x128xf32, #tpu.memory_space<vmem>>) target(%dma_start3A_222 : memref<10240x128xf32, #tpu.memory_space<vmem_shared>>) offsets(%arg8 : memref<80xi32, #tpu.memory_space<vmem>>) semaphore(%run_scoped3A_215 : memref<!tpu.dma_semaphore, #tpu.memory_space<semaphore_mem>>) {add = true}
        %dma_wait3A_223 = arith.constant 0 : i32
        %dma_wait3A_224 = arith.constant 0 : i32
        %dma_wait3A_225 = tpu.memref_slice %arg10[%run_scoped3A_170, %dma_wait3A_223, %dma_wait3A_224] : memref<2x80x128xf32, #tpu.memory_space<vmem>> -> memref<1x80x128xf32, #tpu.memory_space<vmem>>
        %dma_wait3A_226 = tpu.memref_squeeze %dma_wait3A_225 : memref<1x80x128xf32, #tpu.memory_space<vmem>> -> memref<80x128xf32, #tpu.memory_space<vmem>>
        %dma_wait3A_227 = arith.constant 0 : i32
        %dma_wait3A_228 = arith.constant 0 : i32
        %dma_wait3A_229 = tpu.memref_slice %arg11[%dma_wait3A_227, %dma_wait3A_228] : memref<10240x128xf32, #tpu.memory_space<vmem_shared>> -> memref<10240x128xf32, #tpu.memory_space<vmem_shared>>
        tpu.wait_indirect_dma semaphore(%run_scoped3A_215 : memref<!tpu.dma_semaphore, #tpu.memory_space<semaphore_mem>>) src(%dma_wait3A_226 : memref<80x128xf32, #tpu.memory_space<vmem>>) dst(%dma_wait3A_229 : memref<10240x128xf32, #tpu.memory_space<vmem_shared>>)
        tpu.yield
      }) : () -> ()
      %add3A_171 = arith.constant 1 : i32
      %add3A_172 = arith.addi %add3A_145, %add3A_171 : i32
      %mul3A_173 = arith.constant 80 : i32
      %mul3A_174 = arith.muli %add3A_172, %mul3A_173 : i32
      %add3A_175 = arith.addi %add3A_45, %mul3A_174 : i32
      %dma_start3A_176 = tpu.memref_slice %arg3[%add3A_175] : memref<320000xi32, #tpu.memory_space<hbm>> -> memref<80xi32, #tpu.memory_space<hbm>>
      %dma_start3A_177 = tpu.memref_slice %arg3[%add3A_175] : memref<320000xi32, #tpu.memory_space<hbm>> -> memref<80xi32, #tpu.memory_space<hbm>>
      tpu.enqueue_dma source(%dma_start3A_177 : memref<80xi32, #tpu.memory_space<hbm>>) target(%arg6 : memref<80xi32, #tpu.memory_space<vmem>>) target_semaphore(%arg12 : memref<!tpu.dma_semaphore, #tpu.memory_space<semaphore_mem>>)
      %dma_start3A_178 = tpu.memref_slice %arg4[%add3A_175] : memref<320000xi32, #tpu.memory_space<hbm>> -> memref<80xi32, #tpu.memory_space<hbm>>
      %dma_start3A_179 = tpu.memref_slice %arg4[%add3A_175] : memref<320000xi32, #tpu.memory_space<hbm>> -> memref<80xi32, #tpu.memory_space<hbm>>
      tpu.enqueue_dma source(%dma_start3A_179 : memref<80xi32, #tpu.memory_space<hbm>>) target(%arg8 : memref<80xi32, #tpu.memory_space<vmem>>) target_semaphore(%arg12 : memref<!tpu.dma_semaphore, #tpu.memory_space<semaphore_mem>>)
      %add3A_180 = arith.constant 1 : i32
      %add3A_181 = arith.addi %add3A_145, %add3A_180 : i32
      %mul3A_182 = arith.constant 80 : i32
      %mul3A_183 = arith.muli %add3A_181, %mul3A_182 : i32
      %add3A_184 = arith.addi %add3A_45, %mul3A_183 : i32
      %dma_wait3A_185 = tpu.memref_slice %arg3[%add3A_184] : memref<320000xi32, #tpu.memory_space<hbm>> -> memref<80xi32, #tpu.memory_space<hbm>>
      %dma_wait3A_186 = tpu.memref_slice %arg3[%add3A_184] : memref<320000xi32, #tpu.memory_space<hbm>> -> memref<80xi32, #tpu.memory_space<hbm>>
      tpu.wait_dma2 semaphore(%arg12 : memref<!tpu.dma_semaphore, #tpu.memory_space<semaphore_mem>>) src(%dma_wait3A_186 : memref<80xi32, #tpu.memory_space<hbm>>) dst(%arg6 : memref<80xi32, #tpu.memory_space<vmem>>)
      %dma_wait3A_187 = tpu.memref_slice %arg4[%add3A_184] : memref<320000xi32, #tpu.memory_space<hbm>> -> memref<80xi32, #tpu.memory_space<hbm>>
      %dma_wait3A_188 = tpu.memref_slice %arg4[%add3A_184] : memref<320000xi32, #tpu.memory_space<hbm>> -> memref<80xi32, #tpu.memory_space<hbm>>
      tpu.wait_dma2 semaphore(%arg12 : memref<!tpu.dma_semaphore, #tpu.memory_space<semaphore_mem>>) src(%dma_wait3A_188 : memref<80xi32, #tpu.memory_space<hbm>>) dst(%arg8 : memref<80xi32, #tpu.memory_space<vmem>>)
      %dma_start3A_189 = arith.constant 0 : i32
      %dma_start3A_190 = arith.constant 0 : i32
      %dma_start3A_191 = arith.constant 0 : i32
      %dma_start3A_192 = tpu.memref_slice %arg10[%dma_start3A_189, %dma_start3A_190, %dma_start3A_191] : memref<2x80x128xf32, #tpu.memory_space<vmem>> -> memref<1x80x128xf32, #tpu.memory_space<vmem>>
      %dma_start3A_193 = tpu.memref_squeeze %dma_start3A_192 : memref<1x80x128xf32, #tpu.memory_space<vmem>> -> memref<80x128xf32, #tpu.memory_space<vmem>>
      %dma_start3A_194 = arith.constant 0 : i32
      %dma_start3A_195 = arith.constant 0 : i32
      %dma_start3A_196 = tpu.memref_slice %arg2[%dma_start3A_194, %dma_start3A_195] : memref<10000x128xf32, #tpu.memory_space<hbm>> -> memref<10000x128xf32, #tpu.memory_space<hbm>>
      tpu.enqueue_indirect_dma source(%dma_start3A_196 : memref<10000x128xf32, #tpu.memory_space<hbm>>) target(%dma_start3A_193 : memref<80x128xf32, #tpu.memory_space<vmem>>) offsets(%arg6 : memref<80xi32, #tpu.memory_space<vmem>>) semaphore(%arg14 : memref<!tpu.dma_semaphore, #tpu.memory_space<semaphore_mem>>)
      %dma_wait3A_197 = arith.constant 1 : i32
      %dma_wait3A_198 = arith.constant 0 : i32
      %dma_wait3A_199 = arith.constant 0 : i32
      %dma_wait3A_200 = tpu.memref_slice %arg10[%dma_wait3A_197, %dma_wait3A_198, %dma_wait3A_199] : memref<2x80x128xf32, #tpu.memory_space<vmem>> -> memref<1x80x128xf32, #tpu.memory_space<vmem>>
      %dma_wait3A_201 = tpu.memref_squeeze %dma_wait3A_200 : memref<1x80x128xf32, #tpu.memory_space<vmem>> -> memref<80x128xf32, #tpu.memory_space<vmem>>
      %dma_wait3A_202 = arith.constant 0 : i32
      %dma_wait3A_203 = arith.constant 0 : i32
      %dma_wait3A_204 = tpu.memref_slice %arg2[%dma_wait3A_202, %dma_wait3A_203] : memref<10000x128xf32, #tpu.memory_space<hbm>> -> memref<10000x128xf32, #tpu.memory_space<hbm>>
      tpu.wait_indirect_dma semaphore(%arg15 : memref<!tpu.dma_semaphore, #tpu.memory_space<semaphore_mem>>) src(%dma_wait3A_204 : memref<10000x128xf32, #tpu.memory_space<hbm>>) dst(%dma_wait3A_201 : memref<80x128xf32, #tpu.memory_space<vmem>>)
      %run_scoped3A_205 = arith.constant 1 : i32
      "tpu.region"() ({
        %run_scoped3A_215 = tpu.sem_alloc : memref<!tpu.dma_semaphore, #tpu.memory_space<semaphore_mem>>
        %dma_start3A_216 = arith.constant 0 : i32
        %dma_start3A_217 = arith.constant 0 : i32
        %dma_start3A_218 = tpu.memref_slice %arg10[%run_scoped3A_205, %dma_start3A_216, %dma_start3A_217] : memref<2x80x128xf32, #tpu.memory_space<vmem>> -> memref<1x80x128xf32, #tpu.memory_space<vmem>>
        %dma_start3A_219 = tpu.memref_squeeze %dma_start3A_218 : memref<1x80x128xf32, #tpu.memory_space<vmem>> -> memref<80x128xf32, #tpu.memory_space<vmem>>
        %dma_start3A_220 = arith.constant 0 : i32
        %dma_start3A_221 = arith.constant 0 : i32
        %dma_start3A_222 = tpu.memref_slice %arg11[%dma_start3A_220, %dma_start3A_221] : memref<10240x128xf32, #tpu.memory_space<vmem_shared>> -> memref<10240x128xf32, #tpu.memory_space<vmem_shared>>
        tpu.enqueue_indirect_dma source(%dma_start3A_219 : memref<80x128xf32, #tpu.memory_space<vmem>>) target(%dma_start3A_222 : memref<10240x128xf32, #tpu.memory_space<vmem_shared>>) offsets(%arg9 : memref<80xi32, #tpu.memory_space<vmem>>) semaphore(%run_scoped3A_215 : memref<!tpu.dma_semaphore, #tpu.memory_space<semaphore_mem>>) {add = true}
        %dma_wait3A_223 = arith.constant 0 : i32
        %dma_wait3A_224 = arith.constant 0 : i32
        %dma_wait3A_225 = tpu.memref_slice %arg10[%run_scoped3A_205, %dma_wait3A_223, %dma_wait3A_224] : memref<2x80x128xf32, #tpu.memory_space<vmem>> -> memref<1x80x128xf32, #tpu.memory_space<vmem>>
        %dma_wait3A_226 = tpu.memref_squeeze %dma_wait3A_225 : memref<1x80x128xf32, #tpu.memory_space<vmem>> -> memref<80x128xf32, #tpu.memory_space<vmem>>
        %dma_wait3A_227 = arith.constant 0 : i32
        %dma_wait3A_228 = arith.constant 0 : i32
        %dma_wait3A_229 = tpu.memref_slice %arg11[%dma_wait3A_227, %dma_wait3A_228] : memref<10240x128xf32, #tpu.memory_space<vmem_shared>> -> memref<10240x128xf32, #tpu.memory_space<vmem_shared>>
        tpu.wait_indirect_dma semaphore(%run_scoped3A_215 : memref<!tpu.dma_semaphore, #tpu.memory_space<semaphore_mem>>) src(%dma_wait3A_226 : memref<80x128xf32, #tpu.memory_space<vmem>>) dst(%dma_wait3A_229 : memref<10240x128xf32, #tpu.memory_space<vmem_shared>>)
        tpu.yield
      }) : () -> ()
      %add3A_206 = arith.constant 2 : i32
      %add3A_207 = arith.addi %add3A_145, %add3A_206 : i32
      %mul3A_208 = arith.constant 80 : i32
      %mul3A_209 = arith.muli %add3A_207, %mul3A_208 : i32
      %add3A_210 = arith.addi %add3A_45, %mul3A_209 : i32
      %dma_start3A_211 = tpu.memref_slice %arg3[%add3A_210] : memref<320000xi32, #tpu.memory_space<hbm>> -> memref<80xi32, #tpu.memory_space<hbm>>
      %dma_start3A_212 = tpu.memref_slice %arg3[%add3A_210] : memref<320000xi32, #tpu.memory_space<hbm>> -> memref<80xi32, #tpu.memory_space<hbm>>
      tpu.enqueue_dma source(%dma_start3A_212 : memref<80xi32, #tpu.memory_space<hbm>>) target(%arg7 : memref<80xi32, #tpu.memory_space<vmem>>) target_semaphore(%arg13 : memref<!tpu.dma_semaphore, #tpu.memory_space<semaphore_mem>>)
      %dma_start3A_213 = tpu.memref_slice %arg4[%add3A_210] : memref<320000xi32, #tpu.memory_space<hbm>> -> memref<80xi32, #tpu.memory_space<hbm>>
      %dma_start3A_214 = tpu.memref_slice %arg4[%add3A_210] : memref<320000xi32, #tpu.memory_space<hbm>> -> memref<80xi32, #tpu.memory_space<hbm>>
      tpu.enqueue_dma source(%dma_start3A_214 : memref<80xi32, #tpu.memory_space<hbm>>) target(%arg9 : memref<80xi32, #tpu.memory_space<vmem>>) target_semaphore(%arg13 : memref<!tpu.dma_semaphore, #tpu.memory_space<semaphore_mem>>)
    }
    %scan3A_74 = arith.constant 61 : i32
    %add3A_75 = arith.constant 9840 : i32
    %add3A_76 = arith.addi %add3A_45, %add3A_75 : i32
    %dma_wait3A_77 = tpu.memref_slice %arg3[%add3A_76] : memref<320000xi32, #tpu.memory_space<hbm>> -> memref<80xi32, #tpu.memory_space<hbm>>
    %dma_wait3A_78 = tpu.memref_slice %arg3[%add3A_76] : memref<320000xi32, #tpu.memory_space<hbm>> -> memref<80xi32, #tpu.memory_space<hbm>>
    tpu.wait_dma2 semaphore(%arg13 : memref<!tpu.dma_semaphore, #tpu.memory_space<semaphore_mem>>) src(%dma_wait3A_78 : memref<80xi32, #tpu.memory_space<hbm>>) dst(%arg7 : memref<80xi32, #tpu.memory_space<vmem>>)
    %dma_wait3A_79 = tpu.memref_slice %arg4[%add3A_76] : memref<320000xi32, #tpu.memory_space<hbm>> -> memref<80xi32, #tpu.memory_space<hbm>>
    %dma_wait3A_80 = tpu.memref_slice %arg4[%add3A_76] : memref<320000xi32, #tpu.memory_space<hbm>> -> memref<80xi32, #tpu.memory_space<hbm>>
    tpu.wait_dma2 semaphore(%arg13 : memref<!tpu.dma_semaphore, #tpu.memory_space<semaphore_mem>>) src(%dma_wait3A_80 : memref<80xi32, #tpu.memory_space<hbm>>) dst(%arg9 : memref<80xi32, #tpu.memory_space<vmem>>)
    %dma_start3A_81 = arith.constant 1 : i32
    %dma_start3A_82 = arith.constant 0 : i32
    %dma_start3A_83 = arith.constant 0 : i32
    %dma_start3A_84 = tpu.memref_slice %arg10[%dma_start3A_81, %dma_start3A_82, %dma_start3A_83] : memref<2x80x128xf32, #tpu.memory_space<vmem>> -> memref<1x80x128xf32, #tpu.memory_space<vmem>>
    %dma_start3A_85 = tpu.memref_squeeze %dma_start3A_84 : memref<1x80x128xf32, #tpu.memory_space<vmem>> -> memref<80x128xf32, #tpu.memory_space<vmem>>
    %dma_start3A_86 = arith.constant 0 : i32
    %dma_start3A_87 = arith.constant 0 : i32
    %dma_start3A_88 = tpu.memref_slice %arg2[%dma_start3A_86, %dma_start3A_87] : memref<10000x128xf32, #tpu.memory_space<hbm>> -> memref<10000x128xf32, #tpu.memory_space<hbm>>
    tpu.enqueue_indirect_dma source(%dma_start3A_88 : memref<10000x128xf32, #tpu.memory_space<hbm>>) target(%dma_start3A_85 : memref<80x128xf32, #tpu.memory_space<vmem>>) offsets(%arg7 : memref<80xi32, #tpu.memory_space<vmem>>) semaphore(%arg15 : memref<!tpu.dma_semaphore, #tpu.memory_space<semaphore_mem>>)
    %dma_wait3A_89 = arith.constant 0 : i32
    %dma_wait3A_90 = arith.constant 0 : i32
    %dma_wait3A_91 = arith.constant 0 : i32
    %dma_wait3A_92 = tpu.memref_slice %arg10[%dma_wait3A_89, %dma_wait3A_90, %dma_wait3A_91] : memref<2x80x128xf32, #tpu.memory_space<vmem>> -> memref<1x80x128xf32, #tpu.memory_space<vmem>>
    %dma_wait3A_93 = tpu.memref_squeeze %dma_wait3A_92 : memref<1x80x128xf32, #tpu.memory_space<vmem>> -> memref<80x128xf32, #tpu.memory_space<vmem>>
    %dma_wait3A_94 = arith.constant 0 : i32
    %dma_wait3A_95 = arith.constant 0 : i32
    %dma_wait3A_96 = tpu.memref_slice %arg2[%dma_wait3A_94, %dma_wait3A_95] : memref<10000x128xf32, #tpu.memory_space<hbm>> -> memref<10000x128xf32, #tpu.memory_space<hbm>>
    tpu.wait_indirect_dma semaphore(%arg14 : memref<!tpu.dma_semaphore, #tpu.memory_space<semaphore_mem>>) src(%dma_wait3A_96 : memref<10000x128xf32, #tpu.memory_space<hbm>>) dst(%dma_wait3A_93 : memref<80x128xf32, #tpu.memory_space<vmem>>)
    %run_scoped3A_97 = arith.constant 0 : i32
    "tpu.region"() ({
      %run_scoped3A_141 = tpu.sem_alloc : memref<!tpu.dma_semaphore, #tpu.memory_space<semaphore_mem>>
      %dma_start3A_142 = arith.constant 0 : i32
      %dma_start3A_143 = arith.constant 0 : i32
      %dma_start3A_144 = tpu.memref_slice %arg10[%run_scoped3A_97, %dma_start3A_142, %dma_start3A_143] : memref<2x80x128xf32, #tpu.memory_space<vmem>> -> memref<1x80x128xf32, #tpu.memory_space<vmem>>
      %dma_start3A_145 = tpu.memref_squeeze %dma_start3A_144 : memref<1x80x128xf32, #tpu.memory_space<vmem>> -> memref<80x128xf32, #tpu.memory_space<vmem>>
      %dma_start3A_146 = arith.constant 0 : i32
      %dma_start3A_147 = arith.constant 0 : i32
      %dma_start3A_148 = tpu.memref_slice %arg11[%dma_start3A_146, %dma_start3A_147] : memref<10240x128xf32, #tpu.memory_space<vmem_shared>> -> memref<10240x128xf32, #tpu.memory_space<vmem_shared>>
      tpu.enqueue_indirect_dma source(%dma_start3A_145 : memref<80x128xf32, #tpu.memory_space<vmem>>) target(%dma_start3A_148 : memref<10240x128xf32, #tpu.memory_space<vmem_shared>>) offsets(%arg8 : memref<80xi32, #tpu.memory_space<vmem>>) semaphore(%run_scoped3A_141 : memref<!tpu.dma_semaphore, #tpu.memory_space<semaphore_mem>>) {add = true}
      %dma_wait3A_149 = arith.constant 0 : i32
      %dma_wait3A_150 = arith.constant 0 : i32
      %dma_wait3A_151 = tpu.memref_slice %arg10[%run_scoped3A_97, %dma_wait3A_149, %dma_wait3A_150] : memref<2x80x128xf32, #tpu.memory_space<vmem>> -> memref<1x80x128xf32, #tpu.memory_space<vmem>>
      %dma_wait3A_152 = tpu.memref_squeeze %dma_wait3A_151 : memref<1x80x128xf32, #tpu.memory_space<vmem>> -> memref<80x128xf32, #tpu.memory_space<vmem>>
      %dma_wait3A_153 = arith.constant 0 : i32
      %dma_wait3A_154 = arith.constant 0 : i32
      %dma_wait3A_155 = tpu.memref_slice %arg11[%dma_wait3A_153, %dma_wait3A_154] : memref<10240x128xf32, #tpu.memory_space<vmem_shared>> -> memref<10240x128xf32, #tpu.memory_space<vmem_shared>>
      tpu.wait_indirect_dma semaphore(%run_scoped3A_141 : memref<!tpu.dma_semaphore, #tpu.memory_space<semaphore_mem>>) src(%dma_wait3A_152 : memref<80x128xf32, #tpu.memory_space<vmem>>) dst(%dma_wait3A_155 : memref<10240x128xf32, #tpu.memory_space<vmem_shared>>)
      tpu.yield
    }) : () -> ()
    %add3A_98 = arith.constant 9920 : i32
    %add3A_99 = arith.addi %add3A_45, %add3A_98 : i32
    %dma_start3A_100 = tpu.memref_slice %arg3[%add3A_99] : memref<320000xi32, #tpu.memory_space<hbm>> -> memref<80xi32, #tpu.memory_space<hbm>>
    %dma_start3A_101 = tpu.memref_slice %arg3[%add3A_99] : memref<320000xi32, #tpu.memory_space<hbm>> -> memref<80xi32, #tpu.memory_space<hbm>>
    tpu.enqueue_dma source(%dma_start3A_101 : memref<80xi32, #tpu.memory_space<hbm>>) target(%arg6 : memref<80xi32, #tpu.memory_space<vmem>>) target_semaphore(%arg12 : memref<!tpu.dma_semaphore, #tpu.memory_space<semaphore_mem>>)
    %dma_start3A_102 = tpu.memref_slice %arg4[%add3A_99] : memref<320000xi32, #tpu.memory_space<hbm>> -> memref<80xi32, #tpu.memory_space<hbm>>
    %dma_start3A_103 = tpu.memref_slice %arg4[%add3A_99] : memref<320000xi32, #tpu.memory_space<hbm>> -> memref<80xi32, #tpu.memory_space<hbm>>
    tpu.enqueue_dma source(%dma_start3A_103 : memref<80xi32, #tpu.memory_space<hbm>>) target(%arg8 : memref<80xi32, #tpu.memory_space<vmem>>) target_semaphore(%arg12 : memref<!tpu.dma_semaphore, #tpu.memory_space<semaphore_mem>>)
    %add3A_104 = arith.constant 9920 : i32
    %add3A_105 = arith.addi %add3A_45, %add3A_104 : i32
    %dma_wait3A_106 = tpu.memref_slice %arg3[%add3A_105] : memref<320000xi32, #tpu.memory_space<hbm>> -> memref<80xi32, #tpu.memory_space<hbm>>
    %dma_wait3A_107 = tpu.memref_slice %arg3[%add3A_105] : memref<320000xi32, #tpu.memory_space<hbm>> -> memref<80xi32, #tpu.memory_space<hbm>>
    tpu.wait_dma2 semaphore(%arg12 : memref<!tpu.dma_semaphore, #tpu.memory_space<semaphore_mem>>) src(%dma_wait3A_107 : memref<80xi32, #tpu.memory_space<hbm>>) dst(%arg6 : memref<80xi32, #tpu.memory_space<vmem>>)
    %dma_wait3A_108 = tpu.memref_slice %arg4[%add3A_105] : memref<320000xi32, #tpu.memory_space<hbm>> -> memref<80xi32, #tpu.memory_space<hbm>>
    %dma_wait3A_109 = tpu.memref_slice %arg4[%add3A_105] : memref<320000xi32, #tpu.memory_space<hbm>> -> memref<80xi32, #tpu.memory_space<hbm>>
    tpu.wait_dma2 semaphore(%arg12 : memref<!tpu.dma_semaphore, #tpu.memory_space<semaphore_mem>>) src(%dma_wait3A_109 : memref<80xi32, #tpu.memory_space<hbm>>) dst(%arg8 : memref<80xi32, #tpu.memory_space<vmem>>)
    %dma_start3A_110 = arith.constant 0 : i32
    %dma_start3A_111 = arith.constant 0 : i32
    %dma_start3A_112 = arith.constant 0 : i32
    %dma_start3A_113 = tpu.memref_slice %arg10[%dma_start3A_110, %dma_start3A_111, %dma_start3A_112] : memref<2x80x128xf32, #tpu.memory_space<vmem>> -> memref<1x80x128xf32, #tpu.memory_space<vmem>>
    %dma_start3A_114 = tpu.memref_squeeze %dma_start3A_113 : memref<1x80x128xf32, #tpu.memory_space<vmem>> -> memref<80x128xf32, #tpu.memory_space<vmem>>
    %dma_start3A_115 = arith.constant 0 : i32
    %dma_start3A_116 = arith.constant 0 : i32
    %dma_start3A_117 = tpu.memref_slice %arg2[%dma_start3A_115, %dma_start3A_116] : memref<10000x128xf32, #tpu.memory_space<hbm>> -> memref<10000x128xf32, #tpu.memory_space<hbm>>
    tpu.enqueue_indirect_dma source(%dma_start3A_117 : memref<10000x128xf32, #tpu.memory_space<hbm>>) target(%dma_start3A_114 : memref<80x128xf32, #tpu.memory_space<vmem>>) offsets(%arg6 : memref<80xi32, #tpu.memory_space<vmem>>) semaphore(%arg14 : memref<!tpu.dma_semaphore, #tpu.memory_space<semaphore_mem>>)
    %dma_wait3A_118 = arith.constant 1 : i32
    %dma_wait3A_119 = arith.constant 0 : i32
    %dma_wait3A_120 = arith.constant 0 : i32
    %dma_wait3A_121 = tpu.memref_slice %arg10[%dma_wait3A_118, %dma_wait3A_119, %dma_wait3A_120] : memref<2x80x128xf32, #tpu.memory_space<vmem>> -> memref<1x80x128xf32, #tpu.memory_space<vmem>>
    %dma_wait3A_122 = tpu.memref_squeeze %dma_wait3A_121 : memref<1x80x128xf32, #tpu.memory_space<vmem>> -> memref<80x128xf32, #tpu.memory_space<vmem>>
    %dma_wait3A_123 = arith.constant 0 : i32
    %dma_wait3A_124 = arith.constant 0 : i32
    %dma_wait3A_125 = tpu.memref_slice %arg2[%dma_wait3A_123, %dma_wait3A_124] : memref<10000x128xf32, #tpu.memory_space<hbm>> -> memref<10000x128xf32, #tpu.memory_space<hbm>>
    tpu.wait_indirect_dma semaphore(%arg15 : memref<!tpu.dma_semaphore, #tpu.memory_space<semaphore_mem>>) src(%dma_wait3A_125 : memref<10000x128xf32, #tpu.memory_space<hbm>>) dst(%dma_wait3A_122 : memref<80x128xf32, #tpu.memory_space<vmem>>)
    %run_scoped3A_126 = arith.constant 1 : i32
    "tpu.region"() ({
      %run_scoped3A_141 = tpu.sem_alloc : memref<!tpu.dma_semaphore, #tpu.memory_space<semaphore_mem>>
      %dma_start3A_142 = arith.constant 0 : i32
      %dma_start3A_143 = arith.constant 0 : i32
      %dma_start3A_144 = tpu.memref_slice %arg10[%run_scoped3A_126, %dma_start3A_142, %dma_start3A_143] : memref<2x80x128xf32, #tpu.memory_space<vmem>> -> memref<1x80x128xf32, #tpu.memory_space<vmem>>
      %dma_start3A_145 = tpu.memref_squeeze %dma_start3A_144 : memref<1x80x128xf32, #tpu.memory_space<vmem>> -> memref<80x128xf32, #tpu.memory_space<vmem>>
      %dma_start3A_146 = arith.constant 0 : i32
      %dma_start3A_147 = arith.constant 0 : i32
      %dma_start3A_148 = tpu.memref_slice %arg11[%dma_start3A_146, %dma_start3A_147] : memref<10240x128xf32, #tpu.memory_space<vmem_shared>> -> memref<10240x128xf32, #tpu.memory_space<vmem_shared>>
      tpu.enqueue_indirect_dma source(%dma_start3A_145 : memref<80x128xf32, #tpu.memory_space<vmem>>) target(%dma_start3A_148 : memref<10240x128xf32, #tpu.memory_space<vmem_shared>>) offsets(%arg9 : memref<80xi32, #tpu.memory_space<vmem>>) semaphore(%run_scoped3A_141 : memref<!tpu.dma_semaphore, #tpu.memory_space<semaphore_mem>>) {add = true}
      %dma_wait3A_149 = arith.constant 0 : i32
      %dma_wait3A_150 = arith.constant 0 : i32
      %dma_wait3A_151 = tpu.memref_slice %arg10[%run_scoped3A_126, %dma_wait3A_149, %dma_wait3A_150] : memref<2x80x128xf32, #tpu.memory_space<vmem>> -> memref<1x80x128xf32, #tpu.memory_space<vmem>>
      %dma_wait3A_152 = tpu.memref_squeeze %dma_wait3A_151 : memref<1x80x128xf32, #tpu.memory_space<vmem>> -> memref<80x128xf32, #tpu.memory_space<vmem>>
      %dma_wait3A_153 = arith.constant 0 : i32
      %dma_wait3A_154 = arith.constant 0 : i32
      %dma_wait3A_155 = tpu.memref_slice %arg11[%dma_wait3A_153, %dma_wait3A_154] : memref<10240x128xf32, #tpu.memory_space<vmem_shared>> -> memref<10240x128xf32, #tpu.memory_space<vmem_shared>>
      tpu.wait_indirect_dma semaphore(%run_scoped3A_141 : memref<!tpu.dma_semaphore, #tpu.memory_space<semaphore_mem>>) src(%dma_wait3A_152 : memref<80x128xf32, #tpu.memory_space<vmem>>) dst(%dma_wait3A_155 : memref<10240x128xf32, #tpu.memory_space<vmem_shared>>)
      tpu.yield
    }) : () -> ()
    %dma_wait3A_127 = arith.constant 0 : i32
    %dma_wait3A_128 = arith.constant 0 : i32
    %dma_wait3A_129 = arith.constant 0 : i32
    %dma_wait3A_130 = tpu.memref_slice %arg10[%dma_wait3A_127, %dma_wait3A_128, %dma_wait3A_129] : memref<2x80x128xf32, #tpu.memory_space<vmem>> -> memref<1x80x128xf32, #tpu.memory_space<vmem>>
    %dma_wait3A_131 = tpu.memref_squeeze %dma_wait3A_130 : memref<1x80x128xf32, #tpu.memory_space<vmem>> -> memref<80x128xf32, #tpu.memory_space<vmem>>
    %dma_wait3A_132 = arith.constant 0 : i32
    %dma_wait3A_133 = arith.constant 0 : i32
    %dma_wait3A_134 = tpu.memref_slice %arg2[%dma_wait3A_132, %dma_wait3A_133] : memref<10000x128xf32, #tpu.memory_space<hbm>> -> memref<10000x128xf32, #tpu.memory_space<hbm>>
    tpu.wait_indirect_dma semaphore(%arg14 : memref<!tpu.dma_semaphore, #tpu.memory_space<semaphore_mem>>) src(%dma_wait3A_134 : memref<10000x128xf32, #tpu.memory_space<hbm>>) dst(%dma_wait3A_131 : memref<80x128xf32, #tpu.memory_space<vmem>>)
    %run_scoped3A_135 = arith.constant 0 : i32
    "tpu.region"() ({
      %run_scoped3A_141 = tpu.sem_alloc : memref<!tpu.dma_semaphore, #tpu.memory_space<semaphore_mem>>
      %dma_start3A_142 = arith.constant 0 : i32
      %dma_start3A_143 = arith.constant 0 : i32
      %dma_start3A_144 = tpu.memref_slice %arg10[%run_scoped3A_135, %dma_start3A_142, %dma_start3A_143] : memref<2x80x128xf32, #tpu.memory_space<vmem>> -> memref<1x80x128xf32, #tpu.memory_space<vmem>>
      %dma_start3A_145 = tpu.memref_squeeze %dma_start3A_144 : memref<1x80x128xf32, #tpu.memory_space<vmem>> -> memref<80x128xf32, #tpu.memory_space<vmem>>
      %dma_start3A_146 = arith.constant 0 : i32
      %dma_start3A_147 = arith.constant 0 : i32
      %dma_start3A_148 = tpu.memref_slice %arg11[%dma_start3A_146, %dma_start3A_147] : memref<10240x128xf32, #tpu.memory_space<vmem_shared>> -> memref<10240x128xf32, #tpu.memory_space<vmem_shared>>
      tpu.enqueue_indirect_dma source(%dma_start3A_145 : memref<80x128xf32, #tpu.memory_space<vmem>>) target(%dma_start3A_148 : memref<10240x128xf32, #tpu.memory_space<vmem_shared>>) offsets(%arg8 : memref<80xi32, #tpu.memory_space<vmem>>) semaphore(%run_scoped3A_141 : memref<!tpu.dma_semaphore, #tpu.memory_space<semaphore_mem>>) {add = true}
      %dma_wait3A_149 = arith.constant 0 : i32
      %dma_wait3A_150 = arith.constant 0 : i32
      %dma_wait3A_151 = tpu.memref_slice %arg10[%run_scoped3A_135, %dma_wait3A_149, %dma_wait3A_150] : memref<2x80x128xf32, #tpu.memory_space<vmem>> -> memref<1x80x128xf32, #tpu.memory_space<vmem>>
      %dma_wait3A_152 = tpu.memref_squeeze %dma_wait3A_151 : memref<1x80x128xf32, #tpu.memory_space<vmem>> -> memref<80x128xf32, #tpu.memory_space<vmem>>
      %dma_wait3A_153 = arith.constant 0 : i32
      %dma_wait3A_154 = arith.constant 0 : i32
      %dma_wait3A_155 = tpu.memref_slice %arg11[%dma_wait3A_153, %dma_wait3A_154] : memref<10240x128xf32, #tpu.memory_space<vmem_shared>> -> memref<10240x128xf32, #tpu.memory_space<vmem_shared>>
      tpu.wait_indirect_dma semaphore(%run_scoped3A_141 : memref<!tpu.dma_semaphore, #tpu.memory_space<semaphore_mem>>) src(%dma_wait3A_152 : memref<80x128xf32, #tpu.memory_space<vmem>>) dst(%dma_wait3A_155 : memref<10240x128xf32, #tpu.memory_space<vmem_shared>>)
      tpu.yield
    }) : () -> ()
    %barrier3A_136 = arith.constant 0 : index
    tpu.barrier barrier_id(%barrier3A_136)
    %mul3A_137 = arith.constant 640 : i32
    %mul3A_138 = arith.muli %arg1, %mul3A_137 : i32
    %mul3A_139 = arith.constant 640 : i32
    %mul3A_140 = arith.muli %arg1, %mul3A_139 : i32
    "tpu.region"() ({
      %run_scoped3A_141 = tpu.sem_alloc : memref<!tpu.dma_semaphore, #tpu.memory_space<semaphore_mem>>
      %dma_start3A_142 = arith.constant 0 : i32
      %dma_start3A_143 = tpu.memref_slice %arg5[%arg0, %mul3A_140, %dma_start3A_142] : memref<2x10240x128xf32, #tpu.memory_space<hbm>> -> memref<1x640x128xf32, #tpu.memory_space<hbm>>
      %dma_start3A_144 = tpu.memref_squeeze %dma_start3A_143 : memref<1x640x128xf32, #tpu.memory_space<hbm>> -> memref<640x128xf32, #tpu.memory_space<hbm>>
      %dma_start3A_145 = arith.constant 0 : i32
      %dma_start3A_146 = tpu.memref_slice %arg11[%mul3A_138, %dma_start3A_145] : memref<10240x128xf32, #tpu.memory_space<vmem_shared>> -> memref<640x128xf32, #tpu.memory_space<vmem_shared>>
      tpu.enqueue_dma source(%dma_start3A_146 : memref<640x128xf32, #tpu.memory_space<vmem_shared>>) target(%dma_start3A_144 : memref<640x128xf32, #tpu.memory_space<hbm>>) target_semaphore(%run_scoped3A_141 : memref<!tpu.dma_semaphore, #tpu.memory_space<semaphore_mem>>)
      %dma_wait3A_147 = arith.constant 0 : i32
      %dma_wait3A_148 = tpu.memref_slice %arg5[%arg0, %mul3A_140, %dma_wait3A_147] : memref<2x10240x128xf32, #tpu.memory_space<hbm>> -> memref<1x640x128xf32, #tpu.memory_space<hbm>>
      %dma_wait3A_149 = tpu.memref_squeeze %dma_wait3A_148 : memref<1x640x128xf32, #tpu.memory_space<hbm>> -> memref<640x128xf32, #tpu.memory_space<hbm>>
      %dma_wait3A_150 = arith.constant 0 : i32
      %dma_wait3A_151 = tpu.memref_slice %arg11[%mul3A_138, %dma_wait3A_150] : memref<10240x128xf32, #tpu.memory_space<vmem_shared>> -> memref<640x128xf32, #tpu.memory_space<vmem_shared>>
      tpu.wait_dma2 semaphore(%run_scoped3A_141 : memref<!tpu.dma_semaphore, #tpu.memory_space<semaphore_mem>>) src(%dma_wait3A_151 : memref<640x128xf32, #tpu.memory_space<vmem_shared>>) dst(%dma_wait3A_149 : memref<640x128xf32, #tpu.memory_space<hbm>>)
      tpu.yield
    }) : () -> ()
    return
  }
}

#map = affine_map<(d0, d1) -> (0)>
#map1 = affine_map<(d0, d1) -> (0, 0)>
module attributes {stable_mosaic.version = 14 : i64} {
  func.func @_sc_degree(%arg0: i32, %arg1: i32, %arg2: memref<320000xi32, #tpu.memory_space<hbm>>, %arg3: memref<2x10240xf32, #tpu.memory_space<hbm>>, %arg4: memref<2000xi32, #tpu.memory_space<vmem>>, %arg5: memref<2000xf32, #tpu.memory_space<vmem>>, %arg6: memref<640xf32, #tpu.memory_space<vmem>>, %arg7: memref<10240xf32, #tpu.memory_space<vmem_shared>>) attributes {dimension_semantics = [#tpu.dimension_semantics<core_parallel>, #tpu.dimension_semantics<subcore_parallel>], iteration_bounds = array<i64: 2, 16>, scalar_prefetch = 0 : i64, scratch_operands = 4 : i64, tpu.core_type = #tpu.core_type<sc_vector_subcore>, window_params = [{transform_indices = #map}, {transform_indices = #map1}]} {
    %scan3A = arith.constant 0 : i32
    %scan3A_0 = arith.constant 40 : i32
    %scan3A_1 = arith.addi %scan3A, %scan3A_0 : i32
    %scan3A_2 = arith.constant 1 : i32
    scf.for %scan3A_24 = %scan3A to %scan3A_1 step %scan3A_2  : i32 {
      %broadcast_in_dim3A = arith.constant 0.000000e+00 : f32
      %broadcast_in_dim3A_25 = vector.broadcast %broadcast_in_dim3A : f32 to vector<16xf32>
      %mul3A_26 = arith.constant 16 : i32
      %mul3A_27 = arith.muli %scan3A_24, %mul3A_26 : i32
      %swap3A = arith.index_cast %mul3A_27 : i32 to index
      %swap3A_28 = tpu.vector_load %arg6[%swap3A] {strides = array<i32>} : memref<640xf32, #tpu.memory_space<vmem>>, vector<16xf32>,
      %swap3A_29 = vector.shape_cast %swap3A_28 : vector<16xf32> to vector<16xf32>
      %swap3A_30 = vector.shape_cast %broadcast_in_dim3A_25 : vector<16xf32> to vector<16xf32>
      tpu.vector_store %arg6[%swap3A], %swap3A_30 {strides = array<i32>} : memref<640xf32, #tpu.memory_space<vmem>>, vector<16xf32>,
    }
    %scan3A_3 = arith.constant 40 : i32
    %scan3A_4 = arith.constant 0 : i32
    %scan3A_5 = arith.constant 125 : i32
    %scan3A_6 = arith.addi %scan3A_4, %scan3A_5 : i32
    %scan3A_7 = arith.constant 1 : i32
    scf.for %scan3A_24 = %scan3A_4 to %scan3A_6 step %scan3A_7  : i32 {
      %broadcast_in_dim3A = arith.constant 1.000000e+00 : f32
      %broadcast_in_dim3A_25 = vector.broadcast %broadcast_in_dim3A : f32 to vector<16xf32>
      %mul3A_26 = arith.constant 16 : i32
      %mul3A_27 = arith.muli %scan3A_24, %mul3A_26 : i32
      %swap3A = arith.index_cast %mul3A_27 : i32 to index
      %swap3A_28 = tpu.vector_load %arg5[%swap3A] {strides = array<i32>} : memref<2000xf32, #tpu.memory_space<vmem>>, vector<16xf32>,
      %swap3A_29 = vector.shape_cast %swap3A_28 : vector<16xf32> to vector<16xf32>
      %swap3A_30 = vector.shape_cast %broadcast_in_dim3A_25 : vector<16xf32> to vector<16xf32>
      tpu.vector_store %arg5[%swap3A], %swap3A_30 {strides = array<i32>} : memref<2000xf32, #tpu.memory_space<vmem>>, vector<16xf32>,
    }
    %scan3A_8 = arith.constant 125 : i32
    %mul3A = arith.constant 640 : i32
    %mul3A_9 = arith.muli %arg1, %mul3A : i32
    "tpu.region"() ({
      %run_scoped3A = tpu.sem_alloc : memref<!tpu.dma_semaphore, #tpu.memory_space<semaphore_mem>>
      %dma_start3A = tpu.memref_slice %arg7[%mul3A_9] : memref<10240xf32, #tpu.memory_space<vmem_shared>> -> memref<640xf32, #tpu.memory_space<vmem_shared>>
      %dma_start3A_24 = tpu.memref_slice %arg7[%mul3A_9] : memref<10240xf32, #tpu.memory_space<vmem_shared>> -> memref<640xf32, #tpu.memory_space<vmem_shared>>
      tpu.enqueue_dma source(%arg6 : memref<640xf32, #tpu.memory_space<vmem>>) target(%dma_start3A_24 : memref<640xf32, #tpu.memory_space<vmem_shared>>) target_semaphore(%run_scoped3A : memref<!tpu.dma_semaphore, #tpu.memory_space<semaphore_mem>>)
      %dma_wait3A = tpu.memref_slice %arg7[%mul3A_9] : memref<10240xf32, #tpu.memory_space<vmem_shared>> -> memref<640xf32, #tpu.memory_space<vmem_shared>>
      %dma_wait3A_25 = tpu.memref_slice %arg7[%mul3A_9] : memref<10240xf32, #tpu.memory_space<vmem_shared>> -> memref<640xf32, #tpu.memory_space<vmem_shared>>
      tpu.wait_dma2 semaphore(%run_scoped3A : memref<!tpu.dma_semaphore, #tpu.memory_space<semaphore_mem>>) src(%arg6 : memref<640xf32, #tpu.memory_space<vmem>>) dst(%dma_wait3A_25 : memref<640xf32, #tpu.memory_space<vmem_shared>>)
      tpu.yield
    }) : () -> ()
    %barrier3A = arith.constant 0 : index
    tpu.barrier barrier_id(%barrier3A)
    %mul3A_10 = arith.constant 160000 : i32
    %mul3A_11 = arith.muli %arg0, %mul3A_10 : i32
    %mul3A_12 = arith.constant 10000 : i32
    %mul3A_13 = arith.muli %arg1, %mul3A_12 : i32
    %add3A = arith.addi %mul3A_11, %mul3A_13 : i32
    %scan3A_14 = arith.constant 0 : i32
    %scan3A_15 = arith.constant 5 : i32
    %scan3A_16 = arith.addi %scan3A_14, %scan3A_15 : i32
    %scan3A_17 = arith.constant 1 : i32
    scf.for %scan3A_24 = %scan3A_14 to %scan3A_16 step %scan3A_17  : i32 {
      %mul3A_25 = arith.constant 2000 : i32
      %mul3A_26 = arith.muli %scan3A_24, %mul3A_25 : i32
      %add3A_27 = arith.addi %add3A, %mul3A_26 : i32
      "tpu.region"() ({
        %run_scoped3A = tpu.sem_alloc : memref<!tpu.dma_semaphore, #tpu.memory_space<semaphore_mem>>
        %dma_start3A = tpu.memref_slice %arg2[%add3A_27] : memref<320000xi32, #tpu.memory_space<hbm>> -> memref<2000xi32, #tpu.memory_space<hbm>>
        %dma_start3A_28 = tpu.memref_slice %arg2[%add3A_27] : memref<320000xi32, #tpu.memory_space<hbm>> -> memref<2000xi32, #tpu.memory_space<hbm>>
        tpu.enqueue_dma source(%dma_start3A_28 : memref<2000xi32, #tpu.memory_space<hbm>>) target(%arg4 : memref<2000xi32, #tpu.memory_space<vmem>>) target_semaphore(%run_scoped3A : memref<!tpu.dma_semaphore, #tpu.memory_space<semaphore_mem>>)
        %dma_wait3A = tpu.memref_slice %arg2[%add3A_27] : memref<320000xi32, #tpu.memory_space<hbm>> -> memref<2000xi32, #tpu.memory_space<hbm>>
        %dma_wait3A_29 = tpu.memref_slice %arg2[%add3A_27] : memref<320000xi32, #tpu.memory_space<hbm>> -> memref<2000xi32, #tpu.memory_space<hbm>>
        tpu.wait_dma2 semaphore(%run_scoped3A : memref<!tpu.dma_semaphore, #tpu.memory_space<semaphore_mem>>) src(%dma_wait3A_29 : memref<2000xi32, #tpu.memory_space<hbm>>) dst(%arg4 : memref<2000xi32, #tpu.memory_space<vmem>>)
        tpu.yield
      }) : () -> ()
      "tpu.region"() ({
        %run_scoped3A = tpu.sem_alloc : memref<!tpu.dma_semaphore, #tpu.memory_space<semaphore_mem>>
        %dma_start3A = arith.constant 0 : i32
        %dma_start3A_28 = tpu.memref_slice %arg7[%dma_start3A] : memref<10240xf32, #tpu.memory_space<vmem_shared>> -> memref<10240xf32, #tpu.memory_space<vmem_shared>>
        tpu.enqueue_indirect_dma source(%arg5 : memref<2000xf32, #tpu.memory_space<vmem>>) target(%dma_start3A_28 : memref<10240xf32, #tpu.memory_space<vmem_shared>>) offsets(%arg4 : memref<2000xi32, #tpu.memory_space<vmem>>) semaphore(%run_scoped3A : memref<!tpu.dma_semaphore, #tpu.memory_space<semaphore_mem>>) {add = true}
        %dma_wait3A = arith.constant 0 : i32
        %dma_wait3A_29 = tpu.memref_slice %arg7[%dma_wait3A] : memref<10240xf32, #tpu.memory_space<vmem_shared>> -> memref<10240xf32, #tpu.memory_space<vmem_shared>>
        tpu.wait_indirect_dma semaphore(%run_scoped3A : memref<!tpu.dma_semaphore, #tpu.memory_space<semaphore_mem>>) src(%arg5 : memref<2000xf32, #tpu.memory_space<vmem>>) dst(%dma_wait3A_29 : memref<10240xf32, #tpu.memory_space<vmem_shared>>)
        tpu.yield
      }) : () -> ()
    }
    %scan3A_18 = arith.constant 5 : i32
    %barrier3A_19 = arith.constant 0 : index
    tpu.barrier barrier_id(%barrier3A_19)
    %mul3A_20 = arith.constant 640 : i32
    %mul3A_21 = arith.muli %arg1, %mul3A_20 : i32
    %mul3A_22 = arith.constant 640 : i32
    %mul3A_23 = arith.muli %arg1, %mul3A_22 : i32
    "tpu.region"() ({
      %run_scoped3A = tpu.sem_alloc : memref<!tpu.dma_semaphore, #tpu.memory_space<semaphore_mem>>
      %dma_start3A = tpu.memref_slice %arg3[%arg0, %mul3A_23] : memref<2x10240xf32, #tpu.memory_space<hbm>> -> memref<1x640xf32, #tpu.memory_space<hbm>>
      %dma_start3A_24 = tpu.memref_squeeze %dma_start3A : memref<1x640xf32, #tpu.memory_space<hbm>> -> memref<640xf32, #tpu.memory_space<hbm>>
      %dma_start3A_25 = tpu.memref_slice %arg7[%mul3A_21] : memref<10240xf32, #tpu.memory_space<vmem_shared>> -> memref<640xf32, #tpu.memory_space<vmem_shared>>
      tpu.enqueue_dma source(%dma_start3A_25 : memref<640xf32, #tpu.memory_space<vmem_shared>>) target(%dma_start3A_24 : memref<640xf32, #tpu.memory_space<hbm>>) target_semaphore(%run_scoped3A : memref<!tpu.dma_semaphore, #tpu.memory_space<semaphore_mem>>)
      %dma_wait3A = tpu.memref_slice %arg3[%arg0, %mul3A_23] : memref<2x10240xf32, #tpu.memory_space<hbm>> -> memref<1x640xf32, #tpu.memory_space<hbm>>
      %dma_wait3A_26 = tpu.memref_squeeze %dma_wait3A : memref<1x640xf32, #tpu.memory_space<hbm>> -> memref<640xf32, #tpu.memory_space<hbm>>
      %dma_wait3A_27 = tpu.memref_slice %arg7[%mul3A_21] : memref<10240xf32, #tpu.memory_space<vmem_shared>> -> memref<640xf32, #tpu.memory_space<vmem_shared>>
      tpu.wait_dma2 semaphore(%run_scoped3A : memref<!tpu.dma_semaphore, #tpu.memory_space<semaphore_mem>>) src(%dma_wait3A_27 : memref<640xf32, #tpu.memory_space<vmem_shared>>) dst(%dma_wait3A_26 : memref<640xf32, #tpu.memory_space<hbm>>)
      tpu.yield
    }) : () -> ()
    return
  }
}

module attributes {stable_mosaic.version = 14 : i64} {
  func.func @_dense_body(%arg0: i32, %arg1: memref<1x1000x128xf32, #tpu.memory_space<vmem>>, %arg2: memref<1x1000x128xf32, #tpu.memory_space<vmem>>, %arg3: memref<1000x128xf32, #tpu.memory_space<vmem>>, %arg4: memref<1000x1xf32, #tpu.memory_space<vmem>>, %arg5: memref<128x128xf32, #tpu.memory_space<vmem>>, %arg6: memref<1x128xf32, #tpu.memory_space<vmem>>, %arg7: memref<128x128xf32, #tpu.memory_space<vmem>>, %arg8: memref<1x128xf32, #tpu.memory_space<vmem>>, %arg9: memref<128x128xf32, #tpu.memory_space<vmem>>, %arg10: memref<1x128xf32, #tpu.memory_space<vmem>>, %arg11: memref<128x128xf32, #tpu.memory_space<vmem>>, %arg12: memref<1x128xf32, #tpu.memory_space<vmem>>, %arg13: memref<128x128xf32, #tpu.memory_space<vmem>>, %arg14: memref<128x128xf32, #tpu.memory_space<vmem>>, %arg15: memref<1000x128xf32, #tpu.memory_space<vmem>>, %arg16: memref<1000x128xf32, #tpu.memory_space<vmem>>) attributes {dimension_semantics = [#tpu.dimension_semantics<arbitrary>], iteration_bounds = array<i64: 10>, scalar_prefetch = 0 : i64, scratch_operands = 0 : i64, tpu.core_type = #tpu.core_type<tc>, window_params = [{transform_indices = @transform_0, window_bounds = array<i64: 1, 1000, 128>}, {transform_indices = @transform_1, window_bounds = array<i64: 1, 1000, 128>}, {transform_indices = @transform_2, window_bounds = array<i64: 1000, 128>}, {transform_indices = @transform_3, window_bounds = array<i64: 1000, 1>}, {pipeline_mode = #tpu.pipeline_mode<synchronous>, transform_indices = @transform_4, window_bounds = array<i64: 128, 128>}, {pipeline_mode = #tpu.pipeline_mode<synchronous>, transform_indices = @transform_5, window_bounds = array<i64: 1, 128>}, {pipeline_mode = #tpu.pipeline_mode<synchronous>, transform_indices = @transform_6, window_bounds = array<i64: 128, 128>}, {pipeline_mode = #tpu.pipeline_mode<synchronous>, transform_indices = @transform_7, window_bounds = array<i64: 1, 128>}, {pipeline_mode = #tpu.pipeline_mode<synchronous>, transform_indices = @transform_8, window_bounds = array<i64: 128, 128>}, {pipeline_mode = #tpu.pipeline_mode<synchronous>, transform_indices = @transform_9, window_bounds = array<i64: 1, 128>}, {pipeline_mode = #tpu.pipeline_mode<synchronous>, transform_indices = @transform_10, window_bounds = array<i64: 128, 128>}, {pipeline_mode = #tpu.pipeline_mode<synchronous>, transform_indices = @transform_11, window_bounds = array<i64: 1, 128>}, {pipeline_mode = #tpu.pipeline_mode<synchronous>, transform_indices = @transform_12, window_bounds = array<i64: 128, 128>}, {pipeline_mode = #tpu.pipeline_mode<synchronous>, transform_indices = @transform_13, window_bounds = array<i64: 128, 128>}, {transform_indices = @transform_14, window_bounds = array<i64: 1000, 128>}, {transform_indices = @transform_15, window_bounds = array<i64: 1000, 128>}]} {
    %get3A = arith.constant 0 : index
    %get3A_0 = arith.constant 0 : index
    %get3A_1 = vector.load %arg4[%get3A, %get3A_0] : memref<1000x1xf32, #tpu.memory_space<vmem>>, vector<1000x1xf32>
    %get3A_2 = arith.constant 0 : index
    %get3A_3 = arith.constant 0 : index
    %get3A_4 = arith.constant 0 : index
    %get3A_5 = vector.load %arg1[%get3A_2, %get3A_3, %get3A_4] : memref<1x1000x128xf32, #tpu.memory_space<vmem>>, vector<1x1000x128xf32>
    %get3A_6 = vector.shape_cast %get3A_5 : vector<1x1000x128xf32> to vector<1000x128xf32>
    %get3A_7 = arith.constant 0 : index
    %get3A_8 = arith.constant 0 : index
    %get3A_9 = arith.constant 0 : index
    %get3A_10 = vector.load %arg2[%get3A_7, %get3A_8, %get3A_9] : memref<1x1000x128xf32, #tpu.memory_space<vmem>>, vector<1x1000x128xf32>
    %get3A_11 = vector.shape_cast %get3A_10 : vector<1x1000x128xf32> to vector<1000x128xf32>
    %add3A = arith.addf %get3A_6, %get3A_11 : vector<1000x128xf32>
    %mul3A = vector.broadcast %get3A_1 : vector<1000x1xf32> to vector<1000x128xf32>
    %mul3A_12 = arith.mulf %mul3A, %add3A : vector<1000x128xf32>
    %mul3A_13 = arith.mulf %get3A_1, %get3A_1 : vector<1000x1xf32>
    %get3A_14 = arith.constant 0 : index
    %get3A_15 = arith.constant 0 : index
    %get3A_16 = vector.load %arg3[%get3A_14, %get3A_15] : memref<1000x128xf32, #tpu.memory_space<vmem>>, vector<1000x128xf32>
    %mul3A_17 = vector.broadcast %mul3A_13 : vector<1000x1xf32> to vector<1000x128xf32>
    %mul3A_18 = arith.mulf %mul3A_17, %get3A_16 : vector<1000x128xf32>
    %add3A_19 = arith.addf %mul3A_12, %mul3A_18 : vector<1000x128xf32>
    %get3A_20 = arith.constant 0 : index
    %get3A_21 = arith.constant 0 : index
    %get3A_22 = vector.load %arg5[%get3A_20, %get3A_21] : memref<128x128xf32, #tpu.memory_space<vmem>>, vector<128x128xf32>
    %dot_general3A = arith.constant dense<0.000000e+00> : vector<1000x128xf32>
    %dot_general3A_23 = tpu.matmul %add3A_19, %get3A_22, %dot_general3A {dimension_numbers = #tpu.dot_dimension_numbers<[1], [0], [0], [1], [0, 0, 1, 1], [], []>, transpose_lhs_hint = false} : vector<1000x128xf32>, vector<128x128xf32>, vector<1000x128xf32> -> vector<1000x128xf32>
    %get3A_24 = arith.constant 0 : index
    %get3A_25 = arith.constant 0 : index
    %get3A_26 = vector.load %arg6[%get3A_24, %get3A_25] : memref<1x128xf32, #tpu.memory_space<vmem>>, vector<1x128xf32>
    %add3A_27 = vector.broadcast %get3A_26 : vector<1x128xf32> to vector<1000x128xf32>
    %add3A_28 = arith.addf %dot_general3A_23, %add3A_27 : vector<1000x128xf32>
    %get3A_29 = arith.constant 0 : index
    %get3A_30 = arith.constant 0 : index
    %get3A_31 = vector.load %arg7[%get3A_29, %get3A_30] : memref<128x128xf32, #tpu.memory_space<vmem>>, vector<128x128xf32>
    %dot_general3A_32 = arith.constant dense<0.000000e+00> : vector<1000x128xf32>
    %dot_general3A_33 = tpu.matmul %add3A_28, %get3A_31, %dot_general3A_32 {dimension_numbers = #tpu.dot_dimension_numbers<[1], [0], [0], [1], [0, 0, 1, 1], [], []>, transpose_lhs_hint = false} : vector<1000x128xf32>, vector<128x128xf32>, vector<1000x128xf32> -> vector<1000x128xf32>
    %get3A_34 = arith.constant 0 : index
    %get3A_35 = arith.constant 0 : index
    %get3A_36 = vector.load %arg8[%get3A_34, %get3A_35] : memref<1x128xf32, #tpu.memory_space<vmem>>, vector<1x128xf32>
    %add3A_37 = vector.broadcast %get3A_36 : vector<1x128xf32> to vector<1000x128xf32>
    %add3A_38 = arith.addf %dot_general3A_33, %add3A_37 : vector<1000x128xf32>
    %logistic3A = arith.negf %add3A_38 : vector<1000x128xf32>
    %logistic3A_39 = math.exp %logistic3A : vector<1000x128xf32>
    %logistic3A_40 = arith.constant 1.000000e+00 : f32
    %logistic3A_41 = vector.broadcast %logistic3A_40 : f32 to vector<1000x128xf32>
    %logistic3A_42 = arith.addf %logistic3A_41, %logistic3A_39 : vector<1000x128xf32>
    %logistic3A_43 = arith.divf %logistic3A_41, %logistic3A_42 : vector<1000x128xf32>
    %get3A_44 = arith.constant 0 : index
    %get3A_45 = arith.constant 0 : index
    %get3A_46 = vector.load %arg9[%get3A_44, %get3A_45] : memref<128x128xf32, #tpu.memory_space<vmem>>, vector<128x128xf32>
    %dot_general3A_47 = arith.constant dense<0.000000e+00> : vector<1000x128xf32>
    %dot_general3A_48 = tpu.matmul %add3A_19, %get3A_46, %dot_general3A_47 {dimension_numbers = #tpu.dot_dimension_numbers<[1], [0], [0], [1], [0, 0, 1, 1], [], []>, transpose_lhs_hint = false} : vector<1000x128xf32>, vector<128x128xf32>, vector<1000x128xf32> -> vector<1000x128xf32>
    %get3A_49 = arith.constant 0 : index
    %get3A_50 = arith.constant 0 : index
    %get3A_51 = vector.load %arg10[%get3A_49, %get3A_50] : memref<1x128xf32, #tpu.memory_space<vmem>>, vector<1x128xf32>
    %add3A_52 = vector.broadcast %get3A_51 : vector<1x128xf32> to vector<1000x128xf32>
    %add3A_53 = arith.addf %dot_general3A_48, %add3A_52 : vector<1000x128xf32>
    %get3A_54 = arith.constant 0 : index
    %get3A_55 = arith.constant 0 : index
    %get3A_56 = vector.load %arg11[%get3A_54, %get3A_55] : memref<128x128xf32, #tpu.memory_space<vmem>>, vector<128x128xf32>
    %dot_general3A_57 = arith.constant dense<0.000000e+00> : vector<1000x128xf32>
    %dot_general3A_58 = tpu.matmul %add3A_53, %get3A_56, %dot_general3A_57 {dimension_numbers = #tpu.dot_dimension_numbers<[1], [0], [0], [1], [0, 0, 1, 1], [], []>, transpose_lhs_hint = false} : vector<1000x128xf32>, vector<128x128xf32>, vector<1000x128xf32> -> vector<1000x128xf32>
    %get3A_59 = arith.constant 0 : index
    %get3A_60 = arith.constant 0 : index
    %get3A_61 = vector.load %arg12[%get3A_59, %get3A_60] : memref<1x128xf32, #tpu.memory_space<vmem>>, vector<1x128xf32>
    %add3A_62 = vector.broadcast %get3A_61 : vector<1x128xf32> to vector<1000x128xf32>
    %add3A_63 = arith.addf %dot_general3A_58, %add3A_62 : vector<1000x128xf32>
    %tanh3A = math.tanh %add3A_63 : vector<1000x128xf32>
    %sub3A = arith.constant 1.000000e+00 : f32
    %sub3A_64 = vector.broadcast %sub3A : f32 to vector<1000x128xf32>
    %sub3A_65 = arith.subf %sub3A_64, %logistic3A_43 : vector<1000x128xf32>
    %mul3A_66 = arith.mulf %sub3A_65, %tanh3A : vector<1000x128xf32>
    %get3A_67 = arith.constant 0 : index
    %get3A_68 = arith.constant 0 : index
    %get3A_69 = vector.load %arg13[%get3A_67, %get3A_68] : memref<128x128xf32, #tpu.memory_space<vmem>>, vector<128x128xf32>
    %dot_general3A_70 = arith.constant dense<0.000000e+00> : vector<1000x128xf32>
    %dot_general3A_71 = tpu.matmul %mul3A_66, %get3A_69, %dot_general3A_70 {dimension_numbers = #tpu.dot_dimension_numbers<[1], [0], [0], [1], [0, 0, 1, 1], [], []>, transpose_lhs_hint = false} : vector<1000x128xf32>, vector<128x128xf32>, vector<1000x128xf32> -> vector<1000x128xf32>
    %swap3A = arith.constant 0 : index
    %swap3A_72 = arith.constant 0 : index
    %swap3A_73 = vector.load %arg15[%swap3A, %swap3A_72] : memref<1000x128xf32, #tpu.memory_space<vmem>>, vector<1000x128xf32>
    tpu.vector_store %arg15[%swap3A, %swap3A_72], %dot_general3A_71 {strides = array<i32>} : memref<1000x128xf32, #tpu.memory_space<vmem>>, vector<1000x128xf32>,
    %get3A_74 = arith.constant 0 : index
    %get3A_75 = arith.constant 0 : index
    %get3A_76 = vector.load %arg14[%get3A_74, %get3A_75] : memref<128x128xf32, #tpu.memory_space<vmem>>, vector<128x128xf32>
    %dot_general3A_77 = arith.constant dense<0.000000e+00> : vector<1000x128xf32>
    %dot_general3A_78 = tpu.matmul %mul3A_66, %get3A_76, %dot_general3A_77 {dimension_numbers = #tpu.dot_dimension_numbers<[1], [0], [0], [1], [0, 0, 1, 1], [], []>, transpose_lhs_hint = false} : vector<1000x128xf32>, vector<128x128xf32>, vector<1000x128xf32> -> vector<1000x128xf32>
    %swap3A_79 = arith.constant 0 : index
    %swap3A_80 = arith.constant 0 : index
    %swap3A_81 = vector.load %arg16[%swap3A_79, %swap3A_80] : memref<1000x128xf32, #tpu.memory_space<vmem>>, vector<1000x128xf32>
    tpu.vector_store %arg16[%swap3A_79, %swap3A_80], %dot_general3A_78 {strides = array<i32>} : memref<1000x128xf32, #tpu.memory_space<vmem>>, vector<1000x128xf32>,
    return
  }
  func.func @transform_0(%arg0: i32) -> (i32, i32, i32) {
    %c0_i32 = arith.constant 0 : i32
    %c0_i32_0 = arith.constant 0 : i32
    %c0_i32_1 = arith.constant 0 : i32
    return %c0_i32, %arg0, %c0_i32_0 : i32, i32, i32
  }
  func.func @transform_1(%arg0: i32) -> (i32, i32, i32) {
    %c1_i32 = arith.constant 1 : i32
    %c0_i32 = arith.constant 0 : i32
    %c0_i32_0 = arith.constant 0 : i32
    return %c1_i32, %arg0, %c0_i32 : i32, i32, i32
  }
  func.func @transform_2(%arg0: i32) -> (i32, i32) {
    %c0_i32 = arith.constant 0 : i32
    %c0_i32_0 = arith.constant 0 : i32
    return %arg0, %c0_i32 : i32, i32
  }
  func.func @transform_3(%arg0: i32) -> (i32, i32) {
    %c0_i32 = arith.constant 0 : i32
    %c0_i32_0 = arith.constant 0 : i32
    return %arg0, %c0_i32 : i32, i32
  }
  func.func @transform_4(%arg0: i32) -> (i32, i32) {
    %c0_i32 = arith.constant 0 : i32
    %c0_i32_0 = arith.constant 0 : i32
    %c0_i32_1 = arith.constant 0 : i32
    return %c0_i32, %c0_i32_0 : i32, i32
  }
  func.func @transform_5(%arg0: i32) -> (i32, i32) {
    %c0_i32 = arith.constant 0 : i32
    %c0_i32_0 = arith.constant 0 : i32
    %c0_i32_1 = arith.constant 0 : i32
    return %c0_i32, %c0_i32_0 : i32, i32
  }
  func.func @transform_6(%arg0: i32) -> (i32, i32) {
    %c0_i32 = arith.constant 0 : i32
    %c0_i32_0 = arith.constant 0 : i32
    %c0_i32_1 = arith.constant 0 : i32
    return %c0_i32, %c0_i32_0 : i32, i32
  }
  func.func @transform_7(%arg0: i32) -> (i32, i32) {
    %c0_i32 = arith.constant 0 : i32
    %c0_i32_0 = arith.constant 0 : i32
    %c0_i32_1 = arith.constant 0 : i32
    return %c0_i32, %c0_i32_0 : i32, i32
  }
  func.func @transform_8(%arg0: i32) -> (i32, i32) {
    %c0_i32 = arith.constant 0 : i32
    %c0_i32_0 = arith.constant 0 : i32
    %c0_i32_1 = arith.constant 0 : i32
    return %c0_i32, %c0_i32_0 : i32, i32
  }
  func.func @transform_9(%arg0: i32) -> (i32, i32) {
    %c0_i32 = arith.constant 0 : i32
    %c0_i32_0 = arith.constant 0 : i32
    %c0_i32_1 = arith.constant 0 : i32
    return %c0_i32, %c0_i32_0 : i32, i32
  }
  func.func @transform_10(%arg0: i32) -> (i32, i32) {
    %c0_i32 = arith.constant 0 : i32
    %c0_i32_0 = arith.constant 0 : i32
    %c0_i32_1 = arith.constant 0 : i32
    return %c0_i32, %c0_i32_0 : i32, i32
  }
  func.func @transform_11(%arg0: i32) -> (i32, i32) {
    %c0_i32 = arith.constant 0 : i32
    %c0_i32_0 = arith.constant 0 : i32
    %c0_i32_1 = arith.constant 0 : i32
    return %c0_i32, %c0_i32_0 : i32, i32
  }
  func.func @transform_12(%arg0: i32) -> (i32, i32) {
    %c0_i32 = arith.constant 0 : i32
    %c0_i32_0 = arith.constant 0 : i32
    %c0_i32_1 = arith.constant 0 : i32
    return %c0_i32, %c0_i32_0 : i32, i32
  }
  func.func @transform_13(%arg0: i32) -> (i32, i32) {
    %c0_i32 = arith.constant 0 : i32
    %c0_i32_0 = arith.constant 0 : i32
    %c0_i32_1 = arith.constant 0 : i32
    return %c0_i32, %c0_i32_0 : i32, i32
  }
  func.func @transform_14(%arg0: i32) -> (i32, i32) {
    %c0_i32 = arith.constant 0 : i32
    %c0_i32_0 = arith.constant 0 : i32
    return %arg0, %c0_i32 : i32, i32
  }
  func.func @transform_15(%arg0: i32) -> (i32, i32) {
    %c0_i32 = arith.constant 0 : i32
    %c0_i32_0 = arith.constant 0 : i32
    return %arg0, %c0_i32 : i32, i32
  }
}

module attributes {stable_mosaic.version = 14 : i64} {
  func.func @_prescale_body(%arg0: i32, %arg1: memref<1000x128xf32, #tpu.memory_space<vmem>>, %arg2: memref<1000x1xf32, #tpu.memory_space<vmem>>, %arg3: memref<1000x1xf32, #tpu.memory_space<vmem>>, %arg4: memref<1000x128xf32, #tpu.memory_space<vmem>>, %arg5: memref<1000x1xf32, #tpu.memory_space<vmem>>) attributes {dimension_semantics = [#tpu.dimension_semantics<arbitrary>], iteration_bounds = array<i64: 10>, scalar_prefetch = 0 : i64, scratch_operands = 0 : i64, tpu.core_type = #tpu.core_type<tc>, window_params = [{transform_indices = @transform_0, window_bounds = array<i64: 1000, 128>}, {transform_indices = @transform_1, window_bounds = array<i64: 1000, 1>}, {transform_indices = @transform_2, window_bounds = array<i64: 1000, 1>}, {transform_indices = @transform_3, window_bounds = array<i64: 1000, 128>}, {transform_indices = @transform_4, window_bounds = array<i64: 1000, 1>}]} {
    %get3A = arith.constant 0 : index
    %get3A_0 = arith.constant 0 : index
    %get3A_1 = vector.load %arg2[%get3A, %get3A_0] : memref<1000x1xf32, #tpu.memory_space<vmem>>, vector<1000x1xf32>
    %get3A_2 = arith.constant 0 : index
    %get3A_3 = arith.constant 0 : index
    %get3A_4 = vector.load %arg3[%get3A_2, %get3A_3] : memref<1000x1xf32, #tpu.memory_space<vmem>>, vector<1000x1xf32>
    %add3A = arith.addf %get3A_1, %get3A_4 : vector<1000x1xf32>
    %add3A_5 = arith.constant 1.000000e+00 : f32
    %add3A_6 = vector.broadcast %add3A_5 : f32 to vector<1000x1xf32>
    %add3A_7 = arith.addf %add3A, %add3A_6 : vector<1000x1xf32>
    %rsqrt3A = math.rsqrt %add3A_7 : vector<1000x1xf32>
    %get3A_8 = arith.constant 0 : index
    %get3A_9 = arith.constant 0 : index
    %get3A_10 = vector.load %arg1[%get3A_8, %get3A_9] : memref<1000x128xf32, #tpu.memory_space<vmem>>, vector<1000x128xf32>
    %mul3A = vector.broadcast %rsqrt3A : vector<1000x1xf32> to vector<1000x128xf32>
    %mul3A_11 = arith.mulf %get3A_10, %mul3A : vector<1000x128xf32>
    %swap3A = arith.constant 0 : index
    %swap3A_12 = arith.constant 0 : index
    %swap3A_13 = vector.load %arg4[%swap3A, %swap3A_12] : memref<1000x128xf32, #tpu.memory_space<vmem>>, vector<1000x128xf32>
    tpu.vector_store %arg4[%swap3A, %swap3A_12], %mul3A_11 {strides = array<i32>} : memref<1000x128xf32, #tpu.memory_space<vmem>>, vector<1000x128xf32>,
    %swap3A_14 = arith.constant 0 : index
    %swap3A_15 = arith.constant 0 : index
    %swap3A_16 = vector.load %arg5[%swap3A_14, %swap3A_15] : memref<1000x1xf32, #tpu.memory_space<vmem>>, vector<1000x1xf32>
    tpu.vector_store %arg5[%swap3A_14, %swap3A_15], %rsqrt3A {strides = array<i32>} : memref<1000x1xf32, #tpu.memory_space<vmem>>, vector<1000x1xf32>,
    return
  }
  func.func @transform_0(%arg0: i32) -> (i32, i32) {
    %c0_i32 = arith.constant 0 : i32
    %c0_i32_0 = arith.constant 0 : i32
    return %arg0, %c0_i32 : i32, i32
  }
  func.func @transform_1(%arg0: i32) -> (i32, i32) {
    %c0_i32 = arith.constant 0 : i32
    %c0_i32_0 = arith.constant 0 : i32
    return %arg0, %c0_i32 : i32, i32
  }
  func.func @transform_2(%arg0: i32) -> (i32, i32) {
    %c0_i32 = arith.constant 0 : i32
    %c0_i32_0 = arith.constant 0 : i32
    return %arg0, %c0_i32 : i32, i32
  }
  func.func @transform_3(%arg0: i32) -> (i32, i32) {
    %c0_i32 = arith.constant 0 : i32
    %c0_i32_0 = arith.constant 0 : i32
    return %arg0, %c0_i32 : i32, i32
  }
  func.func @transform_4(%arg0: i32) -> (i32, i32) {
    %c0_i32 = arith.constant 0 : i32
    %c0_i32_0 = arith.constant 0 : i32
    return %arg0, %c0_i32 : i32, i32
  }
}

module attributes {stable_mosaic.version = 14 : i64} {
  func.func @_emlp_body(%arg0: i32, %arg1: memref<8000x128xf32, #tpu.memory_space<vmem>>, %arg2: memref<8000x16xf32, #tpu.memory_space<vmem>>, %arg3: memref<16x128xf32, #tpu.memory_space<vmem>>, %arg4: memref<1x128xf32, #tpu.memory_space<vmem>>, %arg5: memref<128x4xf32, #tpu.memory_space<vmem>>, %arg6: memref<1x4xf32, #tpu.memory_space<vmem>>, %arg7: memref<8000x4xf32, #tpu.memory_space<vmem>>) attributes {dimension_semantics = [#tpu.dimension_semantics<arbitrary>], iteration_bounds = array<i64: 20>, scalar_prefetch = 0 : i64, scratch_operands = 0 : i64, tpu.core_type = #tpu.core_type<tc>, window_params = [{transform_indices = @transform_0, window_bounds = array<i64: 8000, 128>}, {transform_indices = @transform_1, window_bounds = array<i64: 8000, 16>}, {pipeline_mode = #tpu.pipeline_mode<synchronous>, transform_indices = @transform_2, window_bounds = array<i64: 16, 128>}, {pipeline_mode = #tpu.pipeline_mode<synchronous>, transform_indices = @transform_3, window_bounds = array<i64: 1, 128>}, {pipeline_mode = #tpu.pipeline_mode<synchronous>, transform_indices = @transform_4, window_bounds = array<i64: 128, 4>}, {pipeline_mode = #tpu.pipeline_mode<synchronous>, transform_indices = @transform_5, window_bounds = array<i64: 1, 4>}, {transform_indices = @transform_6, window_bounds = array<i64: 8000, 4>}]} {
    %get3A = arith.constant 0 : index
    %get3A_0 = arith.constant 0 : index
    %get3A_1 = vector.load %arg1[%get3A, %get3A_0] : memref<8000x128xf32, #tpu.memory_space<vmem>>, vector<8000x128xf32>
    %get3A_2 = arith.constant 0 : index
    %get3A_3 = arith.constant 0 : index
    %get3A_4 = vector.load %arg2[%get3A_2, %get3A_3] : memref<8000x16xf32, #tpu.memory_space<vmem>>, vector<8000x16xf32>
    %get3A_5 = arith.constant 0 : index
    %get3A_6 = arith.constant 0 : index
    %get3A_7 = vector.load %arg3[%get3A_5, %get3A_6] : memref<16x128xf32, #tpu.memory_space<vmem>>, vector<16x128xf32>
    %dot_general3A = arith.constant dense<0.000000e+00> : vector<8000x128xf32>
    %dot_general3A_8 = tpu.matmul %get3A_4, %get3A_7, %dot_general3A {dimension_numbers = #tpu.dot_dimension_numbers<[1], [0], [0], [1], [0, 0, 1, 1], [], []>, transpose_lhs_hint = false} : vector<8000x16xf32>, vector<16x128xf32>, vector<8000x128xf32> -> vector<8000x128xf32>
    %add3A = arith.addf %get3A_1, %dot_general3A_8 : vector<8000x128xf32>
    %get3A_9 = arith.constant 0 : index
    %get3A_10 = arith.constant 0 : index
    %get3A_11 = vector.load %arg4[%get3A_9, %get3A_10] : memref<1x128xf32, #tpu.memory_space<vmem>>, vector<1x128xf32>
    %add3A_12 = vector.broadcast %get3A_11 : vector<1x128xf32> to vector<8000x128xf32>
    %add3A_13 = arith.addf %add3A, %add3A_12 : vector<8000x128xf32>
    %max3A = arith.constant 0.000000e+00 : f32
    %max3A_14 = vector.broadcast %max3A : f32 to vector<8000x128xf32>
    %max3A_15 = arith.maximumf %add3A_13, %max3A_14 : vector<8000x128xf32>
    %get3A_16 = arith.constant 0 : index
    %get3A_17 = arith.constant 0 : index
    %get3A_18 = vector.load %arg5[%get3A_16, %get3A_17] : memref<128x4xf32, #tpu.memory_space<vmem>>, vector<128x4xf32>
    %dot_general3A_19 = arith.constant dense<0.000000e+00> : vector<8000x4xf32>
    %dot_general3A_20 = tpu.matmul %max3A_15, %get3A_18, %dot_general3A_19 {dimension_numbers = #tpu.dot_dimension_numbers<[1], [0], [0], [1], [0, 0, 1, 1], [], []>, transpose_lhs_hint = false} : vector<8000x128xf32>, vector<128x4xf32>, vector<8000x4xf32> -> vector<8000x4xf32>
    %get3A_21 = arith.constant 0 : index
    %get3A_22 = arith.constant 0 : index
    %get3A_23 = vector.load %arg6[%get3A_21, %get3A_22] : memref<1x4xf32, #tpu.memory_space<vmem>>, vector<1x4xf32>
    %add3A_24 = vector.broadcast %get3A_23 : vector<1x4xf32> to vector<8000x4xf32>
    %add3A_25 = arith.addf %dot_general3A_20, %add3A_24 : vector<8000x4xf32>
    %swap3A = arith.constant 0 : index
    %swap3A_26 = arith.constant 0 : index
    %swap3A_27 = vector.load %arg7[%swap3A, %swap3A_26] : memref<8000x4xf32, #tpu.memory_space<vmem>>, vector<8000x4xf32>
    tpu.vector_store %arg7[%swap3A, %swap3A_26], %add3A_25 {strides = array<i32>} : memref<8000x4xf32, #tpu.memory_space<vmem>>, vector<8000x4xf32>,
    return
  }
  func.func @transform_0(%arg0: i32) -> (i32, i32) {
    %c0_i32 = arith.constant 0 : i32
    %c0_i32_0 = arith.constant 0 : i32
    return %arg0, %c0_i32 : i32, i32
  }
  func.func @transform_1(%arg0: i32) -> (i32, i32) {
    %c0_i32 = arith.constant 0 : i32
    %c0_i32_0 = arith.constant 0 : i32
    return %arg0, %c0_i32 : i32, i32
  }
  func.func @transform_2(%arg0: i32) -> (i32, i32) {
    %c0_i32 = arith.constant 0 : i32
    %c0_i32_0 = arith.constant 0 : i32
    %c0_i32_1 = arith.constant 0 : i32
    return %c0_i32, %c0_i32_0 : i32, i32
  }
  func.func @transform_3(%arg0: i32) -> (i32, i32) {
    %c0_i32 = arith.constant 0 : i32
    %c0_i32_0 = arith.constant 0 : i32
    %c0_i32_1 = arith.constant 0 : i32
    return %c0_i32, %c0_i32_0 : i32, i32
  }
  func.func @transform_4(%arg0: i32) -> (i32, i32) {
    %c0_i32 = arith.constant 0 : i32
    %c0_i32_0 = arith.constant 0 : i32
    %c0_i32_1 = arith.constant 0 : i32
    return %c0_i32, %c0_i32_0 : i32, i32
  }
  func.func @transform_5(%arg0: i32) -> (i32, i32) {
    %c0_i32 = arith.constant 0 : i32
    %c0_i32_0 = arith.constant 0 : i32
    %c0_i32_1 = arith.constant 0 : i32
    return %c0_i32, %c0_i32_0 : i32, i32
  }
  func.func @transform_6(%arg0: i32) -> (i32, i32) {
    %c0_i32 = arith.constant 0 : i32
    %c0_i32_0 = arith.constant 0 : i32
    return %arg0, %c0_i32 : i32, i32
  }
}

</mosaic_0001>

<sc_bundles>
// kernel: kernel.10.cloned.1.call-start
scs
__scs_entry_jumppad:
0x0: {  	(pc) =	sbr.rel $0x88, $3  }
0x1: {  	(tag) =	ssettag $0x0;
	lr =	simm.s32 $0x1  }
0x2: {  	[smem:$0x3F92] =	sst lr;
	_ =	strace $0xD0000000  }
0x3: {  	_ = 	snop  }
0x4: {  	_ = 	snop  }
0x5: {  	_ = 	snop  }
0x6: {  	_ = 	snop  }
0x7: {  	_ = 	snop  }
__scs_overlays_trampoline_lowered:
0x8: {  	[smem:$0x3FA1] =	sst s0  }
0x9: {  	[smem:$0x3FA2] =	sst s1  }
0xa: {  	[smem:$0x3FA3] =	sst s2  }
0xb: {  	[smem:$0x3FA4] =	sst s3  }
0xc: {  	[smem:$0x3FA5] =	sst s4  }
0xd: {  	[smem:$0x3FA6] =	sst s5  }
0xe: {  	[smem:$0x3FA7] =	sst s6  }
0xf: {  	[smem:$0x3FA8] =	sst s7  }
0x10: {  	[smem:$0x3FA9] =	sst s8  }
0x11: {  	[smem:$0x3FAA] =	sst s9;
	s0 =	simm.s32 @!p0 $0x0  }
0x12: {  	s1 =	sld [smem:$0x3F90];
	s0 =	simm.s32 @p0 $0x1  }
0x13: {  	[smem:$0x3FAB] =	sst s0;
	s0 =	simm.s32 @!p1 $0x0  }
0x14: {  	s2 =	sld [smem:$0x3F8F];
	s0 =	simm.s32 @p1 $0x1  }
0x15: {  	[smem:$0x3FAC] =	sst s0;
	s0 =	simm.s32 @!p2 $0x0  }
0x16: {  	s3 =	sld [smem:$0x3FDB];
	s0 =	simm.s32 @p2 $0x1  }
0x17: {  	s4 =	simm.s32 $0x1BF5;
	[smem:$0x3FAE] =	sst s0  }
0x18: {  	s0 =	sld [smem:$0x3F91];
	_ =	swait.ge [sflag:s4], $0x0  }
0x19: {  	s7 =	sld [smem:$0x3F92]  }
0x1a: {  	s8 =	sadd.s32 $0xFFFFE003, lr  }
0x1b: {  	s9 =	sadd.s32 $0xFFFFFEF7, lr;
	s5 =	simm.s32 $0xFFFFFFFF;
	p2 =	slt.u32 s8, $0xFFFFF086  }
0x1c: {  	p1 =	slt.u32 s9, $0xF7A;
	s5 =	simm.s32 @!p2 $0x0  }
0x1d: {  	s5 =	simm.s32 @p1 $0x1;
	p0 =	seq.s32 s7, s2  }
0x1e: {  	s7 =	smul.u32 @!p0 $0xF7A, s2;
	p2 =	seq.s32 @!p0 s5, $0x0  }
0x1f: {  	s9 =	smul.u32 $0xF7A, s1;
	s8 =	simm.s32 @!p0 $0x1BF5;
	p2 =	por !p2, p0  }
0x20: {  	[sflag:s8] =	ssyncset.s32 @!p0 $0xFFFFF086;
	s6 =	sadd.s32 @!p0 s3, s7;
	s7 =	simm.s32 @!p0 $0x108  }
0x21: {  	s3 =	sadd.s32 s3, s9;
	s6 =	sadd.s32 @!p0 $0x88, s6;
	s7 =	simm.s32 @p2 $0x1082  }
0x22: {  	[simem:s7], [sflag:s8] =	dma.local @!p0 [hbm:s6], $0xF7A  }
0x23: {  	s9 =	sor.u32 $0xD0000000, s2;
	s6 =	simm.s32 $0x108;
	_ =	swait.ge @!p0 [sflag:s8], $0x0  }
0x24: {  	s3 =	sadd.s32 $0x88, s3;
	s6 =	simm.s32 @!p1 $0x1082;
	[sflag:s4] =	ssyncset.s32 $0xFFFFF086  }
0x25: {  	[simem:s6], [sflag:s4] =	dma.local [hbm:s3], $0xF7A  }
0x26: {  	[smem:$0x3F92] =	sst s1;
	(tag) =	ssettag s2;
	_ =	strace s9  }
0x27: {  	s1 =	sld [smem:$0x3FA2]  }
0x28: {  	s2 =	sld [smem:$0x3FA3]  }
0x29: {  	s4 =	sld [smem:$0x3FA5]  }
0x2a: {  	p0 =	seq.s32 s5, $0x0;
	s5 =	sld [smem:$0x3FA6]  }
0x2b: {  	s6 =	sld [smem:$0x3FA7]  }
0x2c: {  	s7 =	sld [smem:$0x3FA8]  }
0x2d: {  	s3 =	simm.s32 $0x108;
	s8 =	sld [smem:$0x3FA9]  }
0x2e: {  	s3 =	simm.s32 @!p0 $0x1082;
	s9 =	sld [smem:$0x3FAA]  }
0x2f: {  	lr =	sadd.s32 s0, s3;
	s0 =	sld [smem:$0x3FA1]  }
0x30: {  	s3 =	sld [smem:$0x3FA4]  }
0x31: {  	[smem:$0x3FAD] =	sst s10  }
0x32: {  	s10 =	sld [smem:$0x3FAB];
	_ =	sdelay $0x3  }
0x33: {  	p0 =	seq.s32 s10, $0x1;
	s10 =	sld [smem:$0x3FAD];
	_ =	sdelay $0x3  }
0x34: {  	[smem:$0x3FAD] =	sst s10  }
0x35: {  	s10 =	sld [smem:$0x3FAC];
	_ =	sdelay $0x3  }
0x36: {  	p1 =	seq.s32 s10, $0x1;
	s10 =	sld [smem:$0x3FAD];
	_ =	sdelay $0x3  }
0x37: {  	[smem:$0x3FAD] =	sst s10  }
0x38: {  	s10 =	sld [smem:$0x3FAE]  }
0x39: {  	_ = 	snop;
	(pc) =	sbr.ind lr, $3  }
0x3a: {  	_ = 	snop  }
0x3b: {  	_ = 	snop  }
0x3c: {  	p2 =	seq.s32 s10, $0x1;
	s10 =	sld [smem:$0x3FAD]  }
0x3d: {  	_ =	shalt  }
0x3e: {  	_ =	shalt  }
0x3f: {  	_ =	shalt  }
0x40: {  	_ =	shalt  }
0x41: {  	_ =	shalt  }
0x42: {  	_ =	shalt  }
0x43: {  	_ =	shalt  }
0x44: {  	_ =	shalt  }
0x45: {  	_ =	shalt  }
0x46: {  	_ =	shalt  }
0x47: {  	_ =	shalt  }
0x48: {  	_ =	shalt  }
0x49: {  	_ =	shalt  }
0x4a: {  	_ =	shalt  }
0x4b: {  	_ =	shalt  }
0x4c: {  	_ =	shalt  }
0x4d: {  	_ =	shalt  }
0x4e: {  	_ =	shalt  }
0x4f: {  	_ =	shalt  }
0x50: {  	_ =	shalt  }
0x51: {  	_ =	shalt  }
0x52: {  	_ =	shalt  }
0x53: {  	_ =	shalt  }
0x54: {  	_ =	shalt  }
0x55: {  	_ =	shalt  }
0x56: {  	_ =	shalt  }
0x57: {  	_ =	shalt  }
0x58: {  	_ =	shalt  }
0x59: {  	_ =	shalt  }
0x5a: {  	_ =	shalt  }
0x5b: {  	_ =	shalt  }
0x5c: {  	_ =	shalt  }
0x5d: {  	_ =	shalt  }
0x5e: {  	_ =	shalt  }
0x5f: {  	_ =	shalt  }
0x60: {  	_ =	shalt  }
0x61: {  	_ =	shalt  }
0x62: {  	_ =	shalt  }
0x63: {  	_ =	shalt  }
0x64: {  	_ =	shalt  }
0x65: {  	_ =	shalt  }
0x66: {  	_ =	shalt  }
0x67: {  	_ =	shalt  }
0x68: {  	_ =	shalt  }
0x69: {  	_ =	shalt  }
0x6a: {  	_ =	shalt  }
0x6b: {  	_ =	shalt  }
0x6c: {  	_ =	shalt  }
0x6d: {  	_ =	shalt  }
0x6e: {  	_ =	shalt  }
0x6f: {  	_ =	shalt  }
0x70: {  	_ =	shalt  }
0x71: {  	_ =	shalt  }
0x72: {  	_ =	shalt  }
0x73: {  	_ =	shalt  }
0x74: {  	_ =	shalt  }
0x75: {  	_ =	shalt  }
0x76: {  	_ =	shalt  }
0x77: {  	_ =	shalt  }
0x78: {  	_ =	shalt  }
0x79: {  	_ =	shalt  }
0x7a: {  	_ =	shalt  }
0x7b: {  	_ =	shalt  }
0x7c: {  	_ =	shalt  }
0x7d: {  	_ =	shalt  }
0x7e: {  	_ =	shalt  }
0x7f: {  	_ =	shalt  }
0x80: {  	_ =	shalt  }
0x81: {  	_ =	shalt  }
0x82: {  	_ =	shalt  }
0x83: {  	_ =	shalt  }
0x84: {  	_ =	shalt  }
0x85: {  	_ =	shalt  }
0x86: {  	_ =	shalt  }
0x87: {  	_ =	shalt  }
.Lfunc_end0:
.L_simem_size_0:
called_computation_lowered:
.L_overlay_start_0:
0x88: {  	s2 =	sld [smem:$0x3FD9]  }
0x89: {  	s3 =	sld [smem:$0x3FFE];
	_ =	sdelay $0x1  }
0x8a: {  	s1 =	srdreg.scid  }
0x8b: {  	s0 =	sand.u32 $0x1, s1  }
0x8c: {  	s17 =	sshll.u32 s0, $0xA;
	s2 =	sadd.s32 s3, s2  }
0x8d: {  	s2 =	sadd.s32 s2, s17  }
0x8e: {  	[smem:$0x3FB9] =	sst s2  }
0x8f: {  	_ = 	snop  }
0x90: {  	s2 =	sld [smem:$0x3FD0];
	(tm) =	ssettm $0x1  }
0x91: {  	s18 =	sld [smem:$0x3FFB];
	_ =	sdelay $0x3  }
0x92: {  	_ =	strace s18  }
0x93: {  	s3 =	sld [smem:$0x3FFC];
	_ =	sdelay $0x3  }
0x94: {  	_ =	strace s3  }
0x95: {  	s3 =	sld [smem:$0x3FFD];
	_ =	sdelay $0x3  }
0x96: {  	_ =	strace s3  }
0x97: {  	_ =	strace $0x8FFFFFFF  }
0x98: {  	s19 =	sld [smem:$0x3FDB];
	_ =	sdelay $0x1  }
0x99: {  	s4 =	simm.s32 $_scs_section_size  }
0x9a: {  	s5 =	simm.s32 $_size__tile_overlayer_lowered;
	s6 =	simm.s32 $_tile_overlayer_lowered  }
0x9b: {  	s22 =	simm.s32 $0x1BFF;
	s21 =	sshll.u32 s6, $0x1;
	s3 =	sadd.s32 s4, s19  }
0x9c: {  	s7 =	simm.s32 $0x0;
	s20 =	sshll.u32 s5, $0x1;
	s5 =	sadd.s32 s21, s3  }
0x9d: {  	[timem:s7], [sflag:s22] =	dma.local [hbm:s5], s20  }
0x9e: {  	_ =	swait.ge [sflag:s22], s20  }
0x9f: {  	s4 =	ssub.s32 $0x0, s20;
	[sflag:s22] =	ssyncset.done $0x0  }
0xa0: {  	[sflag:s22] =	ssyncadd.s32 s4;
	_ =	sdelay $0x1  }
0xa1: {  	s23 =	simm.s32 $0x1B8B  }
0xa2: {  	_ =	swait.ge [sflag:s23], $0x1  }
0xa3: {  	[sflag:s23] =	ssyncset.done $0x0  }
0xa4: {  	s25 =	simm.s32 $0x1B8E;
	s24 =	sld [smem:$0x3FFE];
	[sflag:s23] =	ssyncadd.s32 $0xFFFFFFFF  }
0xa5: {  	s26 =	simm.s32 $execute0_lowered;
	[smem:$0x3FD2] =	sst s25  }
0xa6: {  	s5 =	sshll.u32 s26, $0x1;
	_ =	strace $0x80000046;
	[dreg:$0x1] =	wrdreg $0xFFFFFFFF  }
0xa7: {  	s28 =	simm.s32 $_size_execute0_lowered;
	s3 =	sadd.s32 s3, s5;
	[dreg:$0x0] =	wrdreg $0x0  }
0xa8: {  	s5 =	sshll.u32 s28, $0x1;
	[dreg:$0x2] =	wrdreg s3  }
0xa9: {  	[dreg:$0x3] =	wrdreg s5  }
0xaa: {  	[dreg:$0x4] =	wrdreg $0xC0  }
0xab: {  	_ =	task [dreg:s7], $0x5FFFF  }
0xac: {  	[dreg:$0x1] =	wrdreg $0xFFFFFFFF  }
0xad: {  	[dreg:$0x0] =	wrdreg $0x60  }
0xae: {  	[dreg:$0x2] =	wrdreg s24  }
0xaf: {  	[dreg:$0x3] =	wrdreg s2  }
0xb0: {  	[dreg:$0x4] =	wrdreg $0x12800  }
0xb1: {  	[dreg:$0x5] =	wrdreg $0x9  }
0xb2: {  	_ =	task.clear_ibuf [dreg:s7], $0x6FFFF;
	_ =	strace $0x90000046  }
0xb3: {  	s29 =	simm.s32 $0x9;
	_ =	strace $0x80000048  }
0xb4: {  	_ =	swait.ge [sflag:s29], $0x1  }
0xb5: {  	[sflag:s29] =	ssyncadd.s32 $0xFFFFFFFF  }
0xb6: {  	_ =	strace $0x90000048  }
0xb7: {  	_ =	sfence  }
0xb8: {  	s30 =	sld [smem:$0x0];
	_ =	sdelay $0x2  }
0xb9: {  	s31 =	sshll.u32 s1, $0xD;
	s1 =	sshrl.u32 s1, $0x2  }
0xba: {  	s3 =	sand.u32 $0x4000, s31;
	s1 =	sadd.s32 s1, s30  }
0xbb: {  	s0 =	sor.u32 s3, s0;
	s1 =	sshll.u32 s1, $0x11  }
0xbc: {  	s0 =	sor.u32 s1, s0  }
0xbd: {  	s0 =	sadd.s32 $0x8F2B, s0  }
0xbe: {  	[sflag:s0] =	ssyncadd.remote.s32 $0x1  }
0xbf: {  	_ =	sfence.sel $0xFFFF  }
0xc0: {  	[dreg:$0x0] =	wrdreg $0xFFFFFFFF;
	(pc) =	sbr.abs _section_cstart, $3  }
0xc1: {  	[dreg:$0x1] =	wrdreg $0xFFFFFFFF  }
0xc2: {  	_ =	task.clear_ibuf [dreg:s7], $0x2FFFF;
	_ =	strace $0x9FFFFFFF  }
0xc3: {  	(tm) =	ssettm $0x7FFFFFFF  }
tec
execute0_lowered:
.L_overlay_start_1:
0x0: {  	(tag) =	ssettag $0x1  }
0x1: {  	s4 =	rddreg [dreg:$0x0]  }
0x2: {  	s5 =	rddreg [dreg:$0x1]  }
0x3: {  	s2 =	rddreg [dreg:$0x2]  }
0x4: {  	s0 =	srdreg.scid;
	s1 =	rddreg [dreg:$0x3];
	s3 =	simm.s32 $0x0  }
0x5: {  	s12 =	simm.s32 $0x1000;
	s13 =	simm.s32 $0x1;
	s14 =	simm.s32 $0x7D0  }
0x6: {  	s15 =	simm.s32 $0x800;
	s18 =	simm.s32 $0x20;
	s6 =	sand.u32 $0x1, s0  }
0x7: {  	s19 =	simm.s32 $0x10;
	s0 =	stileid.u32;
	s7 =	smul.u32 $0x27100, s6  }
0x8: {  	s20 =	simm.s32 $0x0;
	[smem:$0x7FF] =	sst s3;
	s8 =	smul.u32 $0x2710, s0  }
0x9: {  	_ =	strace $0x80000047;
	s28 =	smul.u32 $0x500, s0;
	s9 =	ssub.s32 $0x2, s6  }
0xa: {  	s10 =	smul.u32 $0xA00, s0;
	s6 =	sshll.u32 s6, $0x7;
	s16 =	sshll.u32 s0, $0x6  }
0xb: {  	s29 =	sshrl.u32 s9, $0x1;
	s16 =	sor.u32 $0x1C01, s16;
	s7 =	sadd.s32 s8, s7  }
0xc: {  	s6 =	sor.u32 s6, s28;
	s30 =	ssub.s32 s9, s29;
	s7 =	sshrl.u32 s7, $0x3  }
0xd: {  	s31 =	sshrl.u32 s10, $0x2;
	s6 =	sshrl.u32 s6, $0x3;
	s11 =	sadd.s32 s7, s4  }
0xe: {  	s4 =	sadd.s32 s31, s2;
	s5 =	sadd.s32 s5, s6;
	s7 =	smax.u32 s30, $0x1  }
0xf: {  	s6 =	sadd.s32 $0xD600, s11;
	s8 =	sadd.s32 $0xD6FA, s11;
	s9 =	sadd.s32 $0xD7F4, s11  }
0x10: {  	v0 =	vimm.f32 $0.0e+00;
	v1 =	vimm.f32 $1.000000000e+00;
	s10 =	sadd.s32 $0xD8EE, s11;
	s11 =	sadd.s32 $0xD9E8, s11;
	s17 =	sshrl.u32 s4, $0x3  }
.LBB2_1:
0x11: {  	[tilespmem:$0x1000] =	vst v0  }
0x12: {  	[tilespmem:$0x1010] =	vst v0  }
0x13: {  	[tilespmem:$0x1020] =	vst v0  }
0x14: {  	[tilespmem:$0x1030] =	vst v0  }
0x15: {  	[tilespmem:$0x1040] =	vst v0  }
0x16: {  	[tilespmem:$0x1050] =	vst v0  }
0x17: {  	[tilespmem:$0x1060] =	vst v0  }
0x18: {  	[tilespmem:$0x1070] =	vst v0  }
0x19: {  	[tilespmem:$0x1080] =	vst v0  }
0x1a: {  	[tilespmem:$0x1090] =	vst v0  }
0x1b: {  	[tilespmem:$0x10A0] =	vst v0  }
0x1c: {  	[tilespmem:$0x10B0] =	vst v0  }
0x1d: {  	[tilespmem:$0x10C0] =	vst v0  }
0x1e: {  	[tilespmem:$0x10D0] =	vst v0  }
0x1f: {  	[tilespmem:$0x10E0] =	vst v0  }
0x20: {  	[tilespmem:$0x10F0] =	vst v0  }
0x21: {  	[tilespmem:$0x1100] =	vst v0  }
0x22: {  	[tilespmem:$0x1110] =	vst v0  }
0x23: {  	[tilespmem:$0x1120] =	vst v0  }
0x24: {  	[tilespmem:$0x1130] =	vst v0  }
0x25: {  	[tilespmem:$0x1140] =	vst v0  }
0x26: {  	[tilespmem:$0x1150] =	vst v0  }
0x27: {  	[tilespmem:$0x1160] =	vst v0  }
0x28: {  	[tilespmem:$0x1170] =	vst v0  }
0x29: {  	[tilespmem:$0x1180] =	vst v0  }
0x2a: {  	[tilespmem:$0x1190] =	vst v0  }
0x2b: {  	[tilespmem:$0x11A0] =	vst v0  }
0x2c: {  	[tilespmem:$0x11B0] =	vst v0  }
0x2d: {  	[tilespmem:$0x11C0] =	vst v0  }
0x2e: {  	[tilespmem:$0x11D0] =	vst v0  }
0x2f: {  	[tilespmem:$0x11E0] =	vst v0  }
0x30: {  	[tilespmem:$0x11F0] =	vst v0  }
0x31: {  	[tilespmem:$0x1200] =	vst v0  }
0x32: {  	[tilespmem:$0x1210] =	vst v0  }
0x33: {  	[tilespmem:$0x1220] =	vst v0  }
0x34: {  	[tilespmem:$0x1230] =	vst v0  }
0x35: {  	[tilespmem:$0x1240] =	vst v0  }
0x36: {  	[tilespmem:$0x1250] =	vst v0  }
0x37: {  	[tilespmem:$0x1260] =	vst v0  }
0x38: {  	[tilespmem:$0x1270] =	vst v0;
	s21 =	simm.s32 $0x40;
	s22 =	simm.s32 $0x0  }
.LBB2_2:
0x39: {  	p0 =	sne.s32 s21, $0x1F00;
	[tilespmem:s22+$0x800] =	vst v1;
	s22 =	smov.u32 s21;
	s21 =	sadd.s32 $0x40, s21  }
.Ltmp0:
0x3a: {  	(pc) =	sbr.rel @p0 .LBB2_2-.Ltmp0, $2  }
0x3b: {  	_ =	sdelay $0x2  }
0x3c: {  	s22 =	sshra.s32 s22, $0x2  }
0x3d: {  	[tilespmem:s22+$0x800] =	vst v1  }
0x3e: {  	[spmem:s4] =	stream.linear.scatter [tilespmem:s12], [sflag:$0x1], $0x280, $0x38;
	[tilespmem:$0x1500] =	vst v63  }
0x3f: {  	_ =	swait.ge [sflag:s13], $0x280  }
0x40: {  	[sflag:s13] =	ssyncset.done $0x0  }
0x41: {  	[sflag:s13] =	ssyncadd.s32 $0xFFFFFD80  }
0x42: {  	[bflag:$0x0] =	sbarrier.arrive $0xFFFF  }
0x43: {  	[tilespmem:s3], [sflag:$0x1] =	stream.linear.gather [hbm4b:s6+s3], $0x7D0, $0x38;
	[tilespmem:$0x1500] =	vst v63  }
0x44: {  	_ =	swait.ge [sflag:s13], $0x7D0  }
0x45: {  	[sflag:s13] =	ssyncset.done $0x0  }
0x46: {  	[sflag:s13] =	ssyncadd.s32 $0xFFFFF830  }
0x47: {  	[spmem:s2] =	stream.indirect.scatter.add.f32 [tilespmem:s15], [sflag:$0x1], $0x1, s3, s14, $0xb8;
	[tilespmem:$0x1500] =	vst v63  }
0x48: {  	_ =	swait.ge [sflag:s13], $0x7D0  }
0x49: {  	[sflag:s13] =	ssyncset.done $0x0  }
0x4a: {  	[sflag:s13] =	ssyncadd.s32 $0xFFFFF830  }
0x4b: {  	[tilespmem:s3], [sflag:$0x1] =	stream.linear.gather [hbm4b:s8+s3], $0x7D0, $0x38;
	[tilespmem:$0x1500] =	vst v63  }
0x4c: {  	_ =	swait.ge [sflag:s13], $0x7D0  }
0x4d: {  	[sflag:s13] =	ssyncset.done $0x0  }
0x4e: {  	[sflag:s13] =	ssyncadd.s32 $0xFFFFF830  }
0x4f: {  	[spmem:s2] =	stream.indirect.scatter.add.f32 [tilespmem:s15], [sflag:$0x1], $0x1, s3, s14, $0xb8;
	[tilespmem:$0x1500] =	vst v63  }
0x50: {  	_ =	swait.ge [sflag:s13], $0x7D0  }
0x51: {  	[sflag:s13] =	ssyncset.done $0x0  }
0x52: {  	[sflag:s13] =	ssyncadd.s32 $0xFFFFF830  }
0x53: {  	[tilespmem:s3], [sflag:$0x1] =	stream.linear.gather [hbm4b:s9+s3], $0x7D0, $0x38;
	[tilespmem:$0x1500] =	vst v63  }
0x54: {  	_ =	swait.ge [sflag:s13], $0x7D0  }
0x55: {  	[sflag:s13] =	ssyncset.done $0x0  }
0x56: {  	[sflag:s13] =	ssyncadd.s32 $0xFFFFF830  }
0x57: {  	[spmem:s2] =	stream.indirect.scatter.add.f32 [tilespmem:s15], [sflag:$0x1], $0x1, s3, s14, $0xb8;
	[tilespmem:$0x1500] =	vst v63  }
0x58: {  	_ =	swait.ge [sflag:s13], $0x7D0  }
0x59: {  	[sflag:s13] =	ssyncset.done $0x0  }
0x5a: {  	[sflag:s13] =	ssyncadd.s32 $0xFFFFF830  }
0x5b: {  	[tilespmem:s3], [sflag:$0x1] =	stream.linear.gather [hbm4b:s10+s3], $0x7D0, $0x38;
	[tilespmem:$0x1500] =	vst v63  }
0x5c: {  	_ =	swait.ge [sflag:s13], $0x7D0  }
0x5d: {  	[sflag:s13] =	ssyncset.done $0x0  }
0x5e: {  	[sflag:s13] =	ssyncadd.s32 $0xFFFFF830  }
0x5f: {  	[spmem:s2] =	stream.indirect.scatter.add.f32 [tilespmem:s15], [sflag:$0x1], $0x1, s3, s14, $0xb8;
	[tilespmem:$0x1500] =	vst v63  }
0x60: {  	_ =	swait.ge [sflag:s13], $0x7D0  }
0x61: {  	[sflag:s13] =	ssyncset.done $0x0  }
0x62: {  	[sflag:s13] =	ssyncadd.s32 $0xFFFFF830  }
0x63: {  	[tilespmem:s3], [sflag:$0x1] =	stream.linear.gather [hbm4b:s11+s3], $0x7D0, $0x38;
	[tilespmem:$0x1500] =	vst v63  }
0x64: {  	_ =	swait.ge [sflag:s13], $0x7D0  }
0x65: {  	[sflag:s13] =	ssyncset.done $0x0  }
0x66: {  	[sflag:s13] =	ssyncadd.s32 $0xFFFFF830  }
0x67: {  	[spmem:s2] =	stream.indirect.scatter.add.f32 [tilespmem:s15], [sflag:$0x1], $0x1, s3, s14, $0xb8;
	[tilespmem:$0x1500] =	vst v63  }
0x68: {  	_ =	swait.ge [sflag:s13], $0x7D0  }
0x69: {  	s20 =	sadd.s32 $0x1, s20;
	[sflag:s13] =	ssyncset.done $0x0  }
0x6a: {  	p0 =	sne.s32 s20, s7;
	[sflag:s13] =	ssyncadd.s32 $0xFFFFF830  }
.Ltmp1:
0x6b: {  	[bflag:$0x0] =	sbarrier.arrive $0xFFFF;
	(pc) =	sbr.rel @p0 .LBB2_1-.Ltmp1, $4  }
0x6c: {  	[hbm:s5@s18], [sflag:s16] =	dma.strided [spmem:s17@s19], $0x50, s13, $0x10   }
0x6d: {  	_ =	swait.ge [sflag:s13], $0x50  }
0x6e: {  	[sflag:s13] =	ssyncset.done $0x0  }
0x6f: {  	[sflag:s13] =	ssyncadd.s32 $0xFFFFFFB0  }
0x70: {  	_ =	sfence.sel $0x180000  }
0x71: {  	[bflag:$0x0] =	sbarrier.arrive $0xFFFF  }
0x72: {  	p0 =	sne.s32 s0, $0x0;
	_ =	strace $0x90000047  }
0x73: {  	s0 =	sadd.s32 @!p0 $0x100000, s1;
	[bflag:$0x2] =	sbarrier.arrive $0xFFFF  }
0x74: {  	[sflag:s0] =	ssyncadd.tile.s32 @!p0 $0x1;
	_ =	shalt  }
.Lfunc_end2:
_tile_overlayer_lowered:
.L_overlay_start_2:
0x75: {  	(tag) =	ssettag $0x2  }
0x76: {  	s0 =	rddreg [dreg:$0x0];
	s2 =	stileid.u32  }
0x77: {  	s1 =	rddreg [dreg:$0x1];
	p0 =	sne.s32 s2, $0x0  }
0x78: {  	s3 =	rddreg [dreg:$0x2];
	[bflag:$0x3] =	sbarrier.arrive $0xFFFF;
	s2 =	simm.s32 @!p0 $0x1C01  }
0x79: {  	[timem:s3], [sflag:s2] =	dma.local @!p0 [hbm:s0], s1  }
0x7a: {  	s0 =	simm.s32 @!p0 $0x1  }
0x7b: {  	_ =	swait.ge @!p0 [sflag:s0], s1  }
0x7c: {  	s1 =	ssub.s32 @!p0 $0x0, s1;
	[sflag:s0] =	ssyncset.done @!p0 $0x0  }
0x7d: {  	[sflag:s0] =	ssyncadd.s32 @!p0 s1  }
0x7e: {  	[bflag:$0x3] =	sbarrier.arrive $0xFFFF  }
0x7f: {  	_ =	shalt  }

// kernel: kernel.13.cloned.1.call-start
scs
__scs_entry_jumppad:
0x0: {  	(pc) =	sbr.rel $0x88, $3  }
0x1: {  	(tag) =	ssettag $0x0;
	lr =	simm.s32 $0x1  }
0x2: {  	[smem:$0x3F92] =	sst lr;
	_ =	strace $0xD0000000  }
0x3: {  	_ = 	snop  }
0x4: {  	_ = 	snop  }
0x5: {  	_ = 	snop  }
0x6: {  	_ = 	snop  }
0x7: {  	_ = 	snop  }
__scs_overlays_trampoline_lowered:
0x8: {  	[smem:$0x3FA1] =	sst s0  }
0x9: {  	[smem:$0x3FA2] =	sst s1  }
0xa: {  	[smem:$0x3FA3] =	sst s2  }
0xb: {  	[smem:$0x3FA4] =	sst s3  }
0xc: {  	[smem:$0x3FA5] =	sst s4  }
0xd: {  	[smem:$0x3FA6] =	sst s5  }
0xe: {  	[smem:$0x3FA7] =	sst s6  }
0xf: {  	[smem:$0x3FA8] =	sst s7  }
0x10: {  	[smem:$0x3FA9] =	sst s8  }
0x11: {  	[smem:$0x3FAA] =	sst s9;
	s0 =	simm.s32 @!p0 $0x0  }
0x12: {  	s1 =	sld [smem:$0x3F90];
	s0 =	simm.s32 @p0 $0x1  }
0x13: {  	[smem:$0x3FAB] =	sst s0;
	s0 =	simm.s32 @!p1 $0x0  }
0x14: {  	s2 =	sld [smem:$0x3F8F];
	s0 =	simm.s32 @p1 $0x1  }
0x15: {  	[smem:$0x3FAC] =	sst s0;
	s0 =	simm.s32 @!p2 $0x0  }
0x16: {  	s3 =	sld [smem:$0x3FDB];
	s0 =	simm.s32 @p2 $0x1  }
0x17: {  	s4 =	simm.s32 $0x1BF5;
	[smem:$0x3FAE] =	sst s0  }
0x18: {  	s0 =	sld [smem:$0x3F91];
	_ =	swait.ge [sflag:s4], $0x0  }
0x19: {  	s7 =	sld [smem:$0x3F92]  }
0x1a: {  	s8 =	sadd.s32 $0xFFFFE003, lr  }
0x1b: {  	s9 =	sadd.s32 $0xFFFFFEF7, lr;
	s5 =	simm.s32 $0xFFFFFFFF;
	p2 =	slt.u32 s8, $0xFFFFF086  }
0x1c: {  	p1 =	slt.u32 s9, $0xF7A;
	s5 =	simm.s32 @!p2 $0x0  }
0x1d: {  	s5 =	simm.s32 @p1 $0x1;
	p0 =	seq.s32 s7, s2  }
0x1e: {  	s7 =	smul.u32 @!p0 $0xF7A, s2;
	p2 =	seq.s32 @!p0 s5, $0x0  }
0x1f: {  	s9 =	smul.u32 $0xF7A, s1;
	s8 =	simm.s32 @!p0 $0x1BF5;
	p2 =	por !p2, p0  }
0x20: {  	[sflag:s8] =	ssyncset.s32 @!p0 $0xFFFFF086;
	s6 =	sadd.s32 @!p0 s3, s7;
	s7 =	simm.s32 @!p0 $0x108  }
0x21: {  	s3 =	sadd.s32 s3, s9;
	s6 =	sadd.s32 @!p0 $0x88, s6;
	s7 =	simm.s32 @p2 $0x1082  }
0x22: {  	[simem:s7], [sflag:s8] =	dma.local @!p0 [hbm:s6], $0xF7A  }
0x23: {  	s9 =	sor.u32 $0xD0000000, s2;
	s6 =	simm.s32 $0x108;
	_ =	swait.ge @!p0 [sflag:s8], $0x0  }
0x24: {  	s3 =	sadd.s32 $0x88, s3;
	s6 =	simm.s32 @!p1 $0x1082;
	[sflag:s4] =	ssyncset.s32 $0xFFFFF086  }
0x25: {  	[simem:s6], [sflag:s4] =	dma.local [hbm:s3], $0xF7A  }
0x26: {  	[smem:$0x3F92] =	sst s1;
	(tag) =	ssettag s2;
	_ =	strace s9  }
0x27: {  	s1 =	sld [smem:$0x3FA2]  }
0x28: {  	s2 =	sld [smem:$0x3FA3]  }
0x29: {  	s4 =	sld [smem:$0x3FA5]  }
0x2a: {  	p0 =	seq.s32 s5, $0x0;
	s5 =	sld [smem:$0x3FA6]  }
0x2b: {  	s6 =	sld [smem:$0x3FA7]  }
0x2c: {  	s7 =	sld [smem:$0x3FA8]  }
0x2d: {  	s3 =	simm.s32 $0x108;
	s8 =	sld [smem:$0x3FA9]  }
0x2e: {  	s3 =	simm.s32 @!p0 $0x1082;
	s9 =	sld [smem:$0x3FAA]  }
0x2f: {  	lr =	sadd.s32 s0, s3;
	s0 =	sld [smem:$0x3FA1]  }
0x30: {  	s3 =	sld [smem:$0x3FA4]  }
0x31: {  	[smem:$0x3FAD] =	sst s10  }
0x32: {  	s10 =	sld [smem:$0x3FAB];
	_ =	sdelay $0x3  }
0x33: {  	p0 =	seq.s32 s10, $0x1;
	s10 =	sld [smem:$0x3FAD];
	_ =	sdelay $0x3  }
0x34: {  	[smem:$0x3FAD] =	sst s10  }
0x35: {  	s10 =	sld [smem:$0x3FAC];
	_ =	sdelay $0x3  }
0x36: {  	p1 =	seq.s32 s10, $0x1;
	s10 =	sld [smem:$0x3FAD];
	_ =	sdelay $0x3  }
0x37: {  	[smem:$0x3FAD] =	sst s10  }
0x38: {  	s10 =	sld [smem:$0x3FAE]  }
0x39: {  	_ = 	snop;
	(pc) =	sbr.ind lr, $3  }
0x3a: {  	_ = 	snop  }
0x3b: {  	_ = 	snop  }
0x3c: {  	p2 =	seq.s32 s10, $0x1;
	s10 =	sld [smem:$0x3FAD]  }
0x3d: {  	_ =	shalt  }
0x3e: {  	_ =	shalt  }
0x3f: {  	_ =	shalt  }
0x40: {  	_ =	shalt  }
0x41: {  	_ =	shalt  }
0x42: {  	_ =	shalt  }
0x43: {  	_ =	shalt  }
0x44: {  	_ =	shalt  }
0x45: {  	_ =	shalt  }
0x46: {  	_ =	shalt  }
0x47: {  	_ =	shalt  }
0x48: {  	_ =	shalt  }
0x49: {  	_ =	shalt  }
0x4a: {  	_ =	shalt  }
0x4b: {  	_ =	shalt  }
0x4c: {  	_ =	shalt  }
0x4d: {  	_ =	shalt  }
0x4e: {  	_ =	shalt  }
0x4f: {  	_ =	shalt  }
0x50: {  	_ =	shalt  }
0x51: {  	_ =	shalt  }
0x52: {  	_ =	shalt  }
0x53: {  	_ =	shalt  }
0x54: {  	_ =	shalt  }
0x55: {  	_ =	shalt  }
0x56: {  	_ =	shalt  }
0x57: {  	_ =	shalt  }
0x58: {  	_ =	shalt  }
0x59: {  	_ =	shalt  }
0x5a: {  	_ =	shalt  }
0x5b: {  	_ =	shalt  }
0x5c: {  	_ =	shalt  }
0x5d: {  	_ =	shalt  }
0x5e: {  	_ =	shalt  }
0x5f: {  	_ =	shalt  }
0x60: {  	_ =	shalt  }
0x61: {  	_ =	shalt  }
0x62: {  	_ =	shalt  }
0x63: {  	_ =	shalt  }
0x64: {  	_ =	shalt  }
0x65: {  	_ =	shalt  }
0x66: {  	_ =	shalt  }
0x67: {  	_ =	shalt  }
0x68: {  	_ =	shalt  }
0x69: {  	_ =	shalt  }
0x6a: {  	_ =	shalt  }
0x6b: {  	_ =	shalt  }
0x6c: {  	_ =	shalt  }
0x6d: {  	_ =	shalt  }
0x6e: {  	_ =	shalt  }
0x6f: {  	_ =	shalt  }
0x70: {  	_ =	shalt  }
0x71: {  	_ =	shalt  }
0x72: {  	_ =	shalt  }
0x73: {  	_ =	shalt  }
0x74: {  	_ =	shalt  }
0x75: {  	_ =	shalt  }
0x76: {  	_ =	shalt  }
0x77: {  	_ =	shalt  }
0x78: {  	_ =	shalt  }
0x79: {  	_ =	shalt  }
0x7a: {  	_ =	shalt  }
0x7b: {  	_ =	shalt  }
0x7c: {  	_ =	shalt  }
0x7d: {  	_ =	shalt  }
0x7e: {  	_ =	shalt  }
0x7f: {  	_ =	shalt  }
0x80: {  	_ =	shalt  }
0x81: {  	_ =	shalt  }
0x82: {  	_ =	shalt  }
0x83: {  	_ =	shalt  }
0x84: {  	_ =	shalt  }
0x85: {  	_ =	shalt  }
0x86: {  	_ =	shalt  }
0x87: {  	_ =	shalt  }
.Lfunc_end0:
.L_simem_size_0:
called_computation.1_lowered:
.L_overlay_start_0:
0x88: {  	s2 =	sld [smem:$0x3FD9]  }
0x89: {  	s3 =	sld [smem:$0x3FFE];
	_ =	sdelay $0x1  }
0x8a: {  	s1 =	srdreg.scid  }
0x8b: {  	s0 =	sand.u32 $0x1, s1  }
0x8c: {  	s17 =	sshll.u32 s0, $0xA;
	s2 =	sadd.s32 s3, s2  }
0x8d: {  	s2 =	sadd.s32 s2, s17  }
0x8e: {  	[smem:$0x3FB9] =	sst s2  }
0x8f: {  	_ = 	snop  }
0x90: {  	s2 =	sld [smem:$0x3FD0];
	(tm) =	ssettm $0x1  }
0x91: {  	s18 =	sld [smem:$0x3FFB];
	_ =	sdelay $0x3  }
0x92: {  	_ =	strace s18  }
0x93: {  	s3 =	sld [smem:$0x3FFC];
	_ =	sdelay $0x3  }
0x94: {  	_ =	strace s3  }
0x95: {  	s3 =	sld [smem:$0x3FFD];
	_ =	sdelay $0x3  }
0x96: {  	_ =	strace s3  }
0x97: {  	_ =	strace $0x8FFFFFFF  }
0x98: {  	s19 =	sld [smem:$0x3FDB];
	_ =	sdelay $0x1  }
0x99: {  	s4 =	simm.s32 $_scs_section_size  }
0x9a: {  	s5 =	simm.s32 $_size__tile_overlayer_lowered;
	s6 =	simm.s32 $_tile_overlayer_lowered  }
0x9b: {  	s22 =	simm.s32 $0x1BFF;
	s21 =	sshll.u32 s6, $0x1;
	s3 =	sadd.s32 s4, s19  }
0x9c: {  	s7 =	simm.s32 $0x0;
	s20 =	sshll.u32 s5, $0x1;
	s5 =	sadd.s32 s21, s3  }
0x9d: {  	[timem:s7], [sflag:s22] =	dma.local [hbm:s5], s20  }
0x9e: {  	_ =	swait.ge [sflag:s22], s20  }
0x9f: {  	s4 =	ssub.s32 $0x0, s20;
	[sflag:s22] =	ssyncset.done $0x0  }
0xa0: {  	[sflag:s22] =	ssyncadd.s32 s4;
	_ =	sdelay $0x1  }
0xa1: {  	s23 =	simm.s32 $0x1B8B  }
0xa2: {  	_ =	swait.ge [sflag:s23], $0x1  }
0xa3: {  	[sflag:s23] =	ssyncset.done $0x0  }
0xa4: {  	s25 =	simm.s32 $0x1B8E;
	s24 =	sld [smem:$0x3FFE];
	[sflag:s23] =	ssyncadd.s32 $0xFFFFFFFF  }
0xa5: {  	s26 =	simm.s32 $execute0_lowered;
	[smem:$0x3FD2] =	sst s25  }
0xa6: {  	s5 =	sshll.u32 s26, $0x1;
	_ =	strace $0x80000049;
	[dreg:$0x1] =	wrdreg $0xFFFFFFFF  }
0xa7: {  	s28 =	simm.s32 $_size_execute0_lowered;
	s3 =	sadd.s32 s3, s5;
	[dreg:$0x0] =	wrdreg $0x0  }
0xa8: {  	s5 =	sshll.u32 s28, $0x1;
	[dreg:$0x2] =	wrdreg s3  }
0xa9: {  	[dreg:$0x3] =	wrdreg s5  }
0xaa: {  	[dreg:$0x4] =	wrdreg $0xC0  }
0xab: {  	_ =	task [dreg:s7], $0x5FFFF  }
0xac: {  	[dreg:$0x1] =	wrdreg $0xFFFFFFFF  }
0xad: {  	[dreg:$0x0] =	wrdreg $0x60  }
0xae: {  	[dreg:$0x2] =	wrdreg s2  }
0xaf: {  	[dreg:$0x3] =	wrdreg s24  }
0xb0: {  	[dreg:$0x4] =	wrdreg $0x52000  }
0xb1: {  	[dreg:$0x5] =	wrdreg $0x9  }
0xb2: {  	_ =	task.clear_ibuf [dreg:s7], $0x6FFFF;
	_ =	strace $0x90000049  }
0xb3: {  	s29 =	simm.s32 $0x9;
	_ =	strace $0x8000004B  }
0xb4: {  	_ =	swait.ge [sflag:s29], $0x1  }
0xb5: {  	[sflag:s29] =	ssyncadd.s32 $0xFFFFFFFF  }
0xb6: {  	_ =	strace $0x9000004B  }
0xb7: {  	_ =	sfence  }
0xb8: {  	s30 =	sld [smem:$0x0];
	_ =	sdelay $0x2  }
0xb9: {  	s31 =	sshll.u32 s1, $0xD;
	s1 =	sshrl.u32 s1, $0x2  }
0xba: {  	s3 =	sand.u32 $0x4000, s31;
	s1 =	sadd.s32 s1, s30  }
0xbb: {  	s0 =	sor.u32 s3, s0;
	s1 =	sshll.u32 s1, $0x11  }
0xbc: {  	s0 =	sor.u32 s1, s0  }
0xbd: {  	s0 =	sadd.s32 $0x8F2B, s0  }
0xbe: {  	[sflag:s0] =	ssyncadd.remote.s32 $0x1  }
0xbf: {  	_ =	sfence.sel $0xFFFF  }
0xc0: {  	[dreg:$0x0] =	wrdreg $0xFFFFFFFF;
	(pc) =	sbr.abs _section_cstart, $3  }
0xc1: {  	[dreg:$0x1] =	wrdreg $0xFFFFFFFF  }
0xc2: {  	_ =	task.clear_ibuf [dreg:s7], $0x2FFFF;
	_ =	strace $0x9FFFFFFF  }
0xc3: {  	(tm) =	ssettm $0x7FFFFFFF  }
tec
execute0_lowered:
.L_overlay_start_1:
0x0: {  	(tag) =	ssettag $0x1  }
0x1: {  	s0 =	rddreg [dreg:$0x0]  }
0x2: {  	s1 =	rddreg [dreg:$0x1]  }
0x3: {  	s2 =	srdreg.scid;
	s3 =	rddreg [dreg:$0x2]  }
0x4: {  	s10 =	stileid.u32;
	s4 =	simm.s32 $0x0;
	s28 =	simm.s32 $0x5  }
0x5: {  	s29 =	simm.s32 $0x100;
	s30 =	simm.s32 $0x80;
	s6 =	smul.u32 $0x14000, s10  }
0x6: {  	s31 =	simm.s32 $0x180;
	s2 =	sand.u32 $0x1, s2;
	s8 =	smul.u32 $0x50000, s10  }
0x7: {  	[smem:$0x7FF] =	sst s4;
	s13 =	smul.u32 $0x2710, s10;
	s10 =	simm.s32 $0x3  }
0x8: {  	s5 =	smul.u32 $0x140000, s2;
	_ =	strace $0x8000004A;
	s12 =	ssub.s32 $0x2, s2  }
0x9: {  	s2 =	smul.u32 $0x27100, s2;
	s9 =	sshrl.u32 s12, $0x1;
	s8 =	sshrl.u32 s8, $0x2  }
0xa: {  	s6 =	sadd.s32 s6, s5;
	s5 =	sadd.s32 $0x3800, s1;
	s9 =	ssub.s32 s12, s9  }
0xb: {  	s2 =	sadd.s32 s13, s2;
	s12 =	simm.s32 $0x0;
	s7 =	sshrl.u32 s6, $0x3  }
0xc: {  	s6 =	sadd.s32 $0xD600, s1;
	s21 =	sshrl.u32 s2, $0x3;
	s25 =	sadd.s32 $0xF0, s2  }
0xd: {  	s1 =	sadd.s32 s7, s1;
	s7 =	sadd.s32 s8, s3;
	s22 =	sadd.s32 s5, s21  }
0xe: {  	s23 =	sadd.s32 s6, s21;
	s24 =	sadd.s32 $0xA, s21;
	[dreg:$0xb] =	wrdreg s22  }
0xf: {  	s8 =	sadd.s32 $0x4D8, s21;
	s14 =	sadd.s32 $0x2800, s7;
	[dreg:$0xc] =	wrdreg s23  }
0x10: {  	s26 =	sshrl.u32 s25, $0x3;
	s15 =	sadd.s32 $0x5000, s7;
	[dreg:$0x4] =	wrdreg s14  }
0x11: {  	s25 =	sadd.s32 $0xA0, s2;
	s16 =	sadd.s32 $0x7800, s7;
	[dreg:$0x5] =	wrdreg s15  }
0x12: {  	s2 =	simm.s32 $0x50;
	s17 =	sadd.s32 $0xA000, s7;
	[dreg:$0x6] =	wrdreg s16  }
0x13: {  	s18 =	sadd.s32 $0xC800, s7;
	s19 =	sadd.s32 $0xF000, s7;
	[dreg:$0x7] =	wrdreg s17  }
0x14: {  	s20 =	sadd.s32 $0x11800, s7;
	s11 =	sadd.s32 s5, s24;
	[dreg:$0x8] =	wrdreg s18  }
0x15: {  	s21 =	sadd.s32 $0x17400, s1;
	s22 =	smax.u32 s9, $0x1;
	[dreg:$0x9] =	wrdreg s19  }
0x16: {  	s23 =	sadd.s32 s26, s6;
	s1 =	simm.s32 $0x1;
	[dreg:$0xa] =	wrdreg s20  }
0x17: {  	s9 =	simm.s32 $0x2A00;
	[dreg:$0xd] =	wrdreg s11;
	s18 =	sadd.s32 s6, s24  }
0x18: {  	s19 =	sadd.s32 s5, s8;
	s20 =	sadd.s32 s6, s8;
	s24 =	sadd.s32 s26, s5  }
0x19: {  	v0 =	vimm.f32 $0.0e+00;
	s26 =	simm.s32 $0x200;
	s8 =	simm.s32 $0x2;
	s11 =	simm.s32 $0x4  }
.LBB2_1:
0x1a: {  	s13 =	sand.u32 $0xFE00, s4  }
0x1b: {  	s14 =	sand.u32 $0x70, s4;
	s15 =	sshrl.u32 s13, $0x2  }
0x1c: {  	s13 =	simm.s32 $0x40;
	s15 =	sor.u32 s14, s15;
	s14 =	simm.s32 $0x0  }
.LBB2_2:
0x1d: {  	p0 =	sne.s32 s13, $0x9FC0  }
0x1e: {  	[tilespmem:s15+$0x200] =	vst v0;
	s14 =	sadd.s32 $0x10, s14;
	s15 =	smov.u32 s13;
	s13 =	sadd.s32 $0x40, s13  }
.Ltmp0:
0x1f: {  	(pc) =	sbr.rel @p0 .LBB2_2-.Ltmp0, $4  }
0x20: {  	_ = 	snop  }
0x21: {  	s15 =	sand.u32 $0xFE00, s15  }
0x22: {  	s16 =	sand.u32 $0x70, s14;
	s15 =	sshrl.u32 s15, $0x2  }
0x23: {  	s15 =	sor.u32 s16, s15  }
0x24: {  	[tilespmem:s15+$0x200] =	vst v0  }
0x25: {  	[spmem:s7] =	stream.linear.scatter [tilespmem:s26], [sflag:$0x5], $0x2800, $0x38;
	[tilespmem:$0x19200] =	vst v63  }
0x26: {  	_ =	swait.ge [sflag:s28], $0x2800  }
0x27: {  	[sflag:s28] =	ssyncset.done $0x0  }
0x28: {  	s13 =	rddreg [dreg:$0x4];
	[sflag:s28] =	ssyncadd.s32 $0xFFFFD800  }
0x29: {  	[spmem:s13] =	stream.linear.scatter [tilespmem:s26], [sflag:$0x5], $0x2800, $0x38;
	[tilespmem:$0x19200] =	vst v63  }
0x2a: {  	_ =	swait.ge [sflag:s28], $0x2800  }
0x2b: {  	[sflag:s28] =	ssyncset.done $0x0  }
0x2c: {  	s17 =	rddreg [dreg:$0x5];
	[sflag:s28] =	ssyncadd.s32 $0xFFFFD800  }
0x2d: {  	[spmem:s17] =	stream.linear.scatter [tilespmem:s26], [sflag:$0x5], $0x2800, $0x38;
	[tilespmem:$0x19200] =	vst v63  }
0x2e: {  	_ =	swait.ge [sflag:s28], $0x2800  }
0x2f: {  	[sflag:s28] =	ssyncset.done $0x0  }
0x30: {  	s14 =	rddreg [dreg:$0x6];
	[sflag:s28] =	ssyncadd.s32 $0xFFFFD800  }
0x31: {  	[spmem:s14] =	stream.linear.scatter [tilespmem:s26], [sflag:$0x5], $0x2800, $0x38;
	[tilespmem:$0x19200] =	vst v63  }
0x32: {  	_ =	swait.ge [sflag:s28], $0x2800  }
0x33: {  	[sflag:s28] =	ssyncset.done $0x0  }
0x34: {  	s15 =	rddreg [dreg:$0x7];
	[sflag:s28] =	ssyncadd.s32 $0xFFFFD800  }
0x35: {  	[spmem:s15] =	stream.linear.scatter [tilespmem:s26], [sflag:$0x5], $0x2800, $0x38;
	[tilespmem:$0x19200] =	vst v63  }
0x36: {  	_ =	swait.ge [sflag:s28], $0x2800  }
0x37: {  	[sflag:s28] =	ssyncset.done $0x0  }
0x38: {  	s16 =	rddreg [dreg:$0x8];
	[sflag:s28] =	ssyncadd.s32 $0xFFFFD800  }
0x39: {  	[spmem:s16] =	stream.linear.scatter [tilespmem:s26], [sflag:$0x5], $0x2800, $0x38;
	[tilespmem:$0x19200] =	vst v63  }
0x3a: {  	_ =	swait.ge [sflag:s28], $0x2800  }
0x3b: {  	[sflag:s28] =	ssyncset.done $0x0  }
0x3c: {  	s17 =	rddreg [dreg:$0x9];
	[sflag:s28] =	ssyncadd.s32 $0xFFFFD800  }
0x3d: {  	[spmem:s17] =	stream.linear.scatter [tilespmem:s26], [sflag:$0x5], $0x2800, $0x38;
	[tilespmem:$0x19200] =	vst v63  }
0x3e: {  	_ =	swait.ge [sflag:s28], $0x2800  }
0x3f: {  	[sflag:s28] =	ssyncset.done $0x0  }
0x40: {  	s14 =	rddreg [dreg:$0xa];
	[sflag:s28] =	ssyncadd.s32 $0xFFFFD800  }
0x41: {  	[spmem:s14] =	stream.linear.scatter [tilespmem:s26], [sflag:$0x5], $0x2800, $0x38;
	[tilespmem:$0x19200] =	vst v63  }
0x42: {  	_ =	swait.ge [sflag:s28], $0x2800  }
0x43: {  	[sflag:s28] =	ssyncset.done $0x0  }
0x44: {  	[sflag:s28] =	ssyncadd.s32 $0xFFFFD800  }
0x45: {  	[bflag:$0x0] =	sbarrier.arrive $0xFFFF  }
0x46: {  	s15 =	simm.s32 $0x0;
	s14 =	rddreg [dreg:$0xb]  }
0x47: {  	[tilespmem:s15], [sflag:$0x1] =	stream.linear.gather [hbm4b:s14+s15], $0x50, $0x38;
	[tilespmem:$0x19200] =	vst v63  }
0x48: {  	s16 =	rddreg [dreg:$0xc]  }
0x49: {  	[tilespmem:s29], [sflag:$0x1] =	stream.linear.gather [hbm4b:s16+s15], $0x50, $0x38;
	[tilespmem:$0x19200] =	vst v63  }
0x4a: {  	s17 =	rddreg [dreg:$0xd]  }
0x4b: {  	[tilespmem:s30], [sflag:$0x2] =	stream.linear.gather [hbm4b:s17+s15], $0x50, $0x38;
	[tilespmem:$0x19200] =	vst v63  }
0x4c: {  	_ = 	snop  }
0x4d: {  	[tilespmem:s31], [sflag:$0x2] =	stream.linear.gather [hbm4b:s18+s15], $0x50, $0x38;
	[tilespmem:$0x19200] =	vst v63  }
0x4e: {  	_ =	swait.ge [sflag:s1], $0x50  }
0x4f: {  	[sflag:s1] =	ssyncset.done $0x0  }
0x50: {  	[sflag:s1] =	ssyncadd.s32 $0xFFFFFFB0  }
0x51: {  	_ =	swait.ge [sflag:s1], $0x50  }
0x52: {  	[sflag:s1] =	ssyncset.done $0x0  }
0x53: {  	[sflag:s1] =	ssyncadd.s32 $0xFFFFFFB0  }
0x54: {  	[tilespmem:s26], [sflag:$0x3] =	stream.indirect.gather [hbm4b:s0+s2], $0x80, s15, s2, $0xb8;
	[tilespmem:$0x19200] =	vst v63  }
0x55: {  	_ =	swait.ge [sflag:s8], $0x50  }
0x56: {  	[sflag:s8] =	ssyncset.done $0x0  }
0x57: {  	[sflag:s8] =	ssyncadd.s32 $0xFFFFFFB0  }
0x58: {  	_ =	swait.ge [sflag:s8], $0x50  }
0x59: {  	[sflag:s8] =	ssyncset.done $0x0  }
0x5a: {  	[sflag:s8] =	ssyncadd.s32 $0xFFFFFFB0  }
0x5b: {  	[tilespmem:s9], [sflag:$0x4] =	stream.indirect.gather [hbm4b:s0+s2], $0x80, s30, s2, $0xb8;
	[tilespmem:$0x19200] =	vst v63  }
0x5c: {  	_ =	swait.ge [sflag:s10], $0x2800  }
0x5d: {  	[sflag:s10] =	ssyncset.done $0x0  }
0x5e: {  	[sflag:s10] =	ssyncadd.s32 $0xFFFFD800  }
0x5f: {  	[spmem:s3] =	stream.indirect.scatter.add.f32 [tilespmem:s26], [sflag:$0x5], $0x80, s29, s2, $0xb8;
	[tilespmem:$0x19200] =	vst v63  }
0x60: {  	_ =	swait.ge [sflag:s28], $0x2800  }
0x61: {  	s15 =	sshrl.u32 s25, $0x3;
	[sflag:s28] =	ssyncset.done $0x0  }
0x62: {  	s16 =	sadd.s32 s5, s15;
	[sflag:s28] =	ssyncadd.s32 $0xFFFFD800  }
0x63: {  	[tilespmem:s4], [sflag:$0x1] =	stream.linear.gather [hbm4b:s16+s4], $0x50, $0x38;
	[tilespmem:$0x19200] =	vst v63  }
0x64: {  	s13 =	sadd.s32 s6, s15  }
0x65: {  	[tilespmem:s29], [sflag:$0x1] =	stream.linear.gather [hbm4b:s13+s4], $0x50, $0x38;
	[tilespmem:$0x19200] =	vst v63  }
0x66: {  	_ =	swait.ge [sflag:s1], $0x50  }
0x67: {  	[sflag:s1] =	ssyncset.done $0x0  }
0x68: {  	[sflag:s1] =	ssyncadd.s32 $0xFFFFFFB0  }
0x69: {  	_ =	swait.ge [sflag:s1], $0x50  }
0x6a: {  	[sflag:s1] =	ssyncset.done $0x0  }
0x6b: {  	[sflag:s1] =	ssyncadd.s32 $0xFFFFFFB0  }
0x6c: {  	[tilespmem:s26], [sflag:$0x3] =	stream.indirect.gather [hbm4b:s0+s2], $0x80, s4, s2, $0xb8;
	[tilespmem:$0x19200] =	vst v63  }
0x6d: {  	_ =	swait.ge [sflag:s11], $0x2800  }
0x6e: {  	[sflag:s11] =	ssyncset.done $0x0  }
0x6f: {  	[sflag:s11] =	ssyncadd.s32 $0xFFFFD800  }
0x70: {  	[spmem:s3] =	stream.indirect.scatter.add.f32 [tilespmem:s9], [sflag:$0x5], $0x80, s31, s2, $0xb8;
	[tilespmem:$0x19200] =	vst v63  }
0x71: {  	_ =	swait.ge [sflag:s28], $0x2800  }
0x72: {  	s14 =	sadd.s32 $0xA0, s25;
	s17 =	sadd.s32 $0x0, s24;
	[sflag:s28] =	ssyncset.done $0x0  }
0x73: {  	s15 =	sadd.s32 $0x0, s23;
	s13 =	simm.s32 $0x14;
	[sflag:s28] =	ssyncadd.s32 $0xFFFFD800  }
0x74: {  	[tilespmem:s30], [sflag:$0x2] =	stream.linear.gather [hbm4b:s17+s4], $0x50, $0x38;
	[tilespmem:$0x19200] =	vst v63  }
.LBB2_4:
0x75: {  	[tilespmem:s31], [sflag:$0x2] =	stream.linear.gather [hbm4b:s15+s4], $0x50, $0x38;
	[tilespmem:$0x19200] =	vst v63  }
0x76: {  	s15 =	smov.u32 s13  }
0x77: {  	p0 =	sne.s32 s13, $0x4B0;
	s13 =	sadd.s32 $0x14, s13;
	_ =	swait.ge [sflag:s8], $0x50  }
0x78: {  	[sflag:s8] =	ssyncset.done $0x0  }
0x79: {  	[sflag:s8] =	ssyncadd.s32 $0xFFFFFFB0  }
0x7a: {  	_ =	swait.ge [sflag:s8], $0x50  }
0x7b: {  	[sflag:s8] =	ssyncset.done $0x0  }
0x7c: {  	[sflag:s8] =	ssyncadd.s32 $0xFFFFFFB0  }
0x7d: {  	[tilespmem:s9], [sflag:$0x4] =	stream.indirect.gather [hbm4b:s0+s2], $0x80, s30, s2, $0xb8;
	[tilespmem:$0x19200] =	vst v63  }
0x7e: {  	_ =	swait.ge [sflag:s10], $0x2800  }
0x7f: {  	[sflag:s10] =	ssyncset.done $0x0  }
0x80: {  	[sflag:s10] =	ssyncadd.s32 $0xFFFFD800  }
0x81: {  	[spmem:s3] =	stream.indirect.scatter.add.f32 [tilespmem:s26], [sflag:$0x5], $0x80, s29, s2, $0xb8;
	[tilespmem:$0x19200] =	vst v63  }
0x82: {  	_ =	swait.ge [sflag:s28], $0x2800  }
0x83: {  	s16 =	sshrl.u32 s14, $0x3;
	[sflag:s28] =	ssyncset.done $0x0  }
0x84: {  	s17 =	sadd.s32 s5, s16;
	[sflag:s28] =	ssyncadd.s32 $0xFFFFD800  }
0x85: {  	[tilespmem:s4], [sflag:$0x1] =	stream.linear.gather [hbm4b:s17+s4], $0x50, $0x38;
	[tilespmem:$0x19200] =	vst v63  }
0x86: {  	s16 =	sadd.s32 s6, s16  }
0x87: {  	[tilespmem:s29], [sflag:$0x1] =	stream.linear.gather [hbm4b:s16+s4], $0x50, $0x38;
	[tilespmem:$0x19200] =	vst v63  }
0x88: {  	_ =	swait.ge [sflag:s1], $0x50  }
0x89: {  	[sflag:s1] =	ssyncset.done $0x0  }
0x8a: {  	[sflag:s1] =	ssyncadd.s32 $0xFFFFFFB0  }
0x8b: {  	_ =	swait.ge [sflag:s1], $0x50  }
0x8c: {  	[sflag:s1] =	ssyncset.done $0x0  }
0x8d: {  	[sflag:s1] =	ssyncadd.s32 $0xFFFFFFB0  }
0x8e: {  	[tilespmem:s26], [sflag:$0x3] =	stream.indirect.gather [hbm4b:s0+s2], $0x80, s4, s2, $0xb8;
	[tilespmem:$0x19200] =	vst v63  }
0x8f: {  	_ =	swait.ge [sflag:s11], $0x2800  }
0x90: {  	[sflag:s11] =	ssyncset.done $0x0  }
0x91: {  	[sflag:s11] =	ssyncadd.s32 $0xFFFFD800  }
0x92: {  	[spmem:s3] =	stream.indirect.scatter.add.f32 [tilespmem:s9], [sflag:$0x5], $0x80, s31, s2, $0xb8;
	[tilespmem:$0x19200] =	vst v63  }
.Ltmp1:
0x93: {  	_ =	swait.ge [sflag:s28], $0x2800;
	(pc) =	sbr.rel @p0 .LBB2_4-.Ltmp1, $4  }
0x94: {  	[sflag:s28] =	ssyncset.done $0x0  }
0x95: {  	s16 =	sadd.s32 s15, s24;
	[sflag:s28] =	ssyncadd.s32 $0xFFFFD800  }
0x96: {  	[tilespmem:s30], [sflag:$0x2] =	stream.linear.gather [hbm4b:s16+s4], $0x50, $0x38;
	[tilespmem:$0x19200] =	vst v63  }
0x97: {  	s14 =	sadd.s32 $0xA0, s14;
	s15 =	sadd.s32 s15, s23  }
0x98: {  	[tilespmem:s31], [sflag:$0x2] =	stream.linear.gather [hbm4b:s15+s4], $0x50, $0x38;
	[tilespmem:$0x19200] =	vst v63  }
0x99: {  	_ =	swait.ge [sflag:s8], $0x50  }
0x9a: {  	[sflag:s8] =	ssyncset.done $0x0  }
0x9b: {  	[sflag:s8] =	ssyncadd.s32 $0xFFFFFFB0  }
0x9c: {  	_ =	swait.ge [sflag:s8], $0x50  }
0x9d: {  	[sflag:s8] =	ssyncset.done $0x0  }
0x9e: {  	[sflag:s8] =	ssyncadd.s32 $0xFFFFFFB0  }
0x9f: {  	[tilespmem:s9], [sflag:$0x4] =	stream.indirect.gather [hbm4b:s0+s2], $0x80, s30, s2, $0xb8;
	[tilespmem:$0x19200] =	vst v63  }
0xa0: {  	_ =	swait.ge [sflag:s10], $0x2800  }
0xa1: {  	[sflag:s10] =	ssyncset.done $0x0  }
0xa2: {  	[sflag:s10] =	ssyncadd.s32 $0xFFFFD800  }
0xa3: {  	[spmem:s3] =	stream.indirect.scatter.add.f32 [tilespmem:s26], [sflag:$0x5], $0x80, s29, s2, $0xb8;
	[tilespmem:$0x19200] =	vst v63  }
0xa4: {  	_ =	swait.ge [sflag:s28], $0x2800  }
0xa5: {  	[sflag:s28] =	ssyncset.done $0x0  }
0xa6: {  	[sflag:s28] =	ssyncadd.s32 $0xFFFFD800  }
0xa7: {  	[tilespmem:s4], [sflag:$0x1] =	stream.linear.gather [hbm4b:s19+s4], $0x50, $0x38;
	[tilespmem:$0x19200] =	vst v63  }
0xa8: {  	_ = 	snop  }
0xa9: {  	[tilespmem:s29], [sflag:$0x1] =	stream.linear.gather [hbm4b:s20+s4], $0x50, $0x38;
	[tilespmem:$0x19200] =	vst v63  }
0xaa: {  	_ =	swait.ge [sflag:s1], $0x50  }
0xab: {  	[sflag:s1] =	ssyncset.done $0x0  }
0xac: {  	[sflag:s1] =	ssyncadd.s32 $0xFFFFFFB0  }
0xad: {  	_ =	swait.ge [sflag:s1], $0x50  }
0xae: {  	[sflag:s1] =	ssyncset.done $0x0  }
0xaf: {  	[sflag:s1] =	ssyncadd.s32 $0xFFFFFFB0  }
0xb0: {  	[tilespmem:s26], [sflag:$0x3] =	stream.indirect.gather [hbm4b:s0+s2], $0x80, s4, s2, $0xb8;
	[tilespmem:$0x19200] =	vst v63  }
0xb1: {  	_ =	swait.ge [sflag:s11], $0x2800  }
0xb2: {  	[sflag:s11] =	ssyncset.done $0x0  }
0xb3: {  	[sflag:s11] =	ssyncadd.s32 $0xFFFFD800  }
0xb4: {  	[spmem:s3] =	stream.indirect.scatter.add.f32 [tilespmem:s9], [sflag:$0x5], $0x80, s31, s2, $0xb8;
	[tilespmem:$0x19200] =	vst v63  }
0xb5: {  	_ =	swait.ge [sflag:s28], $0x2800  }
0xb6: {  	[sflag:s28] =	ssyncset.done $0x0  }
0xb7: {  	[sflag:s28] =	ssyncadd.s32 $0xFFFFD800  }
0xb8: {  	_ =	swait.ge [sflag:s10], $0x2800  }
0xb9: {  	[sflag:s10] =	ssyncset.done $0x0  }
0xba: {  	[sflag:s10] =	ssyncadd.s32 $0xFFFFD800  }
0xbb: {  	[spmem:s3] =	stream.indirect.scatter.add.f32 [tilespmem:s26], [sflag:$0x5], $0x80, s29, s2, $0xb8;
	[tilespmem:$0x19200] =	vst v63  }
0xbc: {  	s13 =	stileid.u32;
	_ =	swait.ge [sflag:s28], $0x2800  }
0xbd: {  	s14 =	sshrl.u32 s7, $0x3;
	s12 =	sadd.s32 $0x1, s12;
	[sflag:s28] =	ssyncset.done $0x0  }
0xbe: {  	s13 =	sshll.u32 s13, $0x6;
	p0 =	sne.s32 s12, s22;
	[sflag:s28] =	ssyncadd.s32 $0xFFFFD800  }
.Ltmp2:
0xbf: {  	s13 =	sor.u32 $0x1C05, s13;
	[bflag:$0x0] =	sbarrier.arrive $0xFFFF;
	(pc) =	sbr.rel @p0 .LBB2_1-.Ltmp2, $4  }
0xc0: {  	[hbm:s21], [sflag:s13] =	dma.local [spmem:s14], $0x2800  }
0xc1: {  	_ =	swait.ge [sflag:s28], $0x2800  }
0xc2: {  	[sflag:s28] =	ssyncset.done $0x0  }
0xc3: {  	[sflag:s28] =	ssyncadd.s32 $0xFFFFD800  }
0xc4: {  	_ =	sfence.sel $0x180000  }
0xc5: {  	[bflag:$0x0] =	sbarrier.arrive $0xFFFF  }
0xc6: {  	_ =	strace $0x9000004A  }
0xc7: {  	s0 =	stileid.u32;
	[bflag:$0x2] =	sbarrier.arrive $0xFFFF  }
0xc8: {  	p0 =	sne.s32 s0, $0x0;
	s0 =	rddreg [dreg:$0x3]  }
0xc9: {  	s0 =	sadd.s32 @!p0 $0x100000, s0  }
0xca: {  	[sflag:s0] =	ssyncadd.tile.s32 @!p0 $0x1;
	_ =	shalt  }
.Lfunc_end2:
_tile_overlayer_lowered:
.L_overlay_start_2:
0xcb: {  	(tag) =	ssettag $0x2  }
0xcc: {  	s0 =	rddreg [dreg:$0x0];
	s2 =	stileid.u32  }
0xcd: {  	s1 =	rddreg [dreg:$0x1];
	p0 =	sne.s32 s2, $0x0  }
0xce: {  	s3 =	rddreg [dreg:$0x2];
	[bflag:$0x3] =	sbarrier.arrive $0xFFFF;
	s2 =	simm.s32 @!p0 $0x1C05  }
0xcf: {  	[timem:s3], [sflag:s2] =	dma.local @!p0 [hbm:s0], s1  }
0xd0: {  	s0 =	simm.s32 @!p0 $0x5  }
0xd1: {  	_ =	swait.ge @!p0 [sflag:s0], s1  }
0xd2: {  	s1 =	ssub.s32 @!p0 $0x0, s1;
	[sflag:s0] =	ssyncset.done @!p0 $0x0  }
0xd3: {  	[sflag:s0] =	ssyncadd.s32 @!p0 s1  }
0xd4: {  	[bflag:$0x3] =	sbarrier.arrive $0xFFFF  }
0xd5: {  	_ =	shalt  }

// kernel: kernel.16.cloned.1.call-start
scs
__scs_entry_jumppad:
0x0: {  	(pc) =	sbr.rel $0x88, $3  }
0x1: {  	(tag) =	ssettag $0x0;
	lr =	simm.s32 $0x1  }
0x2: {  	[smem:$0x3F92] =	sst lr;
	_ =	strace $0xD0000000  }
0x3: {  	_ = 	snop  }
0x4: {  	_ = 	snop  }
0x5: {  	_ = 	snop  }
0x6: {  	_ = 	snop  }
0x7: {  	_ = 	snop  }
__scs_overlays_trampoline_lowered:
0x8: {  	[smem:$0x3FA1] =	sst s0  }
0x9: {  	[smem:$0x3FA2] =	sst s1  }
0xa: {  	[smem:$0x3FA3] =	sst s2  }
0xb: {  	[smem:$0x3FA4] =	sst s3  }
0xc: {  	[smem:$0x3FA5] =	sst s4  }
0xd: {  	[smem:$0x3FA6] =	sst s5  }
0xe: {  	[smem:$0x3FA7] =	sst s6  }
0xf: {  	[smem:$0x3FA8] =	sst s7  }
0x10: {  	[smem:$0x3FA9] =	sst s8  }
0x11: {  	[smem:$0x3FAA] =	sst s9;
	s0 =	simm.s32 @!p0 $0x0  }
0x12: {  	s1 =	sld [smem:$0x3F90];
	s0 =	simm.s32 @p0 $0x1  }
0x13: {  	[smem:$0x3FAB] =	sst s0;
	s0 =	simm.s32 @!p1 $0x0  }
0x14: {  	s2 =	sld [smem:$0x3F8F];
	s0 =	simm.s32 @p1 $0x1  }
0x15: {  	[smem:$0x3FAC] =	sst s0;
	s0 =	simm.s32 @!p2 $0x0  }
0x16: {  	s3 =	sld [smem:$0x3FDB];
	s0 =	simm.s32 @p2 $0x1  }
0x17: {  	s4 =	simm.s32 $0x1BF5;
	[smem:$0x3FAE] =	sst s0  }
0x18: {  	s0 =	sld [smem:$0x3F91];
	_ =	swait.ge [sflag:s4], $0x0  }
0x19: {  	s7 =	sld [smem:$0x3F92]  }
0x1a: {  	s8 =	sadd.s32 $0xFFFFE003, lr  }
0x1b: {  	s9 =	sadd.s32 $0xFFFFFEF7, lr;
	s5 =	simm.s32 $0xFFFFFFFF;
	p2 =	slt.u32 s8, $0xFFFFF086  }
0x1c: {  	p1 =	slt.u32 s9, $0xF7A;
	s5 =	simm.s32 @!p2 $0x0  }
0x1d: {  	s5 =	simm.s32 @p1 $0x1;
	p0 =	seq.s32 s7, s2  }
0x1e: {  	s7 =	smul.u32 @!p0 $0xF7A, s2;
	p2 =	seq.s32 @!p0 s5, $0x0  }
0x1f: {  	s9 =	smul.u32 $0xF7A, s1;
	s8 =	simm.s32 @!p0 $0x1BF5;
	p2 =	por !p2, p0  }
0x20: {  	[sflag:s8] =	ssyncset.s32 @!p0 $0xFFFFF086;
	s6 =	sadd.s32 @!p0 s3, s7;
	s7 =	simm.s32 @!p0 $0x108  }
0x21: {  	s3 =	sadd.s32 s3, s9;
	s6 =	sadd.s32 @!p0 $0x88, s6;
	s7 =	simm.s32 @p2 $0x1082  }
0x22: {  	[simem:s7], [sflag:s8] =	dma.local @!p0 [hbm:s6], $0xF7A  }
0x23: {  	s9 =	sor.u32 $0xD0000000, s2;
	s6 =	simm.s32 $0x108;
	_ =	swait.ge @!p0 [sflag:s8], $0x0  }
0x24: {  	s3 =	sadd.s32 $0x88, s3;
	s6 =	simm.s32 @!p1 $0x1082;
	[sflag:s4] =	ssyncset.s32 $0xFFFFF086  }
0x25: {  	[simem:s6], [sflag:s4] =	dma.local [hbm:s3], $0xF7A  }
0x26: {  	[smem:$0x3F92] =	sst s1;
	(tag) =	ssettag s2;
	_ =	strace s9  }
0x27: {  	s1 =	sld [smem:$0x3FA2]  }
0x28: {  	s2 =	sld [smem:$0x3FA3]  }
0x29: {  	s4 =	sld [smem:$0x3FA5]  }
0x2a: {  	p0 =	seq.s32 s5, $0x0;
	s5 =	sld [smem:$0x3FA6]  }
0x2b: {  	s6 =	sld [smem:$0x3FA7]  }
0x2c: {  	s7 =	sld [smem:$0x3FA8]  }
0x2d: {  	s3 =	simm.s32 $0x108;
	s8 =	sld [smem:$0x3FA9]  }
0x2e: {  	s3 =	simm.s32 @!p0 $0x1082;
	s9 =	sld [smem:$0x3FAA]  }
0x2f: {  	lr =	sadd.s32 s0, s3;
	s0 =	sld [smem:$0x3FA1]  }
0x30: {  	s3 =	sld [smem:$0x3FA4]  }
0x31: {  	[smem:$0x3FAD] =	sst s10  }
0x32: {  	s10 =	sld [smem:$0x3FAB];
	_ =	sdelay $0x3  }
0x33: {  	p0 =	seq.s32 s10, $0x1;
	s10 =	sld [smem:$0x3FAD];
	_ =	sdelay $0x3  }
0x34: {  	[smem:$0x3FAD] =	sst s10  }
0x35: {  	s10 =	sld [smem:$0x3FAC];
	_ =	sdelay $0x3  }
0x36: {  	p1 =	seq.s32 s10, $0x1;
	s10 =	sld [smem:$0x3FAD];
	_ =	sdelay $0x3  }
0x37: {  	[smem:$0x3FAD] =	sst s10  }
0x38: {  	s10 =	sld [smem:$0x3FAE]  }
0x39: {  	_ = 	snop;
	(pc) =	sbr.ind lr, $3  }
0x3a: {  	_ = 	snop  }
0x3b: {  	_ = 	snop  }
0x3c: {  	p2 =	seq.s32 s10, $0x1;
	s10 =	sld [smem:$0x3FAD]  }
0x3d: {  	_ =	shalt  }
0x3e: {  	_ =	shalt  }
0x3f: {  	_ =	shalt  }
0x40: {  	_ =	shalt  }
0x41: {  	_ =	shalt  }
0x42: {  	_ =	shalt  }
0x43: {  	_ =	shalt  }
0x44: {  	_ =	shalt  }
0x45: {  	_ =	shalt  }
0x46: {  	_ =	shalt  }
0x47: {  	_ =	shalt  }
0x48: {  	_ =	shalt  }
0x49: {  	_ =	shalt  }
0x4a: {  	_ =	shalt  }
0x4b: {  	_ =	shalt  }
0x4c: {  	_ =	shalt  }
0x4d: {  	_ =	shalt  }
0x4e: {  	_ =	shalt  }
0x4f: {  	_ =	shalt  }
0x50: {  	_ =	shalt  }
0x51: {  	_ =	shalt  }
0x52: {  	_ =	shalt  }
0x53: {  	_ =	shalt  }
0x54: {  	_ =	shalt  }
0x55: {  	_ =	shalt  }
0x56: {  	_ =	shalt  }
0x57: {  	_ =	shalt  }
0x58: {  	_ =	shalt  }
0x59: {  	_ =	shalt  }
0x5a: {  	_ =	shalt  }
0x5b: {  	_ =	shalt  }
0x5c: {  	_ =	shalt  }
0x5d: {  	_ =	shalt  }
0x5e: {  	_ =	shalt  }
0x5f: {  	_ =	shalt  }
0x60: {  	_ =	shalt  }
0x61: {  	_ =	shalt  }
0x62: {  	_ =	shalt  }
0x63: {  	_ =	shalt  }
0x64: {  	_ =	shalt  }
0x65: {  	_ =	shalt  }
0x66: {  	_ =	shalt  }
0x67: {  	_ =	shalt  }
0x68: {  	_ =	shalt  }
0x69: {  	_ =	shalt  }
0x6a: {  	_ =	shalt  }
0x6b: {  	_ =	shalt  }
0x6c: {  	_ =	shalt  }
0x6d: {  	_ =	shalt  }
0x6e: {  	_ =	shalt  }
0x6f: {  	_ =	shalt  }
0x70: {  	_ =	shalt  }
0x71: {  	_ =	shalt  }
0x72: {  	_ =	shalt  }
0x73: {  	_ =	shalt  }
0x74: {  	_ =	shalt  }
0x75: {  	_ =	shalt  }
0x76: {  	_ =	shalt  }
0x77: {  	_ =	shalt  }
0x78: {  	_ =	shalt  }
0x79: {  	_ =	shalt  }
0x7a: {  	_ =	shalt  }
0x7b: {  	_ =	shalt  }
0x7c: {  	_ =	shalt  }
0x7d: {  	_ =	shalt  }
0x7e: {  	_ =	shalt  }
0x7f: {  	_ =	shalt  }
0x80: {  	_ =	shalt  }
0x81: {  	_ =	shalt  }
0x82: {  	_ =	shalt  }
0x83: {  	_ =	shalt  }
0x84: {  	_ =	shalt  }
0x85: {  	_ =	shalt  }
0x86: {  	_ =	shalt  }
0x87: {  	_ =	shalt  }
.Lfunc_end0:
.L_simem_size_0:
called_computation.2_lowered:
.L_overlay_start_0:
0x88: {  	s2 =	sld [smem:$0x3FD9]  }
0x89: {  	s3 =	sld [smem:$0x3FFE];
	_ =	sdelay $0x1  }
0x8a: {  	s1 =	srdreg.scid  }
0x8b: {  	s0 =	sand.u32 $0x1, s1  }
0x8c: {  	s17 =	sshll.u32 s0, $0xA;
	s2 =	sadd.s32 s3, s2  }
0x8d: {  	s2 =	sadd.s32 s2, s17  }
0x8e: {  	[smem:$0x3FB9] =	sst s2  }
0x8f: {  	_ = 	snop  }
0x90: {  	s2 =	sld [smem:$0x3FD0];
	(tm) =	ssettm $0x1  }
0x91: {  	s18 =	sld [smem:$0x3FFB];
	_ =	sdelay $0x3  }
0x92: {  	_ =	strace s18  }
0x93: {  	s3 =	sld [smem:$0x3FFC];
	_ =	sdelay $0x3  }
0x94: {  	_ =	strace s3  }
0x95: {  	s3 =	sld [smem:$0x3FFD];
	_ =	sdelay $0x3  }
0x96: {  	_ =	strace s3  }
0x97: {  	_ =	strace $0x8FFFFFFF  }
0x98: {  	s19 =	sld [smem:$0x3FDB];
	_ =	sdelay $0x1  }
0x99: {  	s4 =	simm.s32 $_scs_section_size  }
0x9a: {  	s5 =	simm.s32 $_size__tile_overlayer_lowered;
	s6 =	simm.s32 $_tile_overlayer_lowered  }
0x9b: {  	s22 =	simm.s32 $0x1BFF;
	s21 =	sshll.u32 s6, $0x1;
	s3 =	sadd.s32 s4, s19  }
0x9c: {  	s7 =	simm.s32 $0x0;
	s20 =	sshll.u32 s5, $0x1;
	s5 =	sadd.s32 s21, s3  }
0x9d: {  	[timem:s7], [sflag:s22] =	dma.local [hbm:s5], s20  }
0x9e: {  	_ =	swait.ge [sflag:s22], s20  }
0x9f: {  	s4 =	ssub.s32 $0x0, s20;
	[sflag:s22] =	ssyncset.done $0x0  }
0xa0: {  	[sflag:s22] =	ssyncadd.s32 s4;
	_ =	sdelay $0x1  }
0xa1: {  	s23 =	simm.s32 $0x1B8B  }
0xa2: {  	_ =	swait.ge [sflag:s23], $0x1  }
0xa3: {  	[sflag:s23] =	ssyncset.done $0x0  }
0xa4: {  	s25 =	simm.s32 $0x1B8E;
	s24 =	sld [smem:$0x3FFE];
	[sflag:s23] =	ssyncadd.s32 $0xFFFFFFFF  }
0xa5: {  	s26 =	simm.s32 $execute0_lowered;
	[smem:$0x3FD2] =	sst s25  }
0xa6: {  	s5 =	sshll.u32 s26, $0x1;
	_ =	strace $0x8000004C;
	[dreg:$0x1] =	wrdreg $0xFFFFFFFF  }
0xa7: {  	s28 =	simm.s32 $_size_execute0_lowered;
	s3 =	sadd.s32 s3, s5;
	[dreg:$0x0] =	wrdreg $0x0  }
0xa8: {  	s5 =	sshll.u32 s28, $0x1;
	[dreg:$0x2] =	wrdreg s3  }
0xa9: {  	[dreg:$0x3] =	wrdreg s5  }
0xaa: {  	[dreg:$0x4] =	wrdreg $0xC0  }
0xab: {  	_ =	task [dreg:s7], $0x5FFFF  }
0xac: {  	[dreg:$0x1] =	wrdreg $0xFFFFFFFF  }
0xad: {  	[dreg:$0x0] =	wrdreg $0x60  }
0xae: {  	[dreg:$0x2] =	wrdreg s2  }
0xaf: {  	[dreg:$0x3] =	wrdreg s24  }
0xb0: {  	[dreg:$0x4] =	wrdreg $0x9  }
0xb1: {  	_ =	task.clear_ibuf [dreg:s7], $0x5FFFF;
	_ =	strace $0x9000004C  }
0xb2: {  	s29 =	simm.s32 $0x9;
	_ =	strace $0x8000004E  }
0xb3: {  	_ =	swait.ge [sflag:s29], $0x1  }
0xb4: {  	[sflag:s29] =	ssyncadd.s32 $0xFFFFFFFF  }
0xb5: {  	_ =	strace $0x9000004E  }
0xb6: {  	_ =	sfence  }
0xb7: {  	s30 =	sld [smem:$0x0];
	_ =	sdelay $0x2  }
0xb8: {  	s31 =	sshll.u32 s1, $0xD;
	s1 =	sshrl.u32 s1, $0x2  }
0xb9: {  	s3 =	sand.u32 $0x4000, s31;
	s1 =	sadd.s32 s1, s30  }
0xba: {  	s0 =	sor.u32 s3, s0;
	s1 =	sshll.u32 s1, $0x11  }
0xbb: {  	s0 =	sor.u32 s1, s0  }
0xbc: {  	s0 =	sadd.s32 $0x8F2B, s0  }
0xbd: {  	[sflag:s0] =	ssyncadd.remote.s32 $0x1  }
0xbe: {  	_ =	sfence.sel $0xFFFF  }
0xbf: {  	[dreg:$0x0] =	wrdreg $0xFFFFFFFF;
	(pc) =	sbr.abs _section_cstart, $3  }
0xc0: {  	[dreg:$0x1] =	wrdreg $0xFFFFFFFF  }
0xc1: {  	_ =	task.clear_ibuf [dreg:s7], $0x2FFFF;
	_ =	strace $0x9FFFFFFF  }
0xc2: {  	(tm) =	ssettm $0x7FFFFFFF  }
0xc3: {  	_ =	shalt  }
tec
execute0_lowered:
.L_overlay_start_1:
0x0: {  	(tag) =	ssettag $0x1  }
0x1: {  	s2 =	rddreg [dreg:$0x0];
	s0 =	srdreg.scid  }
0x2: {  	s5 =	rddreg [dreg:$0x1];
	s29 =	stileid.u32;
	s3 =	simm.s32 $0x0  }
0x3: {  	s14 =	simm.s32 $0x1400;
	s15 =	simm.s32 $0xC8;
	s16 =	simm.s32 $0x2800  }
0x4: {  	s17 =	simm.s32 $0x8C00;
	s18 =	simm.s32 $0x1;
	s19 =	simm.s32 $0x4  }
0x5: {  	s20 =	simm.s32 $0x2;
	s21 =	simm.s32 $0x3;
	s22 =	simm.s32 $0x2530  }
0x6: {  	s23 =	simm.s32 $0x11F8;
	s24 =	simm.s32 $0x25F8;
	s25 =	simm.s32 $0x12C0  }
0x7: {  	s26 =	simm.s32 $0x26C0;
	s28 =	simm.s32 $0x0;
	s7 =	smul.u32 $0x1388, s29  }
0x8: {  	s6 =	sand.u32 $0x1, s0;
	[smem:$0x7FF] =	sst s3;
	s13 =	smul.u32 $0x13880, s29  }
0x9: {  	s10 =	sadd.s32 $0x3E600, s5;
	s4 =	smul.u32 $0x13880, s6;
	s9 =	ssub.s32 $0x2, s6  }
0xa: {  	_ =	strace $0x8000004D;
	s31 =	smul.u32 $0x138800, s6;
	s30 =	sshrl.u32 s9, $0x1  }
0xb: {  	s7 =	sadd.s32 s7, s4;
	s4 =	sadd.s32 $0x17400, s5;
	s11 =	ssub.s32 s9, s30  }
0xc: {  	s8 =	sshrl.u32 s7, $0x3;
	s7 =	sshll.u32 s7, $0x4;
	s11 =	smax.u32 s11, $0x1  }
0xd: {  	s8 =	sadd.s32 s8, s5;
	s12 =	sadd.s32 s10, s7;
	s10 =	sadd.s32 s31, s10  }
0xe: {  	s5 =	sadd.s32 $0x3800, s8;
	s6 =	sadd.s32 $0xD600, s8;
	s7 =	sadd.s32 $0xC80, s12  }
0xf: {  	s8 =	sadd.s32 $0x11300, s12;
	s9 =	sadd.s32 $0x11F80, s12;
	s13 =	sadd.s32 s13, s10  }
0x10: {  	s10 =	sadd.s32 $0x12C00, s12;
	s12 =	sadd.s32 $0xC80, s13;
	s13 =	simm.s32 $0x5  }
.LBB2_1:
0x11: {  	[tilespmem:s3], [sflag:$0x5] =	stream.linear.gather [hbm4b:s5+s3], $0x1388, $0x38;
	[tilespmem:$0xF000] =	vst v63  }
0x12: {  	_ =	swait.ge [sflag:s13], $0x1388  }
0x13: {  	[sflag:s13] =	ssyncset.done $0x0  }
0x14: {  	[sflag:s13] =	ssyncadd.s32 $0xFFFFEC78  }
0x15: {  	[tilespmem:s14], [sflag:$0x5] =	stream.linear.gather [hbm4b:s6+s3], $0x1388, $0x38;
	[tilespmem:$0xF000] =	vst v63  }
0x16: {  	_ =	swait.ge [sflag:s13], $0x1388  }
0x17: {  	[sflag:s13] =	ssyncset.done $0x0  }
0x18: {  	[sflag:s13] =	ssyncadd.s32 $0xFFFFEC78  }
0x19: {  	[tilespmem:s16], [sflag:$0x1] =	stream.indirect.gather [hbm4b:s2+s15], $0x80, s3, s15, $0xb8;
	[tilespmem:$0xF000] =	vst v63  }
0x1a: {  	_ = 	snop  }
0x1b: {  	[hbm4b:s7+s3] =	stream.linear.scatter [tilespmem:s17], [sflag:$0x4], $0x6400, $0x38;
	[tilespmem:$0xF000] =	vst v63  }
0x1c: {  	_ =	swait.ge [sflag:s18], $0x6400  }
0x1d: {  	[sflag:s18] =	ssyncset.done $0x0  }
0x1e: {  	s29 =	simm.s32 $0x1400;
	[sflag:s18] =	ssyncadd.s32 $0xFFFF9C00  }
0x1f: {  	[tilespmem:s16], [sflag:$0x1] =	stream.indirect.gather.add.f32 [hbm:s4], $0x80, s29, s15, $0xb8;
	[tilespmem:$0xF000] =	vst v63  }
0x20: {  	_ =	swait.ge [sflag:s19], $0x6400  }
0x21: {  	[sflag:s19] =	ssyncset.done $0x0  }
0x22: {  	s29 =	simm.s32 $0xC8;
	[sflag:s19] =	ssyncadd.s32 $0xFFFF9C00  }
0x23: {  	[tilespmem:s17], [sflag:$0x2] =	stream.indirect.gather [hbm4b:s2+s15], $0x80, s29, s15, $0xb8;
	[tilespmem:$0xF000] =	vst v63  }
0x24: {  	_ =	swait.ge [sflag:s18], $0x6400  }
0x25: {  	[sflag:s18] =	ssyncset.done $0x0  }
0x26: {  	s29 =	sadd.s32 $0xFFFFF380, s12;
	[sflag:s18] =	ssyncadd.s32 $0xFFFF9C00  }
0x27: {  	[hbm4b:s29+s3] =	stream.linear.scatter [tilespmem:s16], [sflag:$0x3], $0x6400, $0x38;
	[tilespmem:$0xF000] =	vst v63  }
0x28: {  	_ =	swait.ge [sflag:s20], $0x6400  }
0x29: {  	[sflag:s20] =	ssyncset.done $0x0  }
0x2a: {  	s29 =	simm.s32 $0x14C8;
	[sflag:s20] =	ssyncadd.s32 $0xFFFF9C00  }
0x2b: {  	[tilespmem:s17], [sflag:$0x2] =	stream.indirect.gather.add.f32 [hbm:s4], $0x80, s29, s15, $0xb8;
	[tilespmem:$0xF000] =	vst v63  }
0x2c: {  	_ =	swait.ge [sflag:s21], $0x6400  }
0x2d: {  	[sflag:s21] =	ssyncset.done $0x0  }
0x2e: {  	s29 =	simm.s32 $0x190;
	[sflag:s21] =	ssyncadd.s32 $0xFFFF9C00  }
0x2f: {  	[tilespmem:s16], [sflag:$0x1] =	stream.indirect.gather [hbm4b:s2+s15], $0x80, s29, s15, $0xb8;
	[tilespmem:$0xF000] =	vst v63  }
0x30: {  	_ =	swait.ge [sflag:s20], $0x6400  }
0x31: {  	s30 =	sadd.s32 $0x1900, s12;
	[sflag:s20] =	ssyncset.done $0x0  }
0x32: {  	s31 =	smov.u32 s12;
	s29 =	simm.s32 $0x640;
	[sflag:s20] =	ssyncadd.s32 $0xFFFF9C00  }
.LBB2_2:
0x33: {  	[hbm4b:s31+s3] =	stream.linear.scatter [tilespmem:s17], [sflag:$0x4], $0x6400, $0x38;
	[tilespmem:$0xF000] =	vst v63  }
0x34: {  	s0 =	smov.u32 s29;
	s31 =	smov.u32 s30  }
0x35: {  	p0 =	sne.s32 s29, $0x3E80;
	s29 =	sadd.s32 $0x640, s29;
	_ =	swait.ge [sflag:s18], $0x6400  }
0x36: {  	s0 =	sshra.s32 s0, $0x2;
	[sflag:s18] =	ssyncset.done $0x0  }
0x37: {  	s1 =	sadd.s32 $0x1400, s0;
	[sflag:s18] =	ssyncadd.s32 $0xFFFF9C00  }
0x38: {  	[tilespmem:s16], [sflag:$0x1] =	stream.indirect.gather.add.f32 [hbm:s4], $0x80, s1, s15, $0xb8;
	[tilespmem:$0xF000] =	vst v63  }
0x39: {  	_ =	swait.ge [sflag:s19], $0x6400  }
0x3a: {  	[sflag:s19] =	ssyncset.done $0x0  }
0x3b: {  	s1 =	sadd.s32 $0xC8, s0;
	[sflag:s19] =	ssyncadd.s32 $0xFFFF9C00  }
0x3c: {  	[tilespmem:s17], [sflag:$0x2] =	stream.indirect.gather [hbm4b:s2+s15], $0x80, s1, s15, $0xb8;
	[tilespmem:$0xF000] =	vst v63  }
0x3d: {  	_ =	swait.ge [sflag:s18], $0x6400  }
0x3e: {  	[sflag:s18] =	ssyncset.done $0x0  }
0x3f: {  	s1 =	sadd.s32 $0xFFFFF380, s30;
	[sflag:s18] =	ssyncadd.s32 $0xFFFF9C00  }
0x40: {  	[hbm4b:s1+s3] =	stream.linear.scatter [tilespmem:s16], [sflag:$0x3], $0x6400, $0x38;
	[tilespmem:$0xF000] =	vst v63  }
0x41: {  	_ =	swait.ge [sflag:s20], $0x6400  }
0x42: {  	[sflag:s20] =	ssyncset.done $0x0  }
0x43: {  	s1 =	sadd.s32 $0x14C8, s0;
	[sflag:s20] =	ssyncadd.s32 $0xFFFF9C00  }
0x44: {  	[tilespmem:s17], [sflag:$0x2] =	stream.indirect.gather.add.f32 [hbm:s4], $0x80, s1, s15, $0xb8;
	[tilespmem:$0xF000] =	vst v63  }
0x45: {  	_ =	swait.ge [sflag:s21], $0x6400  }
0x46: {  	[sflag:s21] =	ssyncset.done $0x0  }
.Ltmp0:
0x47: {  	s0 =	sadd.s32 $0x190, s0;
	[sflag:s21] =	ssyncadd.s32 $0xFFFF9C00;
	(pc) =	sbr.rel @p0 .LBB2_2-.Ltmp0, $4  }
0x48: {  	[tilespmem:s16], [sflag:$0x1] =	stream.indirect.gather [hbm4b:s2+s15], $0x80, s0, s15, $0xb8;
	[tilespmem:$0xF000] =	vst v63  }
0x49: {  	_ =	swait.ge [sflag:s20], $0x6400  }
0x4a: {  	[sflag:s20] =	ssyncset.done $0x0  }
0x4b: {  	s30 =	sadd.s32 $0x1900, s30;
	[sflag:s20] =	ssyncadd.s32 $0xFFFF9C00  }
0x4c: {  	[hbm4b:s31+s3] =	stream.linear.scatter [tilespmem:s17], [sflag:$0x4], $0x6400, $0x38;
	[tilespmem:$0xF000] =	vst v63  }
0x4d: {  	_ =	swait.ge [sflag:s18], $0x6400  }
0x4e: {  	[sflag:s18] =	ssyncset.done $0x0  }
0x4f: {  	[sflag:s18] =	ssyncadd.s32 $0xFFFF9C00  }
0x50: {  	[tilespmem:s16], [sflag:$0x1] =	stream.indirect.gather.add.f32 [hbm:s4], $0x80, s22, s15, $0xb8;
	[tilespmem:$0xF000] =	vst v63  }
0x51: {  	_ =	swait.ge [sflag:s19], $0x6400  }
0x52: {  	[sflag:s19] =	ssyncset.done $0x0  }
0x53: {  	[sflag:s19] =	ssyncadd.s32 $0xFFFF9C00  }
0x54: {  	[tilespmem:s17], [sflag:$0x2] =	stream.indirect.gather [hbm4b:s2+s15], $0x80, s23, s15, $0xb8;
	[tilespmem:$0xF000] =	vst v63  }
0x55: {  	_ =	swait.ge [sflag:s18], $0x6400  }
0x56: {  	[sflag:s18] =	ssyncset.done $0x0  }
0x57: {  	[sflag:s18] =	ssyncadd.s32 $0xFFFF9C00  }
0x58: {  	[hbm4b:s8+s3] =	stream.linear.scatter [tilespmem:s16], [sflag:$0x3], $0x6400, $0x38;
	[tilespmem:$0xF000] =	vst v63  }
0x59: {  	_ =	swait.ge [sflag:s20], $0x6400  }
0x5a: {  	[sflag:s20] =	ssyncset.done $0x0  }
0x5b: {  	[sflag:s20] =	ssyncadd.s32 $0xFFFF9C00  }
0x5c: {  	[tilespmem:s17], [sflag:$0x2] =	stream.indirect.gather.add.f32 [hbm:s4], $0x80, s24, s15, $0xb8;
	[tilespmem:$0xF000] =	vst v63  }
0x5d: {  	_ =	swait.ge [sflag:s21], $0x6400  }
0x5e: {  	[sflag:s21] =	ssyncset.done $0x0  }
0x5f: {  	[sflag:s21] =	ssyncadd.s32 $0xFFFF9C00  }
0x60: {  	[tilespmem:s16], [sflag:$0x1] =	stream.indirect.gather [hbm4b:s2+s15], $0x80, s25, s15, $0xb8;
	[tilespmem:$0xF000] =	vst v63  }
0x61: {  	_ =	swait.ge [sflag:s20], $0x6400  }
0x62: {  	[sflag:s20] =	ssyncset.done $0x0  }
0x63: {  	[sflag:s20] =	ssyncadd.s32 $0xFFFF9C00  }
0x64: {  	[hbm4b:s9+s3] =	stream.linear.scatter [tilespmem:s17], [sflag:$0x4], $0x6400, $0x38;
	[tilespmem:$0xF000] =	vst v63  }
0x65: {  	_ =	swait.ge [sflag:s18], $0x6400  }
0x66: {  	[sflag:s18] =	ssyncset.done $0x0  }
0x67: {  	[sflag:s18] =	ssyncadd.s32 $0xFFFF9C00  }
0x68: {  	[tilespmem:s16], [sflag:$0x1] =	stream.indirect.gather.add.f32 [hbm:s4], $0x80, s26, s15, $0xb8;
	[tilespmem:$0xF000] =	vst v63  }
0x69: {  	_ =	swait.ge [sflag:s18], $0x6400  }
0x6a: {  	[sflag:s18] =	ssyncset.done $0x0  }
0x6b: {  	s28 =	sadd.s32 $0x1, s28;
	[sflag:s18] =	ssyncadd.s32 $0xFFFF9C00  }
0x6c: {  	[hbm4b:s10+s3] =	stream.linear.scatter [tilespmem:s16], [sflag:$0x3], $0x6400, $0x38;
	[tilespmem:$0xF000] =	vst v63  }
0x6d: {  	p0 =	sne.s32 s28, s11;
	_ =	swait.ge [sflag:s19], $0x6400  }
.Ltmp1:
0x6e: {  	[sflag:s19] =	ssyncset.done $0x0;
	(pc) =	sbr.rel @p0 .LBB2_1-.Ltmp1, $4  }
0x6f: {  	[sflag:s19] =	ssyncadd.s32 $0xFFFF9C00  }
0x70: {  	_ =	swait.ge [sflag:s21], $0x6400  }
0x71: {  	[sflag:s21] =	ssyncset.done $0x0  }
0x72: {  	[sflag:s21] =	ssyncadd.s32 $0xFFFF9C00  }
0x73: {  	_ =	sfence.sel $0x180000  }
0x74: {  	[bflag:$0x0] =	sbarrier.arrive $0xFFFF  }
0x75: {  	_ =	strace $0x9000004D  }
0x76: {  	s0 =	stileid.u32;
	[bflag:$0x2] =	sbarrier.arrive $0xFFFF  }
0x77: {  	p0 =	sne.s32 s0, $0x0;
	s0 =	rddreg [dreg:$0x2]  }
0x78: {  	s0 =	sadd.s32 @!p0 $0x100000, s0  }
0x79: {  	[sflag:s0] =	ssyncadd.tile.s32 @!p0 $0x1;
	_ =	shalt  }
.Lfunc_end2:
_tile_overlayer_lowered:
.L_overlay_start_2:
0x7a: {  	(tag) =	ssettag $0x2  }
0x7b: {  	s0 =	rddreg [dreg:$0x0];
	s2 =	stileid.u32  }
0x7c: {  	s1 =	rddreg [dreg:$0x1];
	p0 =	sne.s32 s2, $0x0  }
0x7d: {  	s3 =	rddreg [dreg:$0x2];
	[bflag:$0x3] =	sbarrier.arrive $0xFFFF;
	s2 =	simm.s32 @!p0 $0x1C05  }
0x7e: {  	[timem:s3], [sflag:s2] =	dma.local @!p0 [hbm:s0], s1  }
0x7f: {  	s0 =	simm.s32 @!p0 $0x5  }
0x80: {  	_ =	swait.ge @!p0 [sflag:s0], s1  }
0x81: {  	s1 =	ssub.s32 @!p0 $0x0, s1;
	[sflag:s0] =	ssyncset.done @!p0 $0x0  }
0x82: {  	[sflag:s0] =	ssyncadd.s32 @!p0 s1  }
0x83: {  	[bflag:$0x3] =	sbarrier.arrive $0xFFFF  }
0x84: {  	_ =	shalt  }

// kernel: kernel.19.cloned.1.call-start
scs
__scs_entry_jumppad:
0x0: {  	(pc) =	sbr.rel $0x88, $3  }
0x1: {  	(tag) =	ssettag $0x0;
	lr =	simm.s32 $0x1  }
0x2: {  	[smem:$0x3F92] =	sst lr;
	_ =	strace $0xD0000000  }
0x3: {  	_ = 	snop  }
0x4: {  	_ = 	snop  }
0x5: {  	_ = 	snop  }
0x6: {  	_ = 	snop  }
0x7: {  	_ = 	snop  }
__scs_overlays_trampoline_lowered:
0x8: {  	[smem:$0x3FA1] =	sst s0  }
0x9: {  	[smem:$0x3FA2] =	sst s1  }
0xa: {  	[smem:$0x3FA3] =	sst s2  }
0xb: {  	[smem:$0x3FA4] =	sst s3  }
0xc: {  	[smem:$0x3FA5] =	sst s4  }
0xd: {  	[smem:$0x3FA6] =	sst s5  }
0xe: {  	[smem:$0x3FA7] =	sst s6  }
0xf: {  	[smem:$0x3FA8] =	sst s7  }
0x10: {  	[smem:$0x3FA9] =	sst s8  }
0x11: {  	[smem:$0x3FAA] =	sst s9;
	s0 =	simm.s32 @!p0 $0x0  }
0x12: {  	s1 =	sld [smem:$0x3F90];
	s0 =	simm.s32 @p0 $0x1  }
0x13: {  	[smem:$0x3FAB] =	sst s0;
	s0 =	simm.s32 @!p1 $0x0  }
0x14: {  	s2 =	sld [smem:$0x3F8F];
	s0 =	simm.s32 @p1 $0x1  }
0x15: {  	[smem:$0x3FAC] =	sst s0;
	s0 =	simm.s32 @!p2 $0x0  }
0x16: {  	s3 =	sld [smem:$0x3FDB];
	s0 =	simm.s32 @p2 $0x1  }
0x17: {  	s4 =	simm.s32 $0x1BF5;
	[smem:$0x3FAE] =	sst s0  }
0x18: {  	s0 =	sld [smem:$0x3F91];
	_ =	swait.ge [sflag:s4], $0x0  }
0x19: {  	s7 =	sld [smem:$0x3F92]  }
0x1a: {  	s8 =	sadd.s32 $0xFFFFE003, lr  }
0x1b: {  	s9 =	sadd.s32 $0xFFFFFEF7, lr;
	s5 =	simm.s32 $0xFFFFFFFF;
	p2 =	slt.u32 s8, $0xFFFFF086  }
0x1c: {  	p1 =	slt.u32 s9, $0xF7A;
	s5 =	simm.s32 @!p2 $0x0  }
0x1d: {  	s5 =	simm.s32 @p1 $0x1;
	p0 =	seq.s32 s7, s2  }
0x1e: {  	s7 =	smul.u32 @!p0 $0xF7A, s2;
	p2 =	seq.s32 @!p0 s5, $0x0  }
0x1f: {  	s9 =	smul.u32 $0xF7A, s1;
	s8 =	simm.s32 @!p0 $0x1BF5;
	p2 =	por !p2, p0  }
0x20: {  	[sflag:s8] =	ssyncset.s32 @!p0 $0xFFFFF086;
	s6 =	sadd.s32 @!p0 s3, s7;
	s7 =	simm.s32 @!p0 $0x108  }
0x21: {  	s3 =	sadd.s32 s3, s9;
	s6 =	sadd.s32 @!p0 $0x88, s6;
	s7 =	simm.s32 @p2 $0x1082  }
0x22: {  	[simem:s7], [sflag:s8] =	dma.local @!p0 [hbm:s6], $0xF7A  }
0x23: {  	s9 =	sor.u32 $0xD0000000, s2;
	s6 =	simm.s32 $0x108;
	_ =	swait.ge @!p0 [sflag:s8], $0x0  }
0x24: {  	s3 =	sadd.s32 $0x88, s3;
	s6 =	simm.s32 @!p1 $0x1082;
	[sflag:s4] =	ssyncset.s32 $0xFFFFF086  }
0x25: {  	[simem:s6], [sflag:s4] =	dma.local [hbm:s3], $0xF7A  }
0x26: {  	[smem:$0x3F92] =	sst s1;
	(tag) =	ssettag s2;
	_ =	strace s9  }
0x27: {  	s1 =	sld [smem:$0x3FA2]  }
0x28: {  	s2 =	sld [smem:$0x3FA3]  }
0x29: {  	s4 =	sld [smem:$0x3FA5]  }
0x2a: {  	p0 =	seq.s32 s5, $0x0;
	s5 =	sld [smem:$0x3FA6]  }
0x2b: {  	s6 =	sld [smem:$0x3FA7]  }
0x2c: {  	s7 =	sld [smem:$0x3FA8]  }
0x2d: {  	s3 =	simm.s32 $0x108;
	s8 =	sld [smem:$0x3FA9]  }
0x2e: {  	s3 =	simm.s32 @!p0 $0x1082;
	s9 =	sld [smem:$0x3FAA]  }
0x2f: {  	lr =	sadd.s32 s0, s3;
	s0 =	sld [smem:$0x3FA1]  }
0x30: {  	s3 =	sld [smem:$0x3FA4]  }
0x31: {  	[smem:$0x3FAD] =	sst s10  }
0x32: {  	s10 =	sld [smem:$0x3FAB];
	_ =	sdelay $0x3  }
0x33: {  	p0 =	seq.s32 s10, $0x1;
	s10 =	sld [smem:$0x3FAD];
	_ =	sdelay $0x3  }
0x34: {  	[smem:$0x3FAD] =	sst s10  }
0x35: {  	s10 =	sld [smem:$0x3FAC];
	_ =	sdelay $0x3  }
0x36: {  	p1 =	seq.s32 s10, $0x1;
	s10 =	sld [smem:$0x3FAD];
	_ =	sdelay $0x3  }
0x37: {  	[smem:$0x3FAD] =	sst s10  }
0x38: {  	s10 =	sld [smem:$0x3FAE]  }
0x39: {  	_ = 	snop;
	(pc) =	sbr.ind lr, $3  }
0x3a: {  	_ = 	snop  }
0x3b: {  	_ = 	snop  }
0x3c: {  	p2 =	seq.s32 s10, $0x1;
	s10 =	sld [smem:$0x3FAD]  }
0x3d: {  	_ =	shalt  }
0x3e: {  	_ =	shalt  }
0x3f: {  	_ =	shalt  }
0x40: {  	_ =	shalt  }
0x41: {  	_ =	shalt  }
0x42: {  	_ =	shalt  }
0x43: {  	_ =	shalt  }
0x44: {  	_ =	shalt  }
0x45: {  	_ =	shalt  }
0x46: {  	_ =	shalt  }
0x47: {  	_ =	shalt  }
0x48: {  	_ =	shalt  }
0x49: {  	_ =	shalt  }
0x4a: {  	_ =	shalt  }
0x4b: {  	_ =	shalt  }
0x4c: {  	_ =	shalt  }
0x4d: {  	_ =	shalt  }
0x4e: {  	_ =	shalt  }
0x4f: {  	_ =	shalt  }
0x50: {  	_ =	shalt  }
0x51: {  	_ =	shalt  }
0x52: {  	_ =	shalt  }
0x53: {  	_ =	shalt  }
0x54: {  	_ =	shalt  }
0x55: {  	_ =	shalt  }
0x56: {  	_ =	shalt  }
0x57: {  	_ =	shalt  }
0x58: {  	_ =	shalt  }
0x59: {  	_ =	shalt  }
0x5a: {  	_ =	shalt  }
0x5b: {  	_ =	shalt  }
0x5c: {  	_ =	shalt  }
0x5d: {  	_ =	shalt  }
0x5e: {  	_ =	shalt  }
0x5f: {  	_ =	shalt  }
0x60: {  	_ =	shalt  }
0x61: {  	_ =	shalt  }
0x62: {  	_ =	shalt  }
0x63: {  	_ =	shalt  }
0x64: {  	_ =	shalt  }
0x65: {  	_ =	shalt  }
0x66: {  	_ =	shalt  }
0x67: {  	_ =	shalt  }
0x68: {  	_ =	shalt  }
0x69: {  	_ =	shalt  }
0x6a: {  	_ =	shalt  }
0x6b: {  	_ =	shalt  }
0x6c: {  	_ =	shalt  }
0x6d: {  	_ =	shalt  }
0x6e: {  	_ =	shalt  }
0x6f: {  	_ =	shalt  }
0x70: {  	_ =	shalt  }
0x71: {  	_ =	shalt  }
0x72: {  	_ =	shalt  }
0x73: {  	_ =	shalt  }
0x74: {  	_ =	shalt  }
0x75: {  	_ =	shalt  }
0x76: {  	_ =	shalt  }
0x77: {  	_ =	shalt  }
0x78: {  	_ =	shalt  }
0x79: {  	_ =	shalt  }
0x7a: {  	_ =	shalt  }
0x7b: {  	_ =	shalt  }
0x7c: {  	_ =	shalt  }
0x7d: {  	_ =	shalt  }
0x7e: {  	_ =	shalt  }
0x7f: {  	_ =	shalt  }
0x80: {  	_ =	shalt  }
0x81: {  	_ =	shalt  }
0x82: {  	_ =	shalt  }
0x83: {  	_ =	shalt  }
0x84: {  	_ =	shalt  }
0x85: {  	_ =	shalt  }
0x86: {  	_ =	shalt  }
0x87: {  	_ =	shalt  }
.Lfunc_end0:
.L_simem_size_0:
called_computation.3_lowered:
.L_overlay_start_0:
0x88: {  	s2 =	sld [smem:$0x3FD9]  }
0x89: {  	s3 =	sld [smem:$0x3FFE];
	_ =	sdelay $0x1  }
0x8a: {  	s1 =	srdreg.scid  }
0x8b: {  	s0 =	sand.u32 $0x1, s1  }
0x8c: {  	s17 =	sshll.u32 s0, $0xA;
	s2 =	sadd.s32 s3, s2  }
0x8d: {  	s2 =	sadd.s32 s2, s17  }
0x8e: {  	[smem:$0x3FB9] =	sst s2  }
0x8f: {  	_ = 	snop  }
0x90: {  	s18 =	sld [smem:$0x3FD0];
	(tm) =	ssettm $0x1  }
0x91: {  	s19 =	sld [smem:$0x3FFB];
	_ =	sdelay $0x3  }
0x92: {  	_ =	strace s19  }
0x93: {  	s2 =	sld [smem:$0x3FFC];
	_ =	sdelay $0x3  }
0x94: {  	_ =	strace s2  }
0x95: {  	s2 =	sld [smem:$0x3FFD];
	_ =	sdelay $0x3  }
0x96: {  	_ =	strace s2  }
0x97: {  	_ =	strace $0x8FFFFFFF  }
0x98: {  	s20 =	sld [smem:$0x3FDB];
	_ =	sdelay $0x1  }
0x99: {  	s4 =	simm.s32 $_scs_section_size  }
0x9a: {  	s5 =	simm.s32 $_size__tile_overlayer_lowered;
	s6 =	simm.s32 $_tile_overlayer_lowered  }
0x9b: {  	s7 =	simm.s32 $0x1BFF;
	s21 =	sshll.u32 s6, $0x1;
	s4 =	sadd.s32 s4, s20  }
0x9c: {  	s22 =	simm.s32 $0x0;
	s5 =	sshll.u32 s5, $0x1;
	s6 =	sadd.s32 s21, s4  }
0x9d: {  	[timem:s22], [sflag:s7] =	dma.local [hbm:s6], s5  }
0x9e: {  	_ =	swait.ge [sflag:s7], s5  }
0x9f: {  	s5 =	ssub.s32 $0x0, s5;
	[sflag:s7] =	ssyncset.done $0x0  }
0xa0: {  	[sflag:s7] =	ssyncadd.s32 s5;
	_ =	sdelay $0x1  }
0xa1: {  	s23 =	simm.s32 $0x1B8B  }
0xa2: {  	_ =	swait.ge [sflag:s23], $0x1  }
0xa3: {  	[sflag:s23] =	ssyncset.done $0x0  }
0xa4: {  	[sflag:s23] =	ssyncadd.s32 $0xFFFFFFFF  }
0xa5: {  	s5 =	sld [smem:$0x0]  }
0xa6: {  	s6 =	sand.u32 $0xFFFFFFFE, s1  }
0xa7: {  	p0 =	sne.s32 s1, s6  }
0xa8: {  	s6 =	sshll.u32 @p0 s6, $0xE  }
0xa9: {  	s6 =	sadd.s32 @p0 $0x11B8D, s6;
	s7 =	sshll.u32 @p0 s5, $0x11  }
0xaa: {  	s6 =	sor.u32 @p0 s7, s6  }
0xab: {  	[sflag:s6] =	ssyncadd.remote.s32 @p0 $0x1;
	_ =	sdelay $0x1  }
0xac: {  	s6 =	simm.s32 @p0 $0x1B8D  }
0xad: {  	_ =	swait.eq @p0 [sflag:s6], $0x1  }
0xae: {  	[sflag:s6] =	ssyncadd.s32 @p0 $0xFFFFFFFF  }
0xaf: {  	s7 =	sshll.u32 @!p0 s1, $0xE  }
0xb0: {  	s7 =	sor.u32 @!p0 $0x4000, s7;
	s6 =	simm.s32 @!p0 $0x1B8D  }
0xb1: {  	s5 =	sshll.u32 @!p0 s5, $0x11;
	s7 =	sadd.s32 @!p0 $0x11B8D, s7;
	_ =	swait.eq @!p0 [sflag:s6], $0x1  }
0xb2: {  	s5 =	sor.u32 @!p0 s5, s7;
	[sflag:s6] =	ssyncadd.s32 @!p0 $0xFFFFFFFF  }
0xb3: {  	s25 =	simm.s32 $0x1B8E;
	s24 =	sld [smem:$0x3FFE];
	[sflag:s5] =	ssyncadd.remote.s32 @!p0 $0x1  }
0xb4: {  	s26 =	simm.s32 $execute0_lowered;
	[smem:$0x3FD2] =	sst s25  }
0xb5: {  	s6 =	sshll.u32 s26, $0x1;
	_ =	strace $0x8000004F;
	[dreg:$0x1] =	wrdreg $0xFFFFFFFF  }
0xb6: {  	s28 =	simm.s32 $_size_execute0_lowered;
	s4 =	sadd.s32 s4, s6;
	[dreg:$0x0] =	wrdreg $0x0  }
0xb7: {  	s6 =	sshll.u32 s28, $0x1;
	[dreg:$0x2] =	wrdreg s4  }
0xb8: {  	[dreg:$0x3] =	wrdreg s6  }
0xb9: {  	[dreg:$0x4] =	wrdreg $0xC0  }
0xba: {  	_ =	task [dreg:s22], $0x5FFFF  }
0xbb: {  	[dreg:$0x1] =	wrdreg $0xFFFFFFFF  }
0xbc: {  	[dreg:$0x0] =	wrdreg $0x60  }
0xbd: {  	[dreg:$0x2] =	wrdreg s18  }
0xbe: {  	[dreg:$0x3] =	wrdreg s24  }
0xbf: {  	[dreg:$0x4] =	wrdreg $0xA  }
0xc0: {  	_ =	task.clear_ibuf [dreg:s22], $0x5FFFF;
	_ =	strace $0x9000004F  }
0xc1: {  	s29 =	simm.s32 $0xA;
	_ =	strace $0x80000051  }
0xc2: {  	_ =	swait.ge [sflag:s29], $0x1  }
0xc3: {  	[sflag:s29] =	ssyncadd.s32 $0xFFFFFFFF  }
0xc4: {  	_ =	strace $0x90000051  }
0xc5: {  	_ =	sfence  }
0xc6: {  	s30 =	sld [smem:$0x0];
	_ =	sdelay $0x2  }
0xc7: {  	s31 =	sshll.u32 s1, $0xD;
	s1 =	sshrl.u32 s1, $0x2  }
0xc8: {  	s4 =	sand.u32 $0x4000, s31;
	s1 =	sadd.s32 s1, s30  }
0xc9: {  	s0 =	sor.u32 s4, s0;
	s1 =	sshll.u32 s1, $0x11  }
0xca: {  	s0 =	sor.u32 s1, s0  }
0xcb: {  	s0 =	sadd.s32 $0x8F2B, s0  }
0xcc: {  	[sflag:s0] =	ssyncadd.remote.s32 $0x1  }
0xcd: {  	_ =	sfence.sel $0xFFFF  }
0xce: {  	[dreg:$0x0] =	wrdreg $0xFFFFFFFF;
	(pc) =	sbr.abs _section_cstart, $3  }
0xcf: {  	[dreg:$0x1] =	wrdreg $0xFFFFFFFF  }
0xd0: {  	_ =	task.clear_ibuf [dreg:s22], $0x2FFFF;
	_ =	strace $0x9FFFFFFF  }
0xd1: {  	(tm) =	ssettm $0x7FFFFFFF  }
tec
execute0_lowered:
.L_overlay_start_1:
0x0: {  	(tag) =	ssettag $0x1  }
0x1: {  	s1 =	rddreg [dreg:$0x0]  }
0x2: {  	s5 =	rddreg [dreg:$0x1]  }
0x3: {  	s2 =	srdreg.scid;
	s3 =	simm.s32 $0x0;
	s0 =	stileid.u32  }
0x4: {  	s14 =	simm.s32 $0x1400;
	s15 =	simm.s32 $0xC8;
	s16 =	simm.s32 $0x2800  }
0x5: {  	s17 =	simm.s32 $0x8C00;
	s18 =	simm.s32 $0x1;
	s19 =	simm.s32 $0x4  }
0x6: {  	s20 =	simm.s32 $0x2;
	s21 =	simm.s32 $0x3;
	s22 =	simm.s32 $0x2530  }
0x7: {  	s23 =	simm.s32 $0x11F8;
	s24 =	simm.s32 $0x25F8;
	s25 =	simm.s32 $0x12C0  }
0x8: {  	s26 =	simm.s32 $0x26C0;
	s28 =	simm.s32 $0x0;
	s8 =	smul.u32 $0x1388, s0  }
0x9: {  	s6 =	sand.u32 $0x1, s2;
	[smem:$0x7FF] =	sst s3;
	s13 =	smul.u32 $0x13880, s0  }
0xa: {  	s4 =	sadd.s32 $0x17400, s5;
	s7 =	smul.u32 $0x13880, s6;
	s9 =	ssub.s32 $0x2, s6  }
0xb: {  	s29 =	sadd.s32 $0x2AF600, s5;
	s31 =	smul.u32 $0x138800, s6;
	s10 =	sshrl.u32 s9, $0x1  }
0xc: {  	_ =	strace $0x80000050;
	s7 =	sadd.s32 s8, s7;
	s11 =	ssub.s32 s9, s10  }
0xd: {  	s10 =	sadd.s32 s31, s29;
	s30 =	sshrl.u32 s7, $0x3;
	s7 =	sshll.u32 s7, $0x4  }
0xe: {  	s13 =	sadd.s32 s13, s10;
	s11 =	smax.u32 s11, $0x1;
	s9 =	sadd.s32 s5, s30  }
0xf: {  	s12 =	sadd.s32 s29, s7;
	s5 =	sadd.s32 $0x8620, s9;
	s6 =	sadd.s32 $0x12420, s9  }
0x10: {  	s7 =	sadd.s32 $0xC80, s12;
	s8 =	sadd.s32 $0x11300, s12;
	s9 =	sadd.s32 $0x11F80, s12  }
0x11: {  	s10 =	sadd.s32 $0x12C00, s12;
	s12 =	sadd.s32 $0xC80, s13;
	s13 =	simm.s32 $0x5  }
.LBB2_1:
0x12: {  	[tilespmem:s3], [sflag:$0x5] =	stream.linear.gather [hbm4b:s5+s3], $0x1388, $0x38;
	[tilespmem:$0xF000] =	vst v63  }
0x13: {  	_ =	swait.ge [sflag:s13], $0x1388  }
0x14: {  	[sflag:s13] =	ssyncset.done $0x0  }
0x15: {  	[sflag:s13] =	ssyncadd.s32 $0xFFFFEC78  }
0x16: {  	[tilespmem:s14], [sflag:$0x5] =	stream.linear.gather [hbm4b:s6+s3], $0x1388, $0x38;
	[tilespmem:$0xF000] =	vst v63  }
0x17: {  	_ =	swait.ge [sflag:s13], $0x1388  }
0x18: {  	[sflag:s13] =	ssyncset.done $0x0  }
0x19: {  	[sflag:s13] =	ssyncadd.s32 $0xFFFFEC78  }
0x1a: {  	[tilespmem:s16], [sflag:$0x1] =	stream.indirect.gather [hbm4b:s1+s15], $0x80, s3, s15, $0xb8;
	[tilespmem:$0xF000] =	vst v63  }
0x1b: {  	_ = 	snop  }
0x1c: {  	[hbm4b:s7+s3] =	stream.linear.scatter [tilespmem:s17], [sflag:$0x4], $0x6400, $0x38;
	[tilespmem:$0xF000] =	vst v63  }
0x1d: {  	_ =	swait.ge [sflag:s18], $0x6400  }
0x1e: {  	[sflag:s18] =	ssyncset.done $0x0  }
0x1f: {  	s29 =	simm.s32 $0x1400;
	[sflag:s18] =	ssyncadd.s32 $0xFFFF9C00  }
0x20: {  	[tilespmem:s16], [sflag:$0x1] =	stream.indirect.gather.add.f32 [hbm:s4], $0x80, s29, s15, $0xb8;
	[tilespmem:$0xF000] =	vst v63  }
0x21: {  	_ =	swait.ge [sflag:s19], $0x6400  }
0x22: {  	[sflag:s19] =	ssyncset.done $0x0  }
0x23: {  	s29 =	simm.s32 $0xC8;
	[sflag:s19] =	ssyncadd.s32 $0xFFFF9C00  }
0x24: {  	[tilespmem:s17], [sflag:$0x2] =	stream.indirect.gather [hbm4b:s1+s15], $0x80, s29, s15, $0xb8;
	[tilespmem:$0xF000] =	vst v63  }
0x25: {  	_ =	swait.ge [sflag:s18], $0x6400  }
0x26: {  	[sflag:s18] =	ssyncset.done $0x0  }
0x27: {  	s29 =	sadd.s32 $0xFFFFF380, s12;
	[sflag:s18] =	ssyncadd.s32 $0xFFFF9C00  }
0x28: {  	[hbm4b:s29+s3] =	stream.linear.scatter [tilespmem:s16], [sflag:$0x3], $0x6400, $0x38;
	[tilespmem:$0xF000] =	vst v63  }
0x29: {  	_ =	swait.ge [sflag:s20], $0x6400  }
0x2a: {  	[sflag:s20] =	ssyncset.done $0x0  }
0x2b: {  	s29 =	simm.s32 $0x14C8;
	[sflag:s20] =	ssyncadd.s32 $0xFFFF9C00  }
0x2c: {  	[tilespmem:s17], [sflag:$0x2] =	stream.indirect.gather.add.f32 [hbm:s4], $0x80, s29, s15, $0xb8;
	[tilespmem:$0xF000] =	vst v63  }
0x2d: {  	_ =	swait.ge [sflag:s21], $0x6400  }
0x2e: {  	[sflag:s21] =	ssyncset.done $0x0  }
0x2f: {  	s29 =	simm.s32 $0x190;
	[sflag:s21] =	ssyncadd.s32 $0xFFFF9C00  }
0x30: {  	[tilespmem:s16], [sflag:$0x1] =	stream.indirect.gather [hbm4b:s1+s15], $0x80, s29, s15, $0xb8;
	[tilespmem:$0xF000] =	vst v63  }
0x31: {  	_ =	swait.ge [sflag:s20], $0x6400  }
0x32: {  	s30 =	sadd.s32 $0x1900, s12;
	[sflag:s20] =	ssyncset.done $0x0  }
0x33: {  	s31 =	smov.u32 s12;
	s29 =	simm.s32 $0x640;
	[sflag:s20] =	ssyncadd.s32 $0xFFFF9C00  }
.LBB2_2:
0x34: {  	[hbm4b:s31+s3] =	stream.linear.scatter [tilespmem:s17], [sflag:$0x4], $0x6400, $0x38;
	[tilespmem:$0xF000] =	vst v63  }
0x35: {  	s0 =	smov.u32 s29;
	s31 =	smov.u32 s30  }
0x36: {  	p0 =	sne.s32 s29, $0x3E80;
	s29 =	sadd.s32 $0x640, s29;
	_ =	swait.ge [sflag:s18], $0x6400  }
0x37: {  	s0 =	sshra.s32 s0, $0x2;
	[sflag:s18] =	ssyncset.done $0x0  }
0x38: {  	s2 =	sadd.s32 $0x1400, s0;
	[sflag:s18] =	ssyncadd.s32 $0xFFFF9C00  }
0x39: {  	[tilespmem:s16], [sflag:$0x1] =	stream.indirect.gather.add.f32 [hbm:s4], $0x80, s2, s15, $0xb8;
	[tilespmem:$0xF000] =	vst v63  }
0x3a: {  	_ =	swait.ge [sflag:s19], $0x6400  }
0x3b: {  	[sflag:s19] =	ssyncset.done $0x0  }
0x3c: {  	s2 =	sadd.s32 $0xC8, s0;
	[sflag:s19] =	ssyncadd.s32 $0xFFFF9C00  }
0x3d: {  	[tilespmem:s17], [sflag:$0x2] =	stream.indirect.gather [hbm4b:s1+s15], $0x80, s2, s15, $0xb8;
	[tilespmem:$0xF000] =	vst v63  }
0x3e: {  	_ =	swait.ge [sflag:s18], $0x6400  }
0x3f: {  	[sflag:s18] =	ssyncset.done $0x0  }
0x40: {  	s2 =	sadd.s32 $0xFFFFF380, s30;
	[sflag:s18] =	ssyncadd.s32 $0xFFFF9C00  }
0x41: {  	[hbm4b:s2+s3] =	stream.linear.scatter [tilespmem:s16], [sflag:$0x3], $0x6400, $0x38;
	[tilespmem:$0xF000] =	vst v63  }
0x42: {  	_ =	swait.ge [sflag:s20], $0x6400  }
0x43: {  	[sflag:s20] =	ssyncset.done $0x0  }
0x44: {  	s2 =	sadd.s32 $0x14C8, s0;
	[sflag:s20] =	ssyncadd.s32 $0xFFFF9C00  }
0x45: {  	[tilespmem:s17], [sflag:$0x2] =	stream.indirect.gather.add.f32 [hbm:s4], $0x80, s2, s15, $0xb8;
	[tilespmem:$0xF000] =	vst v63  }
0x46: {  	_ =	swait.ge [sflag:s21], $0x6400  }
0x47: {  	[sflag:s21] =	ssyncset.done $0x0  }
.Ltmp0:
0x48: {  	s0 =	sadd.s32 $0x190, s0;
	[sflag:s21] =	ssyncadd.s32 $0xFFFF9C00;
	(pc) =	sbr.rel @p0 .LBB2_2-.Ltmp0, $4  }
0x49: {  	[tilespmem:s16], [sflag:$0x1] =	stream.indirect.gather [hbm4b:s1+s15], $0x80, s0, s15, $0xb8;
	[tilespmem:$0xF000] =	vst v63  }
0x4a: {  	_ =	swait.ge [sflag:s20], $0x6400  }
0x4b: {  	[sflag:s20] =	ssyncset.done $0x0  }
0x4c: {  	s30 =	sadd.s32 $0x1900, s30;
	[sflag:s20] =	ssyncadd.s32 $0xFFFF9C00  }
0x4d: {  	[hbm4b:s31+s3] =	stream.linear.scatter [tilespmem:s17], [sflag:$0x4], $0x6400, $0x38;
	[tilespmem:$0xF000] =	vst v63  }
0x4e: {  	_ =	swait.ge [sflag:s18], $0x6400  }
0x4f: {  	[sflag:s18] =	ssyncset.done $0x0  }
0x50: {  	[sflag:s18] =	ssyncadd.s32 $0xFFFF9C00  }
0x51: {  	[tilespmem:s16], [sflag:$0x1] =	stream.indirect.gather.add.f32 [hbm:s4], $0x80, s22, s15, $0xb8;
	[tilespmem:$0xF000] =	vst v63  }
0x52: {  	_ =	swait.ge [sflag:s19], $0x6400  }
0x53: {  	[sflag:s19] =	ssyncset.done $0x0  }
0x54: {  	[sflag:s19] =	ssyncadd.s32 $0xFFFF9C00  }
0x55: {  	[tilespmem:s17], [sflag:$0x2] =	stream.indirect.gather [hbm4b:s1+s15], $0x80, s23, s15, $0xb8;
	[tilespmem:$0xF000] =	vst v63  }
0x56: {  	_ =	swait.ge [sflag:s18], $0x6400  }
0x57: {  	[sflag:s18] =	ssyncset.done $0x0  }
0x58: {  	[sflag:s18] =	ssyncadd.s32 $0xFFFF9C00  }
0x59: {  	[hbm4b:s8+s3] =	stream.linear.scatter [tilespmem:s16], [sflag:$0x3], $0x6400, $0x38;
	[tilespmem:$0xF000] =	vst v63  }
0x5a: {  	_ =	swait.ge [sflag:s20], $0x6400  }
0x5b: {  	[sflag:s20] =	ssyncset.done $0x0  }
0x5c: {  	[sflag:s20] =	ssyncadd.s32 $0xFFFF9C00  }
0x5d: {  	[tilespmem:s17], [sflag:$0x2] =	stream.indirect.gather.add.f32 [hbm:s4], $0x80, s24, s15, $0xb8;
	[tilespmem:$0xF000] =	vst v63  }
0x5e: {  	_ =	swait.ge [sflag:s21], $0x6400  }
0x5f: {  	[sflag:s21] =	ssyncset.done $0x0  }
0x60: {  	[sflag:s21] =	ssyncadd.s32 $0xFFFF9C00  }
0x61: {  	[tilespmem:s16], [sflag:$0x1] =	stream.indirect.gather [hbm4b:s1+s15], $0x80, s25, s15, $0xb8;
	[tilespmem:$0xF000] =	vst v63  }
0x62: {  	_ =	swait.ge [sflag:s20], $0x6400  }
0x63: {  	[sflag:s20] =	ssyncset.done $0x0  }
0x64: {  	[sflag:s20] =	ssyncadd.s32 $0xFFFF9C00  }
0x65: {  	[hbm4b:s9+s3] =	stream.linear.scatter [tilespmem:s17], [sflag:$0x4], $0x6400, $0x38;
	[tilespmem:$0xF000] =	vst v63  }
0x66: {  	_ =	swait.ge [sflag:s18], $0x6400  }
0x67: {  	[sflag:s18] =	ssyncset.done $0x0  }
0x68: {  	[sflag:s18] =	ssyncadd.s32 $0xFFFF9C00  }
0x69: {  	[tilespmem:s16], [sflag:$0x1] =	stream.indirect.gather.add.f32 [hbm:s4], $0x80, s26, s15, $0xb8;
	[tilespmem:$0xF000] =	vst v63  }
0x6a: {  	_ =	swait.ge [sflag:s18], $0x6400  }
0x6b: {  	[sflag:s18] =	ssyncset.done $0x0  }
0x6c: {  	s28 =	sadd.s32 $0x1, s28;
	[sflag:s18] =	ssyncadd.s32 $0xFFFF9C00  }
0x6d: {  	[hbm4b:s10+s3] =	stream.linear.scatter [tilespmem:s16], [sflag:$0x3], $0x6400, $0x38;
	[tilespmem:$0xF000] =	vst v63  }
0x6e: {  	p0 =	sne.s32 s28, s11;
	_ =	swait.ge [sflag:s19], $0x6400  }
.Ltmp1:
0x6f: {  	[sflag:s19] =	ssyncset.done $0x0;
	(pc) =	sbr.rel @p0 .LBB2_1-.Ltmp1, $4  }
0x70: {  	[sflag:s19] =	ssyncadd.s32 $0xFFFF9C00  }
0x71: {  	_ =	swait.ge [sflag:s21], $0x6400  }
0x72: {  	[sflag:s21] =	ssyncset.done $0x0  }
0x73: {  	[sflag:s21] =	ssyncadd.s32 $0xFFFF9C00  }
0x74: {  	_ =	sfence.sel $0x180000  }
0x75: {  	[bflag:$0x0] =	sbarrier.arrive $0xFFFF  }
0x76: {  	_ =	strace $0x90000050  }
0x77: {  	s0 =	stileid.u32;
	[bflag:$0x2] =	sbarrier.arrive $0xFFFF  }
0x78: {  	p0 =	sne.s32 s0, $0x0;
	s0 =	rddreg [dreg:$0x2]  }
0x79: {  	s0 =	sadd.s32 @!p0 $0x100000, s0  }
0x7a: {  	[sflag:s0] =	ssyncadd.tile.s32 @!p0 $0x1;
	_ =	shalt  }
.Lfunc_end2:
_tile_overlayer_lowered:
.L_overlay_start_2:
0x7b: {  	(tag) =	ssettag $0x2  }
0x7c: {  	s0 =	rddreg [dreg:$0x0];
	s2 =	stileid.u32  }
0x7d: {  	s1 =	rddreg [dreg:$0x1];
	p0 =	sne.s32 s2, $0x0  }
0x7e: {  	s3 =	rddreg [dreg:$0x2];
	[bflag:$0x3] =	sbarrier.arrive $0xFFFF;
	s2 =	simm.s32 @!p0 $0x1C05  }
0x7f: {  	[timem:s3], [sflag:s2] =	dma.local @!p0 [hbm:s0], s1  }
0x80: {  	s0 =	simm.s32 @!p0 $0x5  }
0x81: {  	_ =	swait.ge @!p0 [sflag:s0], s1  }
0x82: {  	s1 =	ssub.s32 @!p0 $0x0, s1;
	[sflag:s0] =	ssyncset.done @!p0 $0x0  }
0x83: {  	[sflag:s0] =	ssyncadd.s32 @!p0 s1  }
0x84: {  	[bflag:$0x3] =	sbarrier.arrive $0xFFFF  }
0x85: {  	_ =	shalt  }

</sc_bundles>
